<compile_context>
chip_gen: v7x
topology: tpu7x:2x2x1
jax: 0.10.2.dev20260603
libtpu: 0.0.44.dev20260713+nightly
codegen_flags: <defaults>
</compile_context>

<pallas_src>
import functools

import jax
import jax.numpy as jnp
from jax import lax
from jax.experimental import pallas as pl
from jax.experimental.pallas import tpu as pltpu
from jax.experimental.pallas import tpu_sc as plsc

B = 4096
L = 32
V = 185
PAD = 184
S1 = 256
S2 = 64
KW = 192
NH = 4
HW = NH * KW
BB = 2048
NW = 32
SPT = B // NW
RND = 32


def _sc_hist_body(idx_hbm, col_hbm, sob_hbm, h_hbm, idx_v, col_v, sob_v,
                  h_a, h_b, sem):
    cc = lax.axis_index("c")
    ss = lax.axis_index("s")
    wid = ss * 2 + cc
    base = wid * SPT
    in1 = pltpu.async_copy(idx_hbm.at[wid], idx_v, sem)
    in2 = pltpu.async_copy(col_hbm.at[wid], col_v, sem)
    in3 = pltpu.async_copy(sob_hbm.at[wid], sob_v, sem)

    z16 = jnp.zeros((16,), jnp.float32)
    iota16 = lax.iota(jnp.int32, 16)
    ones16 = jnp.ones((16,), jnp.float32)

    def zero_buf(hv):
        def zero_body(b, carry):
            for j in range(HW // 16):
                hv[b, pl.ds(j * 16, 16)] = z16
            return carry
        lax.fori_loop(0, RND, zero_body, 0)

    def scatter_round(hv, r):
        def scat_body(l, carry):
            for chunk in range(RND // 16):
                off = r * RND + chunk * 16
                vi = idx_v[l, pl.ds(off, 16)]
                cv = col_v[l, pl.ds(off, 16)]
                sv = sob_v[l, pl.ds(off, 16)]
                b16 = chunk * 16 + iota16
                plsc.addupdate_scatter(hv, [b16, vi], ones16)
                plsc.addupdate_scatter(hv, [b16, vi + KW], cv)
                plsc.addupdate_scatter(hv, [b16, vi + 2 * KW], sv)
                plsc.addupdate_scatter(hv, [b16, vi + 3 * KW], cv * sv)
            return carry
        lax.fori_loop(0, L, scat_body, 0)

    bufs = [h_a, h_b]
    pending = [None, None]
    for r in range(SPT // RND):
        hv = bufs[r % 2]
        if pending[r % 2] is not None:
            pending[r % 2].wait()
        zero_buf(hv)
        if r == 0:
            in1.wait()
            in2.wait()
            in3.wait()
        scatter_round(hv, r)
        pending[r % 2] = pltpu.async_copy(
            hv, h_hbm.at[pl.ds(base + r * RND, RND)], sem)
    for cp in pending:
        cp.wait()


def _tc_mm_body(h_ref, wtm_ref, t1_ref, t2_ref, t3_ref, t4_ref, wt_ref,
                o1_ref, o2_ref, o3_ref, o4_ref):
    h = h_ref[...]
    dn = (((0,), (1,)), ((), ()))
    o1_ref[...] = jnp.dot(h[:, 0:KW], t1_ref[...],
                          preferred_element_type=jnp.float32)
    o2_ref[...] = (jnp.dot(h[:, KW:2 * KW], t2_ref[...],
                           preferred_element_type=jnp.float32)
                   + wtm_ref[...] * wt_ref[...])
    o3_ref[...] = lax.dot_general(t3_ref[...], h[:, 2 * KW:3 * KW], dn,
                                  preferred_element_type=jnp.float32)
    o4_ref[...] = lax.dot_general(t4_ref[...], h[:, 3 * KW:4 * KW], dn,
                                  preferred_element_type=jnp.float32)


@jax.jit
def kernel(pst_idx, color_sign, sob_sign, wtm, T_fs, T_va, T_ha, T_ra,
           W_tempo):
    idx3 = pst_idx.reshape(NW, SPT, L).transpose(0, 2, 1)
    col3 = color_sign.reshape(NW, SPT, L).transpose(0, 2, 1)
    sob3 = sob_sign.reshape(NW, SPT, L).transpose(0, 2, 1)

    mesh = plsc.VectorSubcoreMesh(core_axis_name="c", subcore_axis_name="s")
    hist = pl.kernel(
        _sc_hist_body,
        out_type=jax.ShapeDtypeStruct((B, HW), jnp.float32),
        mesh=mesh,
        compiler_params=pltpu.CompilerParams(needs_layout_passes=False),
        scratch_types=[
            pltpu.VMEM((L, SPT), jnp.int32),
            pltpu.VMEM((L, SPT), jnp.float32),
            pltpu.VMEM((L, SPT), jnp.float32),
            pltpu.VMEM((RND, HW), jnp.float32),
            pltpu.VMEM((RND, HW), jnp.float32),
            pltpu.SemaphoreType.DMA,
        ],
    )(idx3, col3, sob3)

    t1 = jnp.zeros((KW, S1), jnp.float32).at[:V].set(T_fs)
    t2 = jnp.zeros((KW, S1), jnp.float32).at[:V].set(T_va)
    t3 = jnp.zeros((KW, S2), jnp.float32).at[:V].set(T_ha)
    t4 = jnp.zeros((KW, S2), jnp.float32).at[:V].set(T_ra)
    wt = W_tempo.reshape(1, S1)

    tspec = lambda d: pl.BlockSpec((KW, d), lambda i: (0, 0))
    out = pl.pallas_call(
        _tc_mm_body,
        grid=(B // BB,),
        in_specs=[
            pl.BlockSpec((BB, HW), lambda i: (i, 0)),
            pl.BlockSpec((BB, 1), lambda i: (i, 0)),
            tspec(S1), tspec(S1), tspec(S2), tspec(S2),
            pl.BlockSpec((1, S1), lambda i: (0, 0)),
        ],
        out_specs=[
            pl.BlockSpec((BB, S1), lambda i: (i, 0)),
            pl.BlockSpec((BB, S1), lambda i: (i, 0)),
            pl.BlockSpec((S2, BB), lambda i: (0, i)),
            pl.BlockSpec((S2, BB), lambda i: (0, i)),
        ],
        out_shape=[
            jax.ShapeDtypeStruct((B, S1), jnp.float32),
            jax.ShapeDtypeStruct((B, S1), jnp.float32),
            jax.ShapeDtypeStruct((S2, B), jnp.float32),
            jax.ShapeDtypeStruct((S2, B), jnp.float32),
        ],
    )(hist, wtm, t1, t2, t3, t4, wt)
    return (out[0], out[1], out[2].T, out[3].T)

# --- scband reference (transcript-rebuilt; emitter-appended) ---
"""Pipeline reference for scband-input-layer-67422396612987 (READ-ONLY COPY).

The authoritative reference and input builder live on the scoring server;
editing this copy changes nothing except your own understanding.
"""

import jax, jax.numpy as jnp
import numpy as np

B = 4096
L = 32
V = 185
PAD = 184
S1 = 256
S2 = 64


def setup_inputs(seed: int = 0) -> dict:
    key = jax.random.key(seed)
    ks = jax.random.split(key, 9)
    pst_idx = jax.random.randint(ks[0], (B, L), 0, V, dtype=jnp.int32)
    color_sign = jax.random.normal(ks[1], (B, L), dtype=jnp.float32)
    sob_sign = jax.random.normal(ks[2], (B, L), dtype=jnp.float32)
    wtm = jax.random.uniform(ks[3], (B, 1), dtype=jnp.float32)
    # EmbeddingBag tables: default N(0,1) init divided by 4; padding row zeroed
    T_fs = (jax.random.normal(ks[4], (V, S1), dtype=jnp.float32) / 4.0).at[PAD].set(0.0)
    T_va = (jax.random.normal(ks[5], (V, S1), dtype=jnp.float32) / 4.0).at[PAD].set(0.0)
    T_ha = (jax.random.normal(ks[6], (V, S2), dtype=jnp.float32) / 4.0).at[PAD].set(0.0)
    T_ra = (jax.random.normal(ks[7], (V, S2), dtype=jnp.float32) / 4.0).at[PAD].set(0.0)
    # tempo_va Linear(1, s1, bias=False), zero-initialized
    W_tempo = jnp.zeros((S1, 1), dtype=jnp.float32)
    return {
        "pst_idx": pst_idx,
        "color_sign": color_sign,
        "sob_sign": sob_sign,
        "wtm": wtm,
        "T_fs": T_fs,
        "T_va": T_va,
        "T_ha": T_ha,
        "T_ra": T_ra,
        "W_tempo": W_tempo,
    }


def _bag_sum(table, idx, weights):
    # EmbeddingBag(mode='sum', padding_idx=PAD) with optional per_sample_weights.
    # Padding indices contribute zero (masked out).
    emb = jnp.take(table, idx, axis=0)  # [B, L, D]
    return jnp.einsum("bl,bld->bd", weights, emb)


def reference(pst_idx, color_sign, sob_sign, wtm, T_fs, T_va, T_ha, T_ra, W_tempo):
    mask = (pst_idx != PAD).astype(jnp.float32)  # [B, L]
    full_symm = _bag_sum(T_fs, pst_idx, mask)
    vert_asym = _bag_sum(T_va, pst_idx, mask * color_sign) + wtm @ W_tempo.T
    horz_asym = _bag_sum(T_ha, pst_idx, mask * sob_sign)
    rotl_asym = _bag_sum(T_ra, pst_idx, mask * color_sign * sob_sign)
    return (full_symm, vert_asym, horz_asym, rotl_asym)

if __name__ == "__main__":
    import jax
    _d = setup_inputs()
    print(jax.jit(kernel)(*tuple(_d.values())))

</pallas_src>

<mosaic_0001>
#map = affine_map<(d0, d1) -> (0, 0, 0)>
#map1 = affine_map<(d0, d1) -> (0, 0)>
module attributes {stable_mosaic.version = 14 : i64} {
  func.func @_sc_hist_body(%arg0: i32, %arg1: i32, %arg2: memref<32x32x128xi32, #tpu.memory_space<hbm>>, %arg3: memref<32x32x128xf32, #tpu.memory_space<hbm>>, %arg4: memref<32x32x128xf32, #tpu.memory_space<hbm>>, %arg5: memref<4096x768xf32, #tpu.memory_space<hbm>>, %arg6: memref<32x128xi32, #tpu.memory_space<vmem>>, %arg7: memref<32x128xf32, #tpu.memory_space<vmem>>, %arg8: memref<32x128xf32, #tpu.memory_space<vmem>>, %arg9: memref<32x768xf32, #tpu.memory_space<vmem>>, %arg10: memref<32x768xf32, #tpu.memory_space<vmem>>, %arg11: memref<!tpu.dma_semaphore, #tpu.memory_space<semaphore_mem>>) attributes {dimension_semantics = [#tpu.dimension_semantics<core_parallel>, #tpu.dimension_semantics<subcore_parallel>], iteration_bounds = array<i64: 2, 16>, scalar_prefetch = 0 : i64, scratch_operands = 6 : i64, tpu.core_type = #tpu.core_type<sc_vector_subcore>, window_params = [{transform_indices = #map}, {transform_indices = #map}, {transform_indices = #map}, {transform_indices = #map1}]} {
    %mul3A = arith.constant 2 : i32
    %mul3A_0 = arith.muli %arg1, %mul3A : i32
    %add3A = arith.addi %mul3A_0, %arg0 : i32
    %mul3A_1 = arith.constant 128 : i32
    %mul3A_2 = arith.muli %add3A, %mul3A_1 : i32
    %dma_start3A = arith.constant 0 : i32
    %dma_start3A_3 = arith.constant 0 : i32
    %dma_start3A_4 = tpu.memref_slice %arg2[%add3A, %dma_start3A, %dma_start3A_3] : memref<32x32x128xi32, #tpu.memory_space<hbm>> -> memref<1x32x128xi32, #tpu.memory_space<hbm>>
    %dma_start3A_5 = tpu.memref_squeeze %dma_start3A_4 : memref<1x32x128xi32, #tpu.memory_space<hbm>> -> memref<32x128xi32, #tpu.memory_space<hbm>>
    %dma_start3A_6 = arith.constant 0 : i32
    %dma_start3A_7 = arith.constant 0 : i32
    %dma_start3A_8 = tpu.memref_slice %arg2[%add3A, %dma_start3A_6, %dma_start3A_7] : memref<32x32x128xi32, #tpu.memory_space<hbm>> -> memref<1x32x128xi32, #tpu.memory_space<hbm>>
    %dma_start3A_9 = tpu.memref_squeeze %dma_start3A_8 : memref<1x32x128xi32, #tpu.memory_space<hbm>> -> memref<32x128xi32, #tpu.memory_space<hbm>>
    tpu.enqueue_dma source(%dma_start3A_9 : memref<32x128xi32, #tpu.memory_space<hbm>>) target(%arg6 : memref<32x128xi32, #tpu.memory_space<vmem>>) target_semaphore(%arg11 : memref<!tpu.dma_semaphore, #tpu.memory_space<semaphore_mem>>)
    %dma_start3A_10 = arith.constant 0 : i32
    %dma_start3A_11 = arith.constant 0 : i32
    %dma_start3A_12 = tpu.memref_slice %arg3[%add3A, %dma_start3A_10, %dma_start3A_11] : memref<32x32x128xf32, #tpu.memory_space<hbm>> -> memref<1x32x128xf32, #tpu.memory_space<hbm>>
    %dma_start3A_13 = tpu.memref_squeeze %dma_start3A_12 : memref<1x32x128xf32, #tpu.memory_space<hbm>> -> memref<32x128xf32, #tpu.memory_space<hbm>>
    %dma_start3A_14 = arith.constant 0 : i32
    %dma_start3A_15 = arith.constant 0 : i32
    %dma_start3A_16 = tpu.memref_slice %arg3[%add3A, %dma_start3A_14, %dma_start3A_15] : memref<32x32x128xf32, #tpu.memory_space<hbm>> -> memref<1x32x128xf32, #tpu.memory_space<hbm>>
    %dma_start3A_17 = tpu.memref_squeeze %dma_start3A_16 : memref<1x32x128xf32, #tpu.memory_space<hbm>> -> memref<32x128xf32, #tpu.memory_space<hbm>>
    tpu.enqueue_dma source(%dma_start3A_17 : memref<32x128xf32, #tpu.memory_space<hbm>>) target(%arg7 : memref<32x128xf32, #tpu.memory_space<vmem>>) target_semaphore(%arg11 : memref<!tpu.dma_semaphore, #tpu.memory_space<semaphore_mem>>)
    %dma_start3A_18 = arith.constant 0 : i32
    %dma_start3A_19 = arith.constant 0 : i32
    %dma_start3A_20 = tpu.memref_slice %arg4[%add3A, %dma_start3A_18, %dma_start3A_19] : memref<32x32x128xf32, #tpu.memory_space<hbm>> -> memref<1x32x128xf32, #tpu.memory_space<hbm>>
    %dma_start3A_21 = tpu.memref_squeeze %dma_start3A_20 : memref<1x32x128xf32, #tpu.memory_space<hbm>> -> memref<32x128xf32, #tpu.memory_space<hbm>>
    %dma_start3A_22 = arith.constant 0 : i32
    %dma_start3A_23 = arith.constant 0 : i32
    %dma_start3A_24 = tpu.memref_slice %arg4[%add3A, %dma_start3A_22, %dma_start3A_23] : memref<32x32x128xf32, #tpu.memory_space<hbm>> -> memref<1x32x128xf32, #tpu.memory_space<hbm>>
    %dma_start3A_25 = tpu.memref_squeeze %dma_start3A_24 : memref<1x32x128xf32, #tpu.memory_space<hbm>> -> memref<32x128xf32, #tpu.memory_space<hbm>>
    tpu.enqueue_dma source(%dma_start3A_25 : memref<32x128xf32, #tpu.memory_space<hbm>>) target(%arg8 : memref<32x128xf32, #tpu.memory_space<vmem>>) target_semaphore(%arg11 : memref<!tpu.dma_semaphore, #tpu.memory_space<semaphore_mem>>)
    %broadcast_in_dim3A = arith.constant 0.000000e+00 : f32
    %broadcast_in_dim3A_26 = vector.broadcast %broadcast_in_dim3A : f32 to vector<16xf32>
    %iota3A = tpu.iota {dimensions = array<i32: 0>} : vector<16xi32>
    %broadcast_in_dim3A_27 = arith.constant 1.000000e+00 : f32
    %broadcast_in_dim3A_28 = vector.broadcast %broadcast_in_dim3A_27 : f32 to vector<16xf32>
    %scan3A = arith.constant 0 : i32
    %scan3A_29 = arith.constant 0 : i32
    %scan3A_30 = arith.constant 32 : i32
    %scan3A_31 = arith.addi %scan3A_29, %scan3A_30 : i32
    %scan3A_32 = arith.constant 1 : i32
    scf.for %scan3A_139 = %scan3A_29 to %scan3A_31 step %scan3A_32  : i32 {
      %swap3A = arith.index_cast %scan3A_139 : i32 to index
      %swap3A_140 = arith.constant 0 : index
      %swap3A_141 = tpu.vector_load %arg9[%swap3A, %swap3A_140] {strides = array<i32>} : memref<32x768xf32, #tpu.memory_space<vmem>>, vector<16xf32>,
      tpu.vector_store %arg9[%swap3A, %swap3A_140], %broadcast_in_dim3A_26 {strides = array<i32>} : memref<32x768xf32, #tpu.memory_space<vmem>>, vector<16xf32>,
      %swap3A_142 = arith.index_cast %scan3A_139 : i32 to index
      %swap3A_143 = arith.constant 16 : index
      %swap3A_144 = tpu.vector_load %arg9[%swap3A_142, %swap3A_143] {strides = array<i32>} : memref<32x768xf32, #tpu.memory_space<vmem>>, vector<16xf32>,
      tpu.vector_store %arg9[%swap3A_142, %swap3A_143], %broadcast_in_dim3A_26 {strides = array<i32>} : memref<32x768xf32, #tpu.memory_space<vmem>>, vector<16xf32>,
      %swap3A_145 = arith.index_cast %scan3A_139 : i32 to index
      %swap3A_146 = arith.constant 32 : index
      %swap3A_147 = tpu.vector_load %arg9[%swap3A_145, %swap3A_146] {strides = array<i32>} : memref<32x768xf32, #tpu.memory_space<vmem>>, vector<16xf32>,
      tpu.vector_store %arg9[%swap3A_145, %swap3A_146], %broadcast_in_dim3A_26 {strides = array<i32>} : memref<32x768xf32, #tpu.memory_space<vmem>>, vector<16xf32>,
      %swap3A_148 = arith.index_cast %scan3A_139 : i32 to index
      %swap3A_149 = arith.constant 48 : index
      %swap3A_150 = tpu.vector_load %arg9[%swap3A_148, %swap3A_149] {strides = array<i32>} : memref<32x768xf32, #tpu.memory_space<vmem>>, vector<16xf32>,
      tpu.vector_store %arg9[%swap3A_148, %swap3A_149], %broadcast_in_dim3A_26 {strides = array<i32>} : memref<32x768xf32, #tpu.memory_space<vmem>>, vector<16xf32>,
      %swap3A_151 = arith.index_cast %scan3A_139 : i32 to index
      %swap3A_152 = arith.constant 64 : index
      %swap3A_153 = tpu.vector_load %arg9[%swap3A_151, %swap3A_152] {strides = array<i32>} : memref<32x768xf32, #tpu.memory_space<vmem>>, vector<16xf32>,
      tpu.vector_store %arg9[%swap3A_151, %swap3A_152], %broadcast_in_dim3A_26 {strides = array<i32>} : memref<32x768xf32, #tpu.memory_space<vmem>>, vector<16xf32>,
      %swap3A_154 = arith.index_cast %scan3A_139 : i32 to index
      %swap3A_155 = arith.constant 80 : index
      %swap3A_156 = tpu.vector_load %arg9[%swap3A_154, %swap3A_155] {strides = array<i32>} : memref<32x768xf32, #tpu.memory_space<vmem>>, vector<16xf32>,
      tpu.vector_store %arg9[%swap3A_154, %swap3A_155], %broadcast_in_dim3A_26 {strides = array<i32>} : memref<32x768xf32, #tpu.memory_space<vmem>>, vector<16xf32>,
      %swap3A_157 = arith.index_cast %scan3A_139 : i32 to index
      %swap3A_158 = arith.constant 96 : index
      %swap3A_159 = tpu.vector_load %arg9[%swap3A_157, %swap3A_158] {strides = array<i32>} : memref<32x768xf32, #tpu.memory_space<vmem>>, vector<16xf32>,
      tpu.vector_store %arg9[%swap3A_157, %swap3A_158], %broadcast_in_dim3A_26 {strides = array<i32>} : memref<32x768xf32, #tpu.memory_space<vmem>>, vector<16xf32>,
      %swap3A_160 = arith.index_cast %scan3A_139 : i32 to index
      %swap3A_161 = arith.constant 112 : index
      %swap3A_162 = tpu.vector_load %arg9[%swap3A_160, %swap3A_161] {strides = array<i32>} : memref<32x768xf32, #tpu.memory_space<vmem>>, vector<16xf32>,
      tpu.vector_store %arg9[%swap3A_160, %swap3A_161], %broadcast_in_dim3A_26 {strides = array<i32>} : memref<32x768xf32, #tpu.memory_space<vmem>>, vector<16xf32>,
      %swap3A_163 = arith.index_cast %scan3A_139 : i32 to index
      %swap3A_164 = arith.constant 128 : index
      %swap3A_165 = tpu.vector_load %arg9[%swap3A_163, %swap3A_164] {strides = array<i32>} : memref<32x768xf32, #tpu.memory_space<vmem>>, vector<16xf32>,
      tpu.vector_store %arg9[%swap3A_163, %swap3A_164], %broadcast_in_dim3A_26 {strides = array<i32>} : memref<32x768xf32, #tpu.memory_space<vmem>>, vector<16xf32>,
      %swap3A_166 = arith.index_cast %scan3A_139 : i32 to index
      %swap3A_167 = arith.constant 144 : index
      %swap3A_168 = tpu.vector_load %arg9[%swap3A_166, %swap3A_167] {strides = array<i32>} : memref<32x768xf32, #tpu.memory_space<vmem>>, vector<16xf32>,
      tpu.vector_store %arg9[%swap3A_166, %swap3A_167], %broadcast_in_dim3A_26 {strides = array<i32>} : memref<32x768xf32, #tpu.memory_space<vmem>>, vector<16xf32>,
      %swap3A_169 = arith.index_cast %scan3A_139 : i32 to index
      %swap3A_170 = arith.constant 160 : index
      %swap3A_171 = tpu.vector_load %arg9[%swap3A_169, %swap3A_170] {strides = array<i32>} : memref<32x768xf32, #tpu.memory_space<vmem>>, vector<16xf32>,
      tpu.vector_store %arg9[%swap3A_169, %swap3A_170], %broadcast_in_dim3A_26 {strides = array<i32>} : memref<32x768xf32, #tpu.memory_space<vmem>>, vector<16xf32>,
      %swap3A_172 = arith.index_cast %scan3A_139 : i32 to index
      %swap3A_173 = arith.constant 176 : index
      %swap3A_174 = tpu.vector_load %arg9[%swap3A_172, %swap3A_173] {strides = array<i32>} : memref<32x768xf32, #tpu.memory_space<vmem>>, vector<16xf32>,
      tpu.vector_store %arg9[%swap3A_172, %swap3A_173], %broadcast_in_dim3A_26 {strides = array<i32>} : memref<32x768xf32, #tpu.memory_space<vmem>>, vector<16xf32>,
      %swap3A_175 = arith.index_cast %scan3A_139 : i32 to index
      %swap3A_176 = arith.constant 192 : index
      %swap3A_177 = tpu.vector_load %arg9[%swap3A_175, %swap3A_176] {strides = array<i32>} : memref<32x768xf32, #tpu.memory_space<vmem>>, vector<16xf32>,
      tpu.vector_store %arg9[%swap3A_175, %swap3A_176], %broadcast_in_dim3A_26 {strides = array<i32>} : memref<32x768xf32, #tpu.memory_space<vmem>>, vector<16xf32>,
      %swap3A_178 = arith.index_cast %scan3A_139 : i32 to index
      %swap3A_179 = arith.constant 208 : index
      %swap3A_180 = tpu.vector_load %arg9[%swap3A_178, %swap3A_179] {strides = array<i32>} : memref<32x768xf32, #tpu.memory_space<vmem>>, vector<16xf32>,
      tpu.vector_store %arg9[%swap3A_178, %swap3A_179], %broadcast_in_dim3A_26 {strides = array<i32>} : memref<32x768xf32, #tpu.memory_space<vmem>>, vector<16xf32>,
      %swap3A_181 = arith.index_cast %scan3A_139 : i32 to index
      %swap3A_182 = arith.constant 224 : index
      %swap3A_183 = tpu.vector_load %arg9[%swap3A_181, %swap3A_182] {strides = array<i32>} : memref<32x768xf32, #tpu.memory_space<vmem>>, vector<16xf32>,
      tpu.vector_store %arg9[%swap3A_181, %swap3A_182], %broadcast_in_dim3A_26 {strides = array<i32>} : memref<32x768xf32, #tpu.memory_space<vmem>>, vector<16xf32>,
      %swap3A_184 = arith.index_cast %scan3A_139 : i32 to index
      %swap3A_185 = arith.constant 240 : index
      %swap3A_186 = tpu.vector_load %arg9[%swap3A_184, %swap3A_185] {strides = array<i32>} : memref<32x768xf32, #tpu.memory_space<vmem>>, vector<16xf32>,
      tpu.vector_store %arg9[%swap3A_184, %swap3A_185], %broadcast_in_dim3A_26 {strides = array<i32>} : memref<32x768xf32, #tpu.memory_space<vmem>>, vector<16xf32>,
      %swap3A_187 = arith.index_cast %scan3A_139 : i32 to index
      %swap3A_188 = arith.constant 256 : index
      %swap3A_189 = tpu.vector_load %arg9[%swap3A_187, %swap3A_188] {strides = array<i32>} : memref<32x768xf32, #tpu.memory_space<vmem>>, vector<16xf32>,
      tpu.vector_store %arg9[%swap3A_187, %swap3A_188], %broadcast_in_dim3A_26 {strides = array<i32>} : memref<32x768xf32, #tpu.memory_space<vmem>>, vector<16xf32>,
      %swap3A_190 = arith.index_cast %scan3A_139 : i32 to index
      %swap3A_191 = arith.constant 272 : index
      %swap3A_192 = tpu.vector_load %arg9[%swap3A_190, %swap3A_191] {strides = array<i32>} : memref<32x768xf32, #tpu.memory_space<vmem>>, vector<16xf32>,
      tpu.vector_store %arg9[%swap3A_190, %swap3A_191], %broadcast_in_dim3A_26 {strides = array<i32>} : memref<32x768xf32, #tpu.memory_space<vmem>>, vector<16xf32>,
      %swap3A_193 = arith.index_cast %scan3A_139 : i32 to index
      %swap3A_194 = arith.constant 288 : index
      %swap3A_195 = tpu.vector_load %arg9[%swap3A_193, %swap3A_194] {strides = array<i32>} : memref<32x768xf32, #tpu.memory_space<vmem>>, vector<16xf32>,
      tpu.vector_store %arg9[%swap3A_193, %swap3A_194], %broadcast_in_dim3A_26 {strides = array<i32>} : memref<32x768xf32, #tpu.memory_space<vmem>>, vector<16xf32>,
      %swap3A_196 = arith.index_cast %scan3A_139 : i32 to index
      %swap3A_197 = arith.constant 304 : index
      %swap3A_198 = tpu.vector_load %arg9[%swap3A_196, %swap3A_197] {strides = array<i32>} : memref<32x768xf32, #tpu.memory_space<vmem>>, vector<16xf32>,
      tpu.vector_store %arg9[%swap3A_196, %swap3A_197], %broadcast_in_dim3A_26 {strides = array<i32>} : memref<32x768xf32, #tpu.memory_space<vmem>>, vector<16xf32>,
      %swap3A_199 = arith.index_cast %scan3A_139 : i32 to index
      %swap3A_200 = arith.constant 320 : index
      %swap3A_201 = tpu.vector_load %arg9[%swap3A_199, %swap3A_200] {strides = array<i32>} : memref<32x768xf32, #tpu.memory_space<vmem>>, vector<16xf32>,
      tpu.vector_store %arg9[%swap3A_199, %swap3A_200], %broadcast_in_dim3A_26 {strides = array<i32>} : memref<32x768xf32, #tpu.memory_space<vmem>>, vector<16xf32>,
      %swap3A_202 = arith.index_cast %scan3A_139 : i32 to index
      %swap3A_203 = arith.constant 336 : index
      %swap3A_204 = tpu.vector_load %arg9[%swap3A_202, %swap3A_203] {strides = array<i32>} : memref<32x768xf32, #tpu.memory_space<vmem>>, vector<16xf32>,
      tpu.vector_store %arg9[%swap3A_202, %swap3A_203], %broadcast_in_dim3A_26 {strides = array<i32>} : memref<32x768xf32, #tpu.memory_space<vmem>>, vector<16xf32>,
      %swap3A_205 = arith.index_cast %scan3A_139 : i32 to index
      %swap3A_206 = arith.constant 352 : index
      %swap3A_207 = tpu.vector_load %arg9[%swap3A_205, %swap3A_206] {strides = array<i32>} : memref<32x768xf32, #tpu.memory_space<vmem>>, vector<16xf32>,
      tpu.vector_store %arg9[%swap3A_205, %swap3A_206], %broadcast_in_dim3A_26 {strides = array<i32>} : memref<32x768xf32, #tpu.memory_space<vmem>>, vector<16xf32>,
      %swap3A_208 = arith.index_cast %scan3A_139 : i32 to index
      %swap3A_209 = arith.constant 368 : index
      %swap3A_210 = tpu.vector_load %arg9[%swap3A_208, %swap3A_209] {strides = array<i32>} : memref<32x768xf32, #tpu.memory_space<vmem>>, vector<16xf32>,
      tpu.vector_store %arg9[%swap3A_208, %swap3A_209], %broadcast_in_dim3A_26 {strides = array<i32>} : memref<32x768xf32, #tpu.memory_space<vmem>>, vector<16xf32>,
      %swap3A_211 = arith.index_cast %scan3A_139 : i32 to index
      %swap3A_212 = arith.constant 384 : index
      %swap3A_213 = tpu.vector_load %arg9[%swap3A_211, %swap3A_212] {strides = array<i32>} : memref<32x768xf32, #tpu.memory_space<vmem>>, vector<16xf32>,
      tpu.vector_store %arg9[%swap3A_211, %swap3A_212], %broadcast_in_dim3A_26 {strides = array<i32>} : memref<32x768xf32, #tpu.memory_space<vmem>>, vector<16xf32>,
      %swap3A_214 = arith.index_cast %scan3A_139 : i32 to index
      %swap3A_215 = arith.constant 400 : index
      %swap3A_216 = tpu.vector_load %arg9[%swap3A_214, %swap3A_215] {strides = array<i32>} : memref<32x768xf32, #tpu.memory_space<vmem>>, vector<16xf32>,
      tpu.vector_store %arg9[%swap3A_214, %swap3A_215], %broadcast_in_dim3A_26 {strides = array<i32>} : memref<32x768xf32, #tpu.memory_space<vmem>>, vector<16xf32>,
      %swap3A_217 = arith.index_cast %scan3A_139 : i32 to index
      %swap3A_218 = arith.constant 416 : index
      %swap3A_219 = tpu.vector_load %arg9[%swap3A_217, %swap3A_218] {strides = array<i32>} : memref<32x768xf32, #tpu.memory_space<vmem>>, vector<16xf32>,
      tpu.vector_store %arg9[%swap3A_217, %swap3A_218], %broadcast_in_dim3A_26 {strides = array<i32>} : memref<32x768xf32, #tpu.memory_space<vmem>>, vector<16xf32>,
      %swap3A_220 = arith.index_cast %scan3A_139 : i32 to index
      %swap3A_221 = arith.constant 432 : index
      %swap3A_222 = tpu.vector_load %arg9[%swap3A_220, %swap3A_221] {strides = array<i32>} : memref<32x768xf32, #tpu.memory_space<vmem>>, vector<16xf32>,
      tpu.vector_store %arg9[%swap3A_220, %swap3A_221], %broadcast_in_dim3A_26 {strides = array<i32>} : memref<32x768xf32, #tpu.memory_space<vmem>>, vector<16xf32>,
      %swap3A_223 = arith.index_cast %scan3A_139 : i32 to index
      %swap3A_224 = arith.constant 448 : index
      %swap3A_225 = tpu.vector_load %arg9[%swap3A_223, %swap3A_224] {strides = array<i32>} : memref<32x768xf32, #tpu.memory_space<vmem>>, vector<16xf32>,
      tpu.vector_store %arg9[%swap3A_223, %swap3A_224], %broadcast_in_dim3A_26 {strides = array<i32>} : memref<32x768xf32, #tpu.memory_space<vmem>>, vector<16xf32>,
      %swap3A_226 = arith.index_cast %scan3A_139 : i32 to index
      %swap3A_227 = arith.constant 464 : index
      %swap3A_228 = tpu.vector_load %arg9[%swap3A_226, %swap3A_227] {strides = array<i32>} : memref<32x768xf32, #tpu.memory_space<vmem>>, vector<16xf32>,
      tpu.vector_store %arg9[%swap3A_226, %swap3A_227], %broadcast_in_dim3A_26 {strides = array<i32>} : memref<32x768xf32, #tpu.memory_space<vmem>>, vector<16xf32>,
      %swap3A_229 = arith.index_cast %scan3A_139 : i32 to index
      %swap3A_230 = arith.constant 480 : index
      %swap3A_231 = tpu.vector_load %arg9[%swap3A_229, %swap3A_230] {strides = array<i32>} : memref<32x768xf32, #tpu.memory_space<vmem>>, vector<16xf32>,
      tpu.vector_store %arg9[%swap3A_229, %swap3A_230], %broadcast_in_dim3A_26 {strides = array<i32>} : memref<32x768xf32, #tpu.memory_space<vmem>>, vector<16xf32>,
      %swap3A_232 = arith.index_cast %scan3A_139 : i32 to index
      %swap3A_233 = arith.constant 496 : index
      %swap3A_234 = tpu.vector_load %arg9[%swap3A_232, %swap3A_233] {strides = array<i32>} : memref<32x768xf32, #tpu.memory_space<vmem>>, vector<16xf32>,
      tpu.vector_store %arg9[%swap3A_232, %swap3A_233], %broadcast_in_dim3A_26 {strides = array<i32>} : memref<32x768xf32, #tpu.memory_space<vmem>>, vector<16xf32>,
      %swap3A_235 = arith.index_cast %scan3A_139 : i32 to index
      %swap3A_236 = arith.constant 512 : index
      %swap3A_237 = tpu.vector_load %arg9[%swap3A_235, %swap3A_236] {strides = array<i32>} : memref<32x768xf32, #tpu.memory_space<vmem>>, vector<16xf32>,
      tpu.vector_store %arg9[%swap3A_235, %swap3A_236], %broadcast_in_dim3A_26 {strides = array<i32>} : memref<32x768xf32, #tpu.memory_space<vmem>>, vector<16xf32>,
      %swap3A_238 = arith.index_cast %scan3A_139 : i32 to index
      %swap3A_239 = arith.constant 528 : index
      %swap3A_240 = tpu.vector_load %arg9[%swap3A_238, %swap3A_239] {strides = array<i32>} : memref<32x768xf32, #tpu.memory_space<vmem>>, vector<16xf32>,
      tpu.vector_store %arg9[%swap3A_238, %swap3A_239], %broadcast_in_dim3A_26 {strides = array<i32>} : memref<32x768xf32, #tpu.memory_space<vmem>>, vector<16xf32>,
      %swap3A_241 = arith.index_cast %scan3A_139 : i32 to index
      %swap3A_242 = arith.constant 544 : index
      %swap3A_243 = tpu.vector_load %arg9[%swap3A_241, %swap3A_242] {strides = array<i32>} : memref<32x768xf32, #tpu.memory_space<vmem>>, vector<16xf32>,
      tpu.vector_store %arg9[%swap3A_241, %swap3A_242], %broadcast_in_dim3A_26 {strides = array<i32>} : memref<32x768xf32, #tpu.memory_space<vmem>>, vector<16xf32>,
      %swap3A_244 = arith.index_cast %scan3A_139 : i32 to index
      %swap3A_245 = arith.constant 560 : index
      %swap3A_246 = tpu.vector_load %arg9[%swap3A_244, %swap3A_245] {strides = array<i32>} : memref<32x768xf32, #tpu.memory_space<vmem>>, vector<16xf32>,
      tpu.vector_store %arg9[%swap3A_244, %swap3A_245], %broadcast_in_dim3A_26 {strides = array<i32>} : memref<32x768xf32, #tpu.memory_space<vmem>>, vector<16xf32>,
      %swap3A_247 = arith.index_cast %scan3A_139 : i32 to index
      %swap3A_248 = arith.constant 576 : index
      %swap3A_249 = tpu.vector_load %arg9[%swap3A_247, %swap3A_248] {strides = array<i32>} : memref<32x768xf32, #tpu.memory_space<vmem>>, vector<16xf32>,
      tpu.vector_store %arg9[%swap3A_247, %swap3A_248], %broadcast_in_dim3A_26 {strides = array<i32>} : memref<32x768xf32, #tpu.memory_space<vmem>>, vector<16xf32>,
      %swap3A_250 = arith.index_cast %scan3A_139 : i32 to index
      %swap3A_251 = arith.constant 592 : index
      %swap3A_252 = tpu.vector_load %arg9[%swap3A_250, %swap3A_251] {strides = array<i32>} : memref<32x768xf32, #tpu.memory_space<vmem>>, vector<16xf32>,
      tpu.vector_store %arg9[%swap3A_250, %swap3A_251], %broadcast_in_dim3A_26 {strides = array<i32>} : memref<32x768xf32, #tpu.memory_space<vmem>>, vector<16xf32>,
      %swap3A_253 = arith.index_cast %scan3A_139 : i32 to index
      %swap3A_254 = arith.constant 608 : index
      %swap3A_255 = tpu.vector_load %arg9[%swap3A_253, %swap3A_254] {strides = array<i32>} : memref<32x768xf32, #tpu.memory_space<vmem>>, vector<16xf32>,
      tpu.vector_store %arg9[%swap3A_253, %swap3A_254], %broadcast_in_dim3A_26 {strides = array<i32>} : memref<32x768xf32, #tpu.memory_space<vmem>>, vector<16xf32>,
      %swap3A_256 = arith.index_cast %scan3A_139 : i32 to index
      %swap3A_257 = arith.constant 624 : index
      %swap3A_258 = tpu.vector_load %arg9[%swap3A_256, %swap3A_257] {strides = array<i32>} : memref<32x768xf32, #tpu.memory_space<vmem>>, vector<16xf32>,
      tpu.vector_store %arg9[%swap3A_256, %swap3A_257], %broadcast_in_dim3A_26 {strides = array<i32>} : memref<32x768xf32, #tpu.memory_space<vmem>>, vector<16xf32>,
      %swap3A_259 = arith.index_cast %scan3A_139 : i32 to index
      %swap3A_260 = arith.constant 640 : index
      %swap3A_261 = tpu.vector_load %arg9[%swap3A_259, %swap3A_260] {strides = array<i32>} : memref<32x768xf32, #tpu.memory_space<vmem>>, vector<16xf32>,
      tpu.vector_store %arg9[%swap3A_259, %swap3A_260], %broadcast_in_dim3A_26 {strides = array<i32>} : memref<32x768xf32, #tpu.memory_space<vmem>>, vector<16xf32>,
      %swap3A_262 = arith.index_cast %scan3A_139 : i32 to index
      %swap3A_263 = arith.constant 656 : index
      %swap3A_264 = tpu.vector_load %arg9[%swap3A_262, %swap3A_263] {strides = array<i32>} : memref<32x768xf32, #tpu.memory_space<vmem>>, vector<16xf32>,
      tpu.vector_store %arg9[%swap3A_262, %swap3A_263], %broadcast_in_dim3A_26 {strides = array<i32>} : memref<32x768xf32, #tpu.memory_space<vmem>>, vector<16xf32>,
      %swap3A_265 = arith.index_cast %scan3A_139 : i32 to index
      %swap3A_266 = arith.constant 672 : index
      %swap3A_267 = tpu.vector_load %arg9[%swap3A_265, %swap3A_266] {strides = array<i32>} : memref<32x768xf32, #tpu.memory_space<vmem>>, vector<16xf32>,
      tpu.vector_store %arg9[%swap3A_265, %swap3A_266], %broadcast_in_dim3A_26 {strides = array<i32>} : memref<32x768xf32, #tpu.memory_space<vmem>>, vector<16xf32>,
      %swap3A_268 = arith.index_cast %scan3A_139 : i32 to index
      %swap3A_269 = arith.constant 688 : index
      %swap3A_270 = tpu.vector_load %arg9[%swap3A_268, %swap3A_269] {strides = array<i32>} : memref<32x768xf32, #tpu.memory_space<vmem>>, vector<16xf32>,
      tpu.vector_store %arg9[%swap3A_268, %swap3A_269], %broadcast_in_dim3A_26 {strides = array<i32>} : memref<32x768xf32, #tpu.memory_space<vmem>>, vector<16xf32>,
      %swap3A_271 = arith.index_cast %scan3A_139 : i32 to index
      %swap3A_272 = arith.constant 704 : index
      %swap3A_273 = tpu.vector_load %arg9[%swap3A_271, %swap3A_272] {strides = array<i32>} : memref<32x768xf32, #tpu.memory_space<vmem>>, vector<16xf32>,
      tpu.vector_store %arg9[%swap3A_271, %swap3A_272], %broadcast_in_dim3A_26 {strides = array<i32>} : memref<32x768xf32, #tpu.memory_space<vmem>>, vector<16xf32>,
      %swap3A_274 = arith.index_cast %scan3A_139 : i32 to index
      %swap3A_275 = arith.constant 720 : index
      %swap3A_276 = tpu.vector_load %arg9[%swap3A_274, %swap3A_275] {strides = array<i32>} : memref<32x768xf32, #tpu.memory_space<vmem>>, vector<16xf32>,
      tpu.vector_store %arg9[%swap3A_274, %swap3A_275], %broadcast_in_dim3A_26 {strides = array<i32>} : memref<32x768xf32, #tpu.memory_space<vmem>>, vector<16xf32>,
      %swap3A_277 = arith.index_cast %scan3A_139 : i32 to index
      %swap3A_278 = arith.constant 736 : index
      %swap3A_279 = tpu.vector_load %arg9[%swap3A_277, %swap3A_278] {strides = array<i32>} : memref<32x768xf32, #tpu.memory_space<vmem>>, vector<16xf32>,
      tpu.vector_store %arg9[%swap3A_277, %swap3A_278], %broadcast_in_dim3A_26 {strides = array<i32>} : memref<32x768xf32, #tpu.memory_space<vmem>>, vector<16xf32>,
      %swap3A_280 = arith.index_cast %scan3A_139 : i32 to index
      %swap3A_281 = arith.constant 752 : index
      %swap3A_282 = tpu.vector_load %arg9[%swap3A_280, %swap3A_281] {strides = array<i32>} : memref<32x768xf32, #tpu.memory_space<vmem>>, vector<16xf32>,
      tpu.vector_store %arg9[%swap3A_280, %swap3A_281], %broadcast_in_dim3A_26 {strides = array<i32>} : memref<32x768xf32, #tpu.memory_space<vmem>>, vector<16xf32>,
    }
    %scan3A_33 = arith.constant 32 : i32
    %dma_wait3A = arith.constant 0 : i32
    %dma_wait3A_34 = arith.constant 0 : i32
    %dma_wait3A_35 = tpu.memref_slice %arg2[%add3A, %dma_wait3A, %dma_wait3A_34] : memref<32x32x128xi32, #tpu.memory_space<hbm>> -> memref<1x32x128xi32, #tpu.memory_space<hbm>>
    %dma_wait3A_36 = tpu.memref_squeeze %dma_wait3A_35 : memref<1x32x128xi32, #tpu.memory_space<hbm>> -> memref<32x128xi32, #tpu.memory_space<hbm>>
    %dma_wait3A_37 = arith.constant 0 : i32
    %dma_wait3A_38 = arith.constant 0 : i32
    %dma_wait3A_39 = tpu.memref_slice %arg2[%add3A, %dma_wait3A_37, %dma_wait3A_38] : memref<32x32x128xi32, #tpu.memory_space<hbm>> -> memref<1x32x128xi32, #tpu.memory_space<hbm>>
    %dma_wait3A_40 = tpu.memref_squeeze %dma_wait3A_39 : memref<1x32x128xi32, #tpu.memory_space<hbm>> -> memref<32x128xi32, #tpu.memory_space<hbm>>
    tpu.wait_dma2 semaphore(%arg11 : memref<!tpu.dma_semaphore, #tpu.memory_space<semaphore_mem>>) src(%dma_wait3A_40 : memref<32x128xi32, #tpu.memory_space<hbm>>) dst(%arg6 : memref<32x128xi32, #tpu.memory_space<vmem>>)
    %dma_wait3A_41 = arith.constant 0 : i32
    %dma_wait3A_42 = arith.constant 0 : i32
    %dma_wait3A_43 = tpu.memref_slice %arg3[%add3A, %dma_wait3A_41, %dma_wait3A_42] : memref<32x32x128xf32, #tpu.memory_space<hbm>> -> memref<1x32x128xf32, #tpu.memory_space<hbm>>
    %dma_wait3A_44 = tpu.memref_squeeze %dma_wait3A_43 : memref<1x32x128xf32, #tpu.memory_space<hbm>> -> memref<32x128xf32, #tpu.memory_space<hbm>>
    %dma_wait3A_45 = arith.constant 0 : i32
    %dma_wait3A_46 = arith.constant 0 : i32
    %dma_wait3A_47 = tpu.memref_slice %arg3[%add3A, %dma_wait3A_45, %dma_wait3A_46] : memref<32x32x128xf32, #tpu.memory_space<hbm>> -> memref<1x32x128xf32, #tpu.memory_space<hbm>>
    %dma_wait3A_48 = tpu.memref_squeeze %dma_wait3A_47 : memref<1x32x128xf32, #tpu.memory_space<hbm>> -> memref<32x128xf32, #tpu.memory_space<hbm>>
    tpu.wait_dma2 semaphore(%arg11 : memref<!tpu.dma_semaphore, #tpu.memory_space<semaphore_mem>>) src(%dma_wait3A_48 : memref<32x128xf32, #tpu.memory_space<hbm>>) dst(%arg7 : memref<32x128xf32, #tpu.memory_space<vmem>>)
    %dma_wait3A_49 = arith.constant 0 : i32
    %dma_wait3A_50 = arith.constant 0 : i32
    %dma_wait3A_51 = tpu.memref_slice %arg4[%add3A, %dma_wait3A_49, %dma_wait3A_50] : memref<32x32x128xf32, #tpu.memory_space<hbm>> -> memref<1x32x128xf32, #tpu.memory_space<hbm>>
    %dma_wait3A_52 = tpu.memref_squeeze %dma_wait3A_51 : memref<1x32x128xf32, #tpu.memory_space<hbm>> -> memref<32x128xf32, #tpu.memory_space<hbm>>
    %dma_wait3A_53 = arith.constant 0 : i32
    %dma_wait3A_54 = arith.constant 0 : i32
    %dma_wait3A_55 = tpu.memref_slice %arg4[%add3A, %dma_wait3A_53, %dma_wait3A_54] : memref<32x32x128xf32, #tpu.memory_space<hbm>> -> memref<1x32x128xf32, #tpu.memory_space<hbm>>
    %dma_wait3A_56 = tpu.memref_squeeze %dma_wait3A_55 : memref<1x32x128xf32, #tpu.memory_space<hbm>> -> memref<32x128xf32, #tpu.memory_space<hbm>>
    tpu.wait_dma2 semaphore(%arg11 : memref<!tpu.dma_semaphore, #tpu.memory_space<semaphore_mem>>) src(%dma_wait3A_56 : memref<32x128xf32, #tpu.memory_space<hbm>>) dst(%arg8 : memref<32x128xf32, #tpu.memory_space<vmem>>)
    %scan3A_57 = arith.constant 0 : i32
    %scan3A_58 = arith.constant 0 : i32
    %scan3A_59 = arith.constant 32 : i32
    %scan3A_60 = arith.addi %scan3A_58, %scan3A_59 : i32
    %scan3A_61 = arith.constant 1 : i32
    scf.for %scan3A_139 = %scan3A_58 to %scan3A_60 step %scan3A_61  : i32 {
      %get3A = arith.index_cast %scan3A_139 : i32 to index
      %get3A_140 = arith.constant 0 : index
      %get3A_141 = tpu.vector_load %arg6[%get3A, %get3A_140] {strides = array<i32>} : memref<32x128xi32, #tpu.memory_space<vmem>>, vector<16xi32>,
      %get3A_142 = arith.index_cast %scan3A_139 : i32 to index
      %get3A_143 = arith.constant 0 : index
      %get3A_144 = tpu.vector_load %arg7[%get3A_142, %get3A_143] {strides = array<i32>} : memref<32x128xf32, #tpu.memory_space<vmem>>, vector<16xf32>,
      %get3A_145 = arith.index_cast %scan3A_139 : i32 to index
      %get3A_146 = arith.constant 0 : index
      %get3A_147 = tpu.vector_load %arg8[%get3A_145, %get3A_146] {strides = array<i32>} : memref<32x128xf32, #tpu.memory_space<vmem>>, vector<16xf32>,
      %add3A_148 = arith.constant 0 : i32
      %add3A_149 = vector.broadcast %add3A_148 : i32 to vector<16xi32>
      %add3A_150 = arith.addi %add3A_149, %iota3A : vector<16xi32>
      tpu.vector_store_idx %arg9[%add3A_150, %get3A_141], %broadcast_in_dim3A_28 {add = true} : memref<32x768xf32, #tpu.memory_space<vmem>>[vector<16xi32>, vector<16xi32>], vector<16xf32>,
      %add3A_151 = arith.constant 192 : i32
      %add3A_152 = vector.broadcast %add3A_151 : i32 to vector<16xi32>
      %add3A_153 = arith.addi %get3A_141, %add3A_152 : vector<16xi32>
      tpu.vector_store_idx %arg9[%add3A_150, %add3A_153], %get3A_144 {add = true} : memref<32x768xf32, #tpu.memory_space<vmem>>[vector<16xi32>, vector<16xi32>], vector<16xf32>,
      %add3A_154 = arith.constant 384 : i32
      %add3A_155 = vector.broadcast %add3A_154 : i32 to vector<16xi32>
      %add3A_156 = arith.addi %get3A_141, %add3A_155 : vector<16xi32>
      tpu.vector_store_idx %arg9[%add3A_150, %add3A_156], %get3A_147 {add = true} : memref<32x768xf32, #tpu.memory_space<vmem>>[vector<16xi32>, vector<16xi32>], vector<16xf32>,
      %add3A_157 = arith.constant 576 : i32
      %add3A_158 = vector.broadcast %add3A_157 : i32 to vector<16xi32>
      %add3A_159 = arith.addi %get3A_141, %add3A_158 : vector<16xi32>
      %mul3A_160 = arith.mulf %get3A_144, %get3A_147 : vector<16xf32>
      tpu.vector_store_idx %arg9[%add3A_150, %add3A_159], %mul3A_160 {add = true} : memref<32x768xf32, #tpu.memory_space<vmem>>[vector<16xi32>, vector<16xi32>], vector<16xf32>,
      %get3A_161 = arith.index_cast %scan3A_139 : i32 to index
      %get3A_162 = arith.constant 16 : index
      %get3A_163 = tpu.vector_load %arg6[%get3A_161, %get3A_162] {strides = array<i32>} : memref<32x128xi32, #tpu.memory_space<vmem>>, vector<16xi32>,
      %get3A_164 = arith.index_cast %scan3A_139 : i32 to index
      %get3A_165 = arith.constant 16 : index
      %get3A_166 = tpu.vector_load %arg7[%get3A_164, %get3A_165] {strides = array<i32>} : memref<32x128xf32, #tpu.memory_space<vmem>>, vector<16xf32>,
      %get3A_167 = arith.index_cast %scan3A_139 : i32 to index
      %get3A_168 = arith.constant 16 : index
      %get3A_169 = tpu.vector_load %arg8[%get3A_167, %get3A_168] {strides = array<i32>} : memref<32x128xf32, #tpu.memory_space<vmem>>, vector<16xf32>,
      %add3A_170 = arith.constant 16 : i32
      %add3A_171 = vector.broadcast %add3A_170 : i32 to vector<16xi32>
      %add3A_172 = arith.addi %add3A_171, %iota3A : vector<16xi32>
      tpu.vector_store_idx %arg9[%add3A_172, %get3A_163], %broadcast_in_dim3A_28 {add = true} : memref<32x768xf32, #tpu.memory_space<vmem>>[vector<16xi32>, vector<16xi32>], vector<16xf32>,
      %add3A_173 = arith.constant 192 : i32
      %add3A_174 = vector.broadcast %add3A_173 : i32 to vector<16xi32>
      %add3A_175 = arith.addi %get3A_163, %add3A_174 : vector<16xi32>
      tpu.vector_store_idx %arg9[%add3A_172, %add3A_175], %get3A_166 {add = true} : memref<32x768xf32, #tpu.memory_space<vmem>>[vector<16xi32>, vector<16xi32>], vector<16xf32>,
      %add3A_176 = arith.constant 384 : i32
      %add3A_177 = vector.broadcast %add3A_176 : i32 to vector<16xi32>
      %add3A_178 = arith.addi %get3A_163, %add3A_177 : vector<16xi32>
      tpu.vector_store_idx %arg9[%add3A_172, %add3A_178], %get3A_169 {add = true} : memref<32x768xf32, #tpu.memory_space<vmem>>[vector<16xi32>, vector<16xi32>], vector<16xf32>,
      %add3A_179 = arith.constant 576 : i32
      %add3A_180 = vector.broadcast %add3A_179 : i32 to vector<16xi32>
      %add3A_181 = arith.addi %get3A_163, %add3A_180 : vector<16xi32>
      %mul3A_182 = arith.mulf %get3A_166, %get3A_169 : vector<16xf32>
      tpu.vector_store_idx %arg9[%add3A_172, %add3A_181], %mul3A_182 {add = true} : memref<32x768xf32, #tpu.memory_space<vmem>>[vector<16xi32>, vector<16xi32>], vector<16xf32>,
    }
    %scan3A_62 = arith.constant 32 : i32
    %add3A_63 = arith.constant 0 : i32
    %add3A_64 = arith.addi %mul3A_2, %add3A_63 : i32
    %dma_start3A_65 = arith.constant 0 : i32
    %dma_start3A_66 = tpu.memref_slice %arg5[%add3A_64, %dma_start3A_65] : memref<4096x768xf32, #tpu.memory_space<hbm>> -> memref<32x768xf32, #tpu.memory_space<hbm>>
    %dma_start3A_67 = arith.constant 0 : i32
    %dma_start3A_68 = tpu.memref_slice %arg5[%add3A_64, %dma_start3A_67] : memref<4096x768xf32, #tpu.memory_space<hbm>> -> memref<32x768xf32, #tpu.memory_space<hbm>>
    tpu.enqueue_dma source(%arg9 : memref<32x768xf32, #tpu.memory_space<vmem>>) target(%dma_start3A_68 : memref<32x768xf32, #tpu.memory_space<hbm>>) target_semaphore(%arg11 : memref<!tpu.dma_semaphore, #tpu.memory_space<semaphore_mem>>)
    %scan3A_69 = arith.constant 0 : i32
    %scan3A_70 = arith.constant 0 : i32
    %scan3A_71 = arith.constant 32 : i32
    %scan3A_72 = arith.addi %scan3A_70, %scan3A_71 : i32
    %scan3A_73 = arith.constant 1 : i32
    scf.for %scan3A_139 = %scan3A_70 to %scan3A_72 step %scan3A_73  : i32 {
      %swap3A = arith.index_cast %scan3A_139 : i32 to index
      %swap3A_140 = arith.constant 0 : index
      %swap3A_141 = tpu.vector_load %arg10[%swap3A, %swap3A_140] {strides = array<i32>} : memref<32x768xf32, #tpu.memory_space<vmem>>, vector<16xf32>,
      tpu.vector_store %arg10[%swap3A, %swap3A_140], %broadcast_in_dim3A_26 {strides = array<i32>} : memref<32x768xf32, #tpu.memory_space<vmem>>, vector<16xf32>,
      %swap3A_142 = arith.index_cast %scan3A_139 : i32 to index
      %swap3A_143 = arith.constant 16 : index
      %swap3A_144 = tpu.vector_load %arg10[%swap3A_142, %swap3A_143] {strides = array<i32>} : memref<32x768xf32, #tpu.memory_space<vmem>>, vector<16xf32>,
      tpu.vector_store %arg10[%swap3A_142, %swap3A_143], %broadcast_in_dim3A_26 {strides = array<i32>} : memref<32x768xf32, #tpu.memory_space<vmem>>, vector<16xf32>,
      %swap3A_145 = arith.index_cast %scan3A_139 : i32 to index
      %swap3A_146 = arith.constant 32 : index
      %swap3A_147 = tpu.vector_load %arg10[%swap3A_145, %swap3A_146] {strides = array<i32>} : memref<32x768xf32, #tpu.memory_space<vmem>>, vector<16xf32>,
      tpu.vector_store %arg10[%swap3A_145, %swap3A_146], %broadcast_in_dim3A_26 {strides = array<i32>} : memref<32x768xf32, #tpu.memory_space<vmem>>, vector<16xf32>,
      %swap3A_148 = arith.index_cast %scan3A_139 : i32 to index
      %swap3A_149 = arith.constant 48 : index
      %swap3A_150 = tpu.vector_load %arg10[%swap3A_148, %swap3A_149] {strides = array<i32>} : memref<32x768xf32, #tpu.memory_space<vmem>>, vector<16xf32>,
      tpu.vector_store %arg10[%swap3A_148, %swap3A_149], %broadcast_in_dim3A_26 {strides = array<i32>} : memref<32x768xf32, #tpu.memory_space<vmem>>, vector<16xf32>,
      %swap3A_151 = arith.index_cast %scan3A_139 : i32 to index
      %swap3A_152 = arith.constant 64 : index
      %swap3A_153 = tpu.vector_load %arg10[%swap3A_151, %swap3A_152] {strides = array<i32>} : memref<32x768xf32, #tpu.memory_space<vmem>>, vector<16xf32>,
      tpu.vector_store %arg10[%swap3A_151, %swap3A_152], %broadcast_in_dim3A_26 {strides = array<i32>} : memref<32x768xf32, #tpu.memory_space<vmem>>, vector<16xf32>,
      %swap3A_154 = arith.index_cast %scan3A_139 : i32 to index
      %swap3A_155 = arith.constant 80 : index
      %swap3A_156 = tpu.vector_load %arg10[%swap3A_154, %swap3A_155] {strides = array<i32>} : memref<32x768xf32, #tpu.memory_space<vmem>>, vector<16xf32>,
      tpu.vector_store %arg10[%swap3A_154, %swap3A_155], %broadcast_in_dim3A_26 {strides = array<i32>} : memref<32x768xf32, #tpu.memory_space<vmem>>, vector<16xf32>,
      %swap3A_157 = arith.index_cast %scan3A_139 : i32 to index
      %swap3A_158 = arith.constant 96 : index
      %swap3A_159 = tpu.vector_load %arg10[%swap3A_157, %swap3A_158] {strides = array<i32>} : memref<32x768xf32, #tpu.memory_space<vmem>>, vector<16xf32>,
      tpu.vector_store %arg10[%swap3A_157, %swap3A_158], %broadcast_in_dim3A_26 {strides = array<i32>} : memref<32x768xf32, #tpu.memory_space<vmem>>, vector<16xf32>,
      %swap3A_160 = arith.index_cast %scan3A_139 : i32 to index
      %swap3A_161 = arith.constant 112 : index
      %swap3A_162 = tpu.vector_load %arg10[%swap3A_160, %swap3A_161] {strides = array<i32>} : memref<32x768xf32, #tpu.memory_space<vmem>>, vector<16xf32>,
      tpu.vector_store %arg10[%swap3A_160, %swap3A_161], %broadcast_in_dim3A_26 {strides = array<i32>} : memref<32x768xf32, #tpu.memory_space<vmem>>, vector<16xf32>,
      %swap3A_163 = arith.index_cast %scan3A_139 : i32 to index
      %swap3A_164 = arith.constant 128 : index
      %swap3A_165 = tpu.vector_load %arg10[%swap3A_163, %swap3A_164] {strides = array<i32>} : memref<32x768xf32, #tpu.memory_space<vmem>>, vector<16xf32>,
      tpu.vector_store %arg10[%swap3A_163, %swap3A_164], %broadcast_in_dim3A_26 {strides = array<i32>} : memref<32x768xf32, #tpu.memory_space<vmem>>, vector<16xf32>,
      %swap3A_166 = arith.index_cast %scan3A_139 : i32 to index
      %swap3A_167 = arith.constant 144 : index
      %swap3A_168 = tpu.vector_load %arg10[%swap3A_166, %swap3A_167] {strides = array<i32>} : memref<32x768xf32, #tpu.memory_space<vmem>>, vector<16xf32>,
      tpu.vector_store %arg10[%swap3A_166, %swap3A_167], %broadcast_in_dim3A_26 {strides = array<i32>} : memref<32x768xf32, #tpu.memory_space<vmem>>, vector<16xf32>,
      %swap3A_169 = arith.index_cast %scan3A_139 : i32 to index
      %swap3A_170 = arith.constant 160 : index
      %swap3A_171 = tpu.vector_load %arg10[%swap3A_169, %swap3A_170] {strides = array<i32>} : memref<32x768xf32, #tpu.memory_space<vmem>>, vector<16xf32>,
      tpu.vector_store %arg10[%swap3A_169, %swap3A_170], %broadcast_in_dim3A_26 {strides = array<i32>} : memref<32x768xf32, #tpu.memory_space<vmem>>, vector<16xf32>,
      %swap3A_172 = arith.index_cast %scan3A_139 : i32 to index
      %swap3A_173 = arith.constant 176 : index
      %swap3A_174 = tpu.vector_load %arg10[%swap3A_172, %swap3A_173] {strides = array<i32>} : memref<32x768xf32, #tpu.memory_space<vmem>>, vector<16xf32>,
      tpu.vector_store %arg10[%swap3A_172, %swap3A_173], %broadcast_in_dim3A_26 {strides = array<i32>} : memref<32x768xf32, #tpu.memory_space<vmem>>, vector<16xf32>,
      %swap3A_175 = arith.index_cast %scan3A_139 : i32 to index
      %swap3A_176 = arith.constant 192 : index
      %swap3A_177 = tpu.vector_load %arg10[%swap3A_175, %swap3A_176] {strides = array<i32>} : memref<32x768xf32, #tpu.memory_space<vmem>>, vector<16xf32>,
      tpu.vector_store %arg10[%swap3A_175, %swap3A_176], %broadcast_in_dim3A_26 {strides = array<i32>} : memref<32x768xf32, #tpu.memory_space<vmem>>, vector<16xf32>,
      %swap3A_178 = arith.index_cast %scan3A_139 : i32 to index
      %swap3A_179 = arith.constant 208 : index
      %swap3A_180 = tpu.vector_load %arg10[%swap3A_178, %swap3A_179] {strides = array<i32>} : memref<32x768xf32, #tpu.memory_space<vmem>>, vector<16xf32>,
      tpu.vector_store %arg10[%swap3A_178, %swap3A_179], %broadcast_in_dim3A_26 {strides = array<i32>} : memref<32x768xf32, #tpu.memory_space<vmem>>, vector<16xf32>,
      %swap3A_181 = arith.index_cast %scan3A_139 : i32 to index
      %swap3A_182 = arith.constant 224 : index
      %swap3A_183 = tpu.vector_load %arg10[%swap3A_181, %swap3A_182] {strides = array<i32>} : memref<32x768xf32, #tpu.memory_space<vmem>>, vector<16xf32>,
      tpu.vector_store %arg10[%swap3A_181, %swap3A_182], %broadcast_in_dim3A_26 {strides = array<i32>} : memref<32x768xf32, #tpu.memory_space<vmem>>, vector<16xf32>,
      %swap3A_184 = arith.index_cast %scan3A_139 : i32 to index
      %swap3A_185 = arith.constant 240 : index
      %swap3A_186 = tpu.vector_load %arg10[%swap3A_184, %swap3A_185] {strides = array<i32>} : memref<32x768xf32, #tpu.memory_space<vmem>>, vector<16xf32>,
      tpu.vector_store %arg10[%swap3A_184, %swap3A_185], %broadcast_in_dim3A_26 {strides = array<i32>} : memref<32x768xf32, #tpu.memory_space<vmem>>, vector<16xf32>,
      %swap3A_187 = arith.index_cast %scan3A_139 : i32 to index
      %swap3A_188 = arith.constant 256 : index
      %swap3A_189 = tpu.vector_load %arg10[%swap3A_187, %swap3A_188] {strides = array<i32>} : memref<32x768xf32, #tpu.memory_space<vmem>>, vector<16xf32>,
      tpu.vector_store %arg10[%swap3A_187, %swap3A_188], %broadcast_in_dim3A_26 {strides = array<i32>} : memref<32x768xf32, #tpu.memory_space<vmem>>, vector<16xf32>,
      %swap3A_190 = arith.index_cast %scan3A_139 : i32 to index
      %swap3A_191 = arith.constant 272 : index
      %swap3A_192 = tpu.vector_load %arg10[%swap3A_190, %swap3A_191] {strides = array<i32>} : memref<32x768xf32, #tpu.memory_space<vmem>>, vector<16xf32>,
      tpu.vector_store %arg10[%swap3A_190, %swap3A_191], %broadcast_in_dim3A_26 {strides = array<i32>} : memref<32x768xf32, #tpu.memory_space<vmem>>, vector<16xf32>,
      %swap3A_193 = arith.index_cast %scan3A_139 : i32 to index
      %swap3A_194 = arith.constant 288 : index
      %swap3A_195 = tpu.vector_load %arg10[%swap3A_193, %swap3A_194] {strides = array<i32>} : memref<32x768xf32, #tpu.memory_space<vmem>>, vector<16xf32>,
      tpu.vector_store %arg10[%swap3A_193, %swap3A_194], %broadcast_in_dim3A_26 {strides = array<i32>} : memref<32x768xf32, #tpu.memory_space<vmem>>, vector<16xf32>,
      %swap3A_196 = arith.index_cast %scan3A_139 : i32 to index
      %swap3A_197 = arith.constant 304 : index
      %swap3A_198 = tpu.vector_load %arg10[%swap3A_196, %swap3A_197] {strides = array<i32>} : memref<32x768xf32, #tpu.memory_space<vmem>>, vector<16xf32>,
      tpu.vector_store %arg10[%swap3A_196, %swap3A_197], %broadcast_in_dim3A_26 {strides = array<i32>} : memref<32x768xf32, #tpu.memory_space<vmem>>, vector<16xf32>,
      %swap3A_199 = arith.index_cast %scan3A_139 : i32 to index
      %swap3A_200 = arith.constant 320 : index
      %swap3A_201 = tpu.vector_load %arg10[%swap3A_199, %swap3A_200] {strides = array<i32>} : memref<32x768xf32, #tpu.memory_space<vmem>>, vector<16xf32>,
      tpu.vector_store %arg10[%swap3A_199, %swap3A_200], %broadcast_in_dim3A_26 {strides = array<i32>} : memref<32x768xf32, #tpu.memory_space<vmem>>, vector<16xf32>,
      %swap3A_202 = arith.index_cast %scan3A_139 : i32 to index
      %swap3A_203 = arith.constant 336 : index
      %swap3A_204 = tpu.vector_load %arg10[%swap3A_202, %swap3A_203] {strides = array<i32>} : memref<32x768xf32, #tpu.memory_space<vmem>>, vector<16xf32>,
      tpu.vector_store %arg10[%swap3A_202, %swap3A_203], %broadcast_in_dim3A_26 {strides = array<i32>} : memref<32x768xf32, #tpu.memory_space<vmem>>, vector<16xf32>,
      %swap3A_205 = arith.index_cast %scan3A_139 : i32 to index
      %swap3A_206 = arith.constant 352 : index
      %swap3A_207 = tpu.vector_load %arg10[%swap3A_205, %swap3A_206] {strides = array<i32>} : memref<32x768xf32, #tpu.memory_space<vmem>>, vector<16xf32>,
      tpu.vector_store %arg10[%swap3A_205, %swap3A_206], %broadcast_in_dim3A_26 {strides = array<i32>} : memref<32x768xf32, #tpu.memory_space<vmem>>, vector<16xf32>,
      %swap3A_208 = arith.index_cast %scan3A_139 : i32 to index
      %swap3A_209 = arith.constant 368 : index
      %swap3A_210 = tpu.vector_load %arg10[%swap3A_208, %swap3A_209] {strides = array<i32>} : memref<32x768xf32, #tpu.memory_space<vmem>>, vector<16xf32>,
      tpu.vector_store %arg10[%swap3A_208, %swap3A_209], %broadcast_in_dim3A_26 {strides = array<i32>} : memref<32x768xf32, #tpu.memory_space<vmem>>, vector<16xf32>,
      %swap3A_211 = arith.index_cast %scan3A_139 : i32 to index
      %swap3A_212 = arith.constant 384 : index
      %swap3A_213 = tpu.vector_load %arg10[%swap3A_211, %swap3A_212] {strides = array<i32>} : memref<32x768xf32, #tpu.memory_space<vmem>>, vector<16xf32>,
      tpu.vector_store %arg10[%swap3A_211, %swap3A_212], %broadcast_in_dim3A_26 {strides = array<i32>} : memref<32x768xf32, #tpu.memory_space<vmem>>, vector<16xf32>,
      %swap3A_214 = arith.index_cast %scan3A_139 : i32 to index
      %swap3A_215 = arith.constant 400 : index
      %swap3A_216 = tpu.vector_load %arg10[%swap3A_214, %swap3A_215] {strides = array<i32>} : memref<32x768xf32, #tpu.memory_space<vmem>>, vector<16xf32>,
      tpu.vector_store %arg10[%swap3A_214, %swap3A_215], %broadcast_in_dim3A_26 {strides = array<i32>} : memref<32x768xf32, #tpu.memory_space<vmem>>, vector<16xf32>,
      %swap3A_217 = arith.index_cast %scan3A_139 : i32 to index
      %swap3A_218 = arith.constant 416 : index
      %swap3A_219 = tpu.vector_load %arg10[%swap3A_217, %swap3A_218] {strides = array<i32>} : memref<32x768xf32, #tpu.memory_space<vmem>>, vector<16xf32>,
      tpu.vector_store %arg10[%swap3A_217, %swap3A_218], %broadcast_in_dim3A_26 {strides = array<i32>} : memref<32x768xf32, #tpu.memory_space<vmem>>, vector<16xf32>,
      %swap3A_220 = arith.index_cast %scan3A_139 : i32 to index
      %swap3A_221 = arith.constant 432 : index
      %swap3A_222 = tpu.vector_load %arg10[%swap3A_220, %swap3A_221] {strides = array<i32>} : memref<32x768xf32, #tpu.memory_space<vmem>>, vector<16xf32>,
      tpu.vector_store %arg10[%swap3A_220, %swap3A_221], %broadcast_in_dim3A_26 {strides = array<i32>} : memref<32x768xf32, #tpu.memory_space<vmem>>, vector<16xf32>,
      %swap3A_223 = arith.index_cast %scan3A_139 : i32 to index
      %swap3A_224 = arith.constant 448 : index
      %swap3A_225 = tpu.vector_load %arg10[%swap3A_223, %swap3A_224] {strides = array<i32>} : memref<32x768xf32, #tpu.memory_space<vmem>>, vector<16xf32>,
      tpu.vector_store %arg10[%swap3A_223, %swap3A_224], %broadcast_in_dim3A_26 {strides = array<i32>} : memref<32x768xf32, #tpu.memory_space<vmem>>, vector<16xf32>,
      %swap3A_226 = arith.index_cast %scan3A_139 : i32 to index
      %swap3A_227 = arith.constant 464 : index
      %swap3A_228 = tpu.vector_load %arg10[%swap3A_226, %swap3A_227] {strides = array<i32>} : memref<32x768xf32, #tpu.memory_space<vmem>>, vector<16xf32>,
      tpu.vector_store %arg10[%swap3A_226, %swap3A_227], %broadcast_in_dim3A_26 {strides = array<i32>} : memref<32x768xf32, #tpu.memory_space<vmem>>, vector<16xf32>,
      %swap3A_229 = arith.index_cast %scan3A_139 : i32 to index
      %swap3A_230 = arith.constant 480 : index
      %swap3A_231 = tpu.vector_load %arg10[%swap3A_229, %swap3A_230] {strides = array<i32>} : memref<32x768xf32, #tpu.memory_space<vmem>>, vector<16xf32>,
      tpu.vector_store %arg10[%swap3A_229, %swap3A_230], %broadcast_in_dim3A_26 {strides = array<i32>} : memref<32x768xf32, #tpu.memory_space<vmem>>, vector<16xf32>,
      %swap3A_232 = arith.index_cast %scan3A_139 : i32 to index
      %swap3A_233 = arith.constant 496 : index
      %swap3A_234 = tpu.vector_load %arg10[%swap3A_232, %swap3A_233] {strides = array<i32>} : memref<32x768xf32, #tpu.memory_space<vmem>>, vector<16xf32>,
      tpu.vector_store %arg10[%swap3A_232, %swap3A_233], %broadcast_in_dim3A_26 {strides = array<i32>} : memref<32x768xf32, #tpu.memory_space<vmem>>, vector<16xf32>,
      %swap3A_235 = arith.index_cast %scan3A_139 : i32 to index
      %swap3A_236 = arith.constant 512 : index
      %swap3A_237 = tpu.vector_load %arg10[%swap3A_235, %swap3A_236] {strides = array<i32>} : memref<32x768xf32, #tpu.memory_space<vmem>>, vector<16xf32>,
      tpu.vector_store %arg10[%swap3A_235, %swap3A_236], %broadcast_in_dim3A_26 {strides = array<i32>} : memref<32x768xf32, #tpu.memory_space<vmem>>, vector<16xf32>,
      %swap3A_238 = arith.index_cast %scan3A_139 : i32 to index
      %swap3A_239 = arith.constant 528 : index
      %swap3A_240 = tpu.vector_load %arg10[%swap3A_238, %swap3A_239] {strides = array<i32>} : memref<32x768xf32, #tpu.memory_space<vmem>>, vector<16xf32>,
      tpu.vector_store %arg10[%swap3A_238, %swap3A_239], %broadcast_in_dim3A_26 {strides = array<i32>} : memref<32x768xf32, #tpu.memory_space<vmem>>, vector<16xf32>,
      %swap3A_241 = arith.index_cast %scan3A_139 : i32 to index
      %swap3A_242 = arith.constant 544 : index
      %swap3A_243 = tpu.vector_load %arg10[%swap3A_241, %swap3A_242] {strides = array<i32>} : memref<32x768xf32, #tpu.memory_space<vmem>>, vector<16xf32>,
      tpu.vector_store %arg10[%swap3A_241, %swap3A_242], %broadcast_in_dim3A_26 {strides = array<i32>} : memref<32x768xf32, #tpu.memory_space<vmem>>, vector<16xf32>,
      %swap3A_244 = arith.index_cast %scan3A_139 : i32 to index
      %swap3A_245 = arith.constant 560 : index
      %swap3A_246 = tpu.vector_load %arg10[%swap3A_244, %swap3A_245] {strides = array<i32>} : memref<32x768xf32, #tpu.memory_space<vmem>>, vector<16xf32>,
      tpu.vector_store %arg10[%swap3A_244, %swap3A_245], %broadcast_in_dim3A_26 {strides = array<i32>} : memref<32x768xf32, #tpu.memory_space<vmem>>, vector<16xf32>,
      %swap3A_247 = arith.index_cast %scan3A_139 : i32 to index
      %swap3A_248 = arith.constant 576 : index
      %swap3A_249 = tpu.vector_load %arg10[%swap3A_247, %swap3A_248] {strides = array<i32>} : memref<32x768xf32, #tpu.memory_space<vmem>>, vector<16xf32>,
      tpu.vector_store %arg10[%swap3A_247, %swap3A_248], %broadcast_in_dim3A_26 {strides = array<i32>} : memref<32x768xf32, #tpu.memory_space<vmem>>, vector<16xf32>,
      %swap3A_250 = arith.index_cast %scan3A_139 : i32 to index
      %swap3A_251 = arith.constant 592 : index
      %swap3A_252 = tpu.vector_load %arg10[%swap3A_250, %swap3A_251] {strides = array<i32>} : memref<32x768xf32, #tpu.memory_space<vmem>>, vector<16xf32>,
      tpu.vector_store %arg10[%swap3A_250, %swap3A_251], %broadcast_in_dim3A_26 {strides = array<i32>} : memref<32x768xf32, #tpu.memory_space<vmem>>, vector<16xf32>,
      %swap3A_253 = arith.index_cast %scan3A_139 : i32 to index
      %swap3A_254 = arith.constant 608 : index
      %swap3A_255 = tpu.vector_load %arg10[%swap3A_253, %swap3A_254] {strides = array<i32>} : memref<32x768xf32, #tpu.memory_space<vmem>>, vector<16xf32>,
      tpu.vector_store %arg10[%swap3A_253, %swap3A_254], %broadcast_in_dim3A_26 {strides = array<i32>} : memref<32x768xf32, #tpu.memory_space<vmem>>, vector<16xf32>,
      %swap3A_256 = arith.index_cast %scan3A_139 : i32 to index
      %swap3A_257 = arith.constant 624 : index
      %swap3A_258 = tpu.vector_load %arg10[%swap3A_256, %swap3A_257] {strides = array<i32>} : memref<32x768xf32, #tpu.memory_space<vmem>>, vector<16xf32>,
      tpu.vector_store %arg10[%swap3A_256, %swap3A_257], %broadcast_in_dim3A_26 {strides = array<i32>} : memref<32x768xf32, #tpu.memory_space<vmem>>, vector<16xf32>,
      %swap3A_259 = arith.index_cast %scan3A_139 : i32 to index
      %swap3A_260 = arith.constant 640 : index
      %swap3A_261 = tpu.vector_load %arg10[%swap3A_259, %swap3A_260] {strides = array<i32>} : memref<32x768xf32, #tpu.memory_space<vmem>>, vector<16xf32>,
      tpu.vector_store %arg10[%swap3A_259, %swap3A_260], %broadcast_in_dim3A_26 {strides = array<i32>} : memref<32x768xf32, #tpu.memory_space<vmem>>, vector<16xf32>,
      %swap3A_262 = arith.index_cast %scan3A_139 : i32 to index
      %swap3A_263 = arith.constant 656 : index
      %swap3A_264 = tpu.vector_load %arg10[%swap3A_262, %swap3A_263] {strides = array<i32>} : memref<32x768xf32, #tpu.memory_space<vmem>>, vector<16xf32>,
      tpu.vector_store %arg10[%swap3A_262, %swap3A_263], %broadcast_in_dim3A_26 {strides = array<i32>} : memref<32x768xf32, #tpu.memory_space<vmem>>, vector<16xf32>,
      %swap3A_265 = arith.index_cast %scan3A_139 : i32 to index
      %swap3A_266 = arith.constant 672 : index
      %swap3A_267 = tpu.vector_load %arg10[%swap3A_265, %swap3A_266] {strides = array<i32>} : memref<32x768xf32, #tpu.memory_space<vmem>>, vector<16xf32>,
      tpu.vector_store %arg10[%swap3A_265, %swap3A_266], %broadcast_in_dim3A_26 {strides = array<i32>} : memref<32x768xf32, #tpu.memory_space<vmem>>, vector<16xf32>,
      %swap3A_268 = arith.index_cast %scan3A_139 : i32 to index
      %swap3A_269 = arith.constant 688 : index
      %swap3A_270 = tpu.vector_load %arg10[%swap3A_268, %swap3A_269] {strides = array<i32>} : memref<32x768xf32, #tpu.memory_space<vmem>>, vector<16xf32>,
      tpu.vector_store %arg10[%swap3A_268, %swap3A_269], %broadcast_in_dim3A_26 {strides = array<i32>} : memref<32x768xf32, #tpu.memory_space<vmem>>, vector<16xf32>,
      %swap3A_271 = arith.index_cast %scan3A_139 : i32 to index
      %swap3A_272 = arith.constant 704 : index
      %swap3A_273 = tpu.vector_load %arg10[%swap3A_271, %swap3A_272] {strides = array<i32>} : memref<32x768xf32, #tpu.memory_space<vmem>>, vector<16xf32>,
      tpu.vector_store %arg10[%swap3A_271, %swap3A_272], %broadcast_in_dim3A_26 {strides = array<i32>} : memref<32x768xf32, #tpu.memory_space<vmem>>, vector<16xf32>,
      %swap3A_274 = arith.index_cast %scan3A_139 : i32 to index
      %swap3A_275 = arith.constant 720 : index
      %swap3A_276 = tpu.vector_load %arg10[%swap3A_274, %swap3A_275] {strides = array<i32>} : memref<32x768xf32, #tpu.memory_space<vmem>>, vector<16xf32>,
      tpu.vector_store %arg10[%swap3A_274, %swap3A_275], %broadcast_in_dim3A_26 {strides = array<i32>} : memref<32x768xf32, #tpu.memory_space<vmem>>, vector<16xf32>,
      %swap3A_277 = arith.index_cast %scan3A_139 : i32 to index
      %swap3A_278 = arith.constant 736 : index
      %swap3A_279 = tpu.vector_load %arg10[%swap3A_277, %swap3A_278] {strides = array<i32>} : memref<32x768xf32, #tpu.memory_space<vmem>>, vector<16xf32>,
      tpu.vector_store %arg10[%swap3A_277, %swap3A_278], %broadcast_in_dim3A_26 {strides = array<i32>} : memref<32x768xf32, #tpu.memory_space<vmem>>, vector<16xf32>,
      %swap3A_280 = arith.index_cast %scan3A_139 : i32 to index
      %swap3A_281 = arith.constant 752 : index
      %swap3A_282 = tpu.vector_load %arg10[%swap3A_280, %swap3A_281] {strides = array<i32>} : memref<32x768xf32, #tpu.memory_space<vmem>>, vector<16xf32>,
      tpu.vector_store %arg10[%swap3A_280, %swap3A_281], %broadcast_in_dim3A_26 {strides = array<i32>} : memref<32x768xf32, #tpu.memory_space<vmem>>, vector<16xf32>,
    }
    %scan3A_74 = arith.constant 32 : i32
    %scan3A_75 = arith.constant 0 : i32
    %scan3A_76 = arith.constant 0 : i32
    %scan3A_77 = arith.constant 32 : i32
    %scan3A_78 = arith.addi %scan3A_76, %scan3A_77 : i32
    %scan3A_79 = arith.constant 1 : i32
    scf.for %scan3A_139 = %scan3A_76 to %scan3A_78 step %scan3A_79  : i32 {
      %get3A = arith.index_cast %scan3A_139 : i32 to index
      %get3A_140 = arith.constant 32 : index
      %get3A_141 = tpu.vector_load %arg6[%get3A, %get3A_140] {strides = array<i32>} : memref<32x128xi32, #tpu.memory_space<vmem>>, vector<16xi32>,
      %get3A_142 = arith.index_cast %scan3A_139 : i32 to index
      %get3A_143 = arith.constant 32 : index
      %get3A_144 = tpu.vector_load %arg7[%get3A_142, %get3A_143] {strides = array<i32>} : memref<32x128xf32, #tpu.memory_space<vmem>>, vector<16xf32>,
      %get3A_145 = arith.index_cast %scan3A_139 : i32 to index
      %get3A_146 = arith.constant 32 : index
      %get3A_147 = tpu.vector_load %arg8[%get3A_145, %get3A_146] {strides = array<i32>} : memref<32x128xf32, #tpu.memory_space<vmem>>, vector<16xf32>,
      %add3A_148 = arith.constant 0 : i32
      %add3A_149 = vector.broadcast %add3A_148 : i32 to vector<16xi32>
      %add3A_150 = arith.addi %add3A_149, %iota3A : vector<16xi32>
      tpu.vector_store_idx %arg10[%add3A_150, %get3A_141], %broadcast_in_dim3A_28 {add = true} : memref<32x768xf32, #tpu.memory_space<vmem>>[vector<16xi32>, vector<16xi32>], vector<16xf32>,
      %add3A_151 = arith.constant 192 : i32
      %add3A_152 = vector.broadcast %add3A_151 : i32 to vector<16xi32>
      %add3A_153 = arith.addi %get3A_141, %add3A_152 : vector<16xi32>
      tpu.vector_store_idx %arg10[%add3A_150, %add3A_153], %get3A_144 {add = true} : memref<32x768xf32, #tpu.memory_space<vmem>>[vector<16xi32>, vector<16xi32>], vector<16xf32>,
      %add3A_154 = arith.constant 384 : i32
      %add3A_155 = vector.broadcast %add3A_154 : i32 to vector<16xi32>
      %add3A_156 = arith.addi %get3A_141, %add3A_155 : vector<16xi32>
      tpu.vector_store_idx %arg10[%add3A_150, %add3A_156], %get3A_147 {add = true} : memref<32x768xf32, #tpu.memory_space<vmem>>[vector<16xi32>, vector<16xi32>], vector<16xf32>,
      %add3A_157 = arith.constant 576 : i32
      %add3A_158 = vector.broadcast %add3A_157 : i32 to vector<16xi32>
      %add3A_159 = arith.addi %get3A_141, %add3A_158 : vector<16xi32>
      %mul3A_160 = arith.mulf %get3A_144, %get3A_147 : vector<16xf32>
      tpu.vector_store_idx %arg10[%add3A_150, %add3A_159], %mul3A_160 {add = true} : memref<32x768xf32, #tpu.memory_space<vmem>>[vector<16xi32>, vector<16xi32>], vector<16xf32>,
      %get3A_161 = arith.index_cast %scan3A_139 : i32 to index
      %get3A_162 = arith.constant 48 : index
      %get3A_163 = tpu.vector_load %arg6[%get3A_161, %get3A_162] {strides = array<i32>} : memref<32x128xi32, #tpu.memory_space<vmem>>, vector<16xi32>,
      %get3A_164 = arith.index_cast %scan3A_139 : i32 to index
      %get3A_165 = arith.constant 48 : index
      %get3A_166 = tpu.vector_load %arg7[%get3A_164, %get3A_165] {strides = array<i32>} : memref<32x128xf32, #tpu.memory_space<vmem>>, vector<16xf32>,
      %get3A_167 = arith.index_cast %scan3A_139 : i32 to index
      %get3A_168 = arith.constant 48 : index
      %get3A_169 = tpu.vector_load %arg8[%get3A_167, %get3A_168] {strides = array<i32>} : memref<32x128xf32, #tpu.memory_space<vmem>>, vector<16xf32>,
      %add3A_170 = arith.constant 16 : i32
      %add3A_171 = vector.broadcast %add3A_170 : i32 to vector<16xi32>
      %add3A_172 = arith.addi %add3A_171, %iota3A : vector<16xi32>
      tpu.vector_store_idx %arg10[%add3A_172, %get3A_163], %broadcast_in_dim3A_28 {add = true} : memref<32x768xf32, #tpu.memory_space<vmem>>[vector<16xi32>, vector<16xi32>], vector<16xf32>,
      %add3A_173 = arith.constant 192 : i32
      %add3A_174 = vector.broadcast %add3A_173 : i32 to vector<16xi32>
      %add3A_175 = arith.addi %get3A_163, %add3A_174 : vector<16xi32>
      tpu.vector_store_idx %arg10[%add3A_172, %add3A_175], %get3A_166 {add = true} : memref<32x768xf32, #tpu.memory_space<vmem>>[vector<16xi32>, vector<16xi32>], vector<16xf32>,
      %add3A_176 = arith.constant 384 : i32
      %add3A_177 = vector.broadcast %add3A_176 : i32 to vector<16xi32>
      %add3A_178 = arith.addi %get3A_163, %add3A_177 : vector<16xi32>
      tpu.vector_store_idx %arg10[%add3A_172, %add3A_178], %get3A_169 {add = true} : memref<32x768xf32, #tpu.memory_space<vmem>>[vector<16xi32>, vector<16xi32>], vector<16xf32>,
      %add3A_179 = arith.constant 576 : i32
      %add3A_180 = vector.broadcast %add3A_179 : i32 to vector<16xi32>
      %add3A_181 = arith.addi %get3A_163, %add3A_180 : vector<16xi32>
      %mul3A_182 = arith.mulf %get3A_166, %get3A_169 : vector<16xf32>
      tpu.vector_store_idx %arg10[%add3A_172, %add3A_181], %mul3A_182 {add = true} : memref<32x768xf32, #tpu.memory_space<vmem>>[vector<16xi32>, vector<16xi32>], vector<16xf32>,
    }
    %scan3A_80 = arith.constant 32 : i32
    %add3A_81 = arith.constant 32 : i32
    %add3A_82 = arith.addi %mul3A_2, %add3A_81 : i32
    %dma_start3A_83 = arith.constant 0 : i32
    %dma_start3A_84 = tpu.memref_slice %arg5[%add3A_82, %dma_start3A_83] : memref<4096x768xf32, #tpu.memory_space<hbm>> -> memref<32x768xf32, #tpu.memory_space<hbm>>
    %dma_start3A_85 = arith.constant 0 : i32
    %dma_start3A_86 = tpu.memref_slice %arg5[%add3A_82, %dma_start3A_85] : memref<4096x768xf32, #tpu.memory_space<hbm>> -> memref<32x768xf32, #tpu.memory_space<hbm>>
    tpu.enqueue_dma source(%arg10 : memref<32x768xf32, #tpu.memory_space<vmem>>) target(%dma_start3A_86 : memref<32x768xf32, #tpu.memory_space<hbm>>) target_semaphore(%arg11 : memref<!tpu.dma_semaphore, #tpu.memory_space<semaphore_mem>>)
    %dma_wait3A_87 = arith.constant 0 : i32
    %dma_wait3A_88 = tpu.memref_slice %arg5[%add3A_64, %dma_wait3A_87] : memref<4096x768xf32, #tpu.memory_space<hbm>> -> memref<32x768xf32, #tpu.memory_space<hbm>>
    %dma_wait3A_89 = arith.constant 0 : i32
    %dma_wait3A_90 = tpu.memref_slice %arg5[%add3A_64, %dma_wait3A_89] : memref<4096x768xf32, #tpu.memory_space<hbm>> -> memref<32x768xf32, #tpu.memory_space<hbm>>
    tpu.wait_dma2 semaphore(%arg11 : memref<!tpu.dma_semaphore, #tpu.memory_space<semaphore_mem>>) src(%arg9 : memref<32x768xf32, #tpu.memory_space<vmem>>) dst(%dma_wait3A_90 : memref<32x768xf32, #tpu.memory_space<hbm>>)
    %scan3A_91 = arith.constant 0 : i32
    %scan3A_92 = arith.constant 0 : i32
    %scan3A_93 = arith.constant 32 : i32
    %scan3A_94 = arith.addi %scan3A_92, %scan3A_93 : i32
    %scan3A_95 = arith.constant 1 : i32
    scf.for %scan3A_139 = %scan3A_92 to %scan3A_94 step %scan3A_95  : i32 {
      %swap3A = arith.index_cast %scan3A_139 : i32 to index
      %swap3A_140 = arith.constant 0 : index
      %swap3A_141 = tpu.vector_load %arg9[%swap3A, %swap3A_140] {strides = array<i32>} : memref<32x768xf32, #tpu.memory_space<vmem>>, vector<16xf32>,
      tpu.vector_store %arg9[%swap3A, %swap3A_140], %broadcast_in_dim3A_26 {strides = array<i32>} : memref<32x768xf32, #tpu.memory_space<vmem>>, vector<16xf32>,
      %swap3A_142 = arith.index_cast %scan3A_139 : i32 to index
      %swap3A_143 = arith.constant 16 : index
      %swap3A_144 = tpu.vector_load %arg9[%swap3A_142, %swap3A_143] {strides = array<i32>} : memref<32x768xf32, #tpu.memory_space<vmem>>, vector<16xf32>,
      tpu.vector_store %arg9[%swap3A_142, %swap3A_143], %broadcast_in_dim3A_26 {strides = array<i32>} : memref<32x768xf32, #tpu.memory_space<vmem>>, vector<16xf32>,
      %swap3A_145 = arith.index_cast %scan3A_139 : i32 to index
      %swap3A_146 = arith.constant 32 : index
      %swap3A_147 = tpu.vector_load %arg9[%swap3A_145, %swap3A_146] {strides = array<i32>} : memref<32x768xf32, #tpu.memory_space<vmem>>, vector<16xf32>,
      tpu.vector_store %arg9[%swap3A_145, %swap3A_146], %broadcast_in_dim3A_26 {strides = array<i32>} : memref<32x768xf32, #tpu.memory_space<vmem>>, vector<16xf32>,
      %swap3A_148 = arith.index_cast %scan3A_139 : i32 to index
      %swap3A_149 = arith.constant 48 : index
      %swap3A_150 = tpu.vector_load %arg9[%swap3A_148, %swap3A_149] {strides = array<i32>} : memref<32x768xf32, #tpu.memory_space<vmem>>, vector<16xf32>,
      tpu.vector_store %arg9[%swap3A_148, %swap3A_149], %broadcast_in_dim3A_26 {strides = array<i32>} : memref<32x768xf32, #tpu.memory_space<vmem>>, vector<16xf32>,
      %swap3A_151 = arith.index_cast %scan3A_139 : i32 to index
      %swap3A_152 = arith.constant 64 : index
      %swap3A_153 = tpu.vector_load %arg9[%swap3A_151, %swap3A_152] {strides = array<i32>} : memref<32x768xf32, #tpu.memory_space<vmem>>, vector<16xf32>,
      tpu.vector_store %arg9[%swap3A_151, %swap3A_152], %broadcast_in_dim3A_26 {strides = array<i32>} : memref<32x768xf32, #tpu.memory_space<vmem>>, vector<16xf32>,
      %swap3A_154 = arith.index_cast %scan3A_139 : i32 to index
      %swap3A_155 = arith.constant 80 : index
      %swap3A_156 = tpu.vector_load %arg9[%swap3A_154, %swap3A_155] {strides = array<i32>} : memref<32x768xf32, #tpu.memory_space<vmem>>, vector<16xf32>,
      tpu.vector_store %arg9[%swap3A_154, %swap3A_155], %broadcast_in_dim3A_26 {strides = array<i32>} : memref<32x768xf32, #tpu.memory_space<vmem>>, vector<16xf32>,
      %swap3A_157 = arith.index_cast %scan3A_139 : i32 to index
      %swap3A_158 = arith.constant 96 : index
      %swap3A_159 = tpu.vector_load %arg9[%swap3A_157, %swap3A_158] {strides = array<i32>} : memref<32x768xf32, #tpu.memory_space<vmem>>, vector<16xf32>,
      tpu.vector_store %arg9[%swap3A_157, %swap3A_158], %broadcast_in_dim3A_26 {strides = array<i32>} : memref<32x768xf32, #tpu.memory_space<vmem>>, vector<16xf32>,
      %swap3A_160 = arith.index_cast %scan3A_139 : i32 to index
      %swap3A_161 = arith.constant 112 : index
      %swap3A_162 = tpu.vector_load %arg9[%swap3A_160, %swap3A_161] {strides = array<i32>} : memref<32x768xf32, #tpu.memory_space<vmem>>, vector<16xf32>,
      tpu.vector_store %arg9[%swap3A_160, %swap3A_161], %broadcast_in_dim3A_26 {strides = array<i32>} : memref<32x768xf32, #tpu.memory_space<vmem>>, vector<16xf32>,
      %swap3A_163 = arith.index_cast %scan3A_139 : i32 to index
      %swap3A_164 = arith.constant 128 : index
      %swap3A_165 = tpu.vector_load %arg9[%swap3A_163, %swap3A_164] {strides = array<i32>} : memref<32x768xf32, #tpu.memory_space<vmem>>, vector<16xf32>,
      tpu.vector_store %arg9[%swap3A_163, %swap3A_164], %broadcast_in_dim3A_26 {strides = array<i32>} : memref<32x768xf32, #tpu.memory_space<vmem>>, vector<16xf32>,
      %swap3A_166 = arith.index_cast %scan3A_139 : i32 to index
      %swap3A_167 = arith.constant 144 : index
      %swap3A_168 = tpu.vector_load %arg9[%swap3A_166, %swap3A_167] {strides = array<i32>} : memref<32x768xf32, #tpu.memory_space<vmem>>, vector<16xf32>,
      tpu.vector_store %arg9[%swap3A_166, %swap3A_167], %broadcast_in_dim3A_26 {strides = array<i32>} : memref<32x768xf32, #tpu.memory_space<vmem>>, vector<16xf32>,
      %swap3A_169 = arith.index_cast %scan3A_139 : i32 to index
      %swap3A_170 = arith.constant 160 : index
      %swap3A_171 = tpu.vector_load %arg9[%swap3A_169, %swap3A_170] {strides = array<i32>} : memref<32x768xf32, #tpu.memory_space<vmem>>, vector<16xf32>,
      tpu.vector_store %arg9[%swap3A_169, %swap3A_170], %broadcast_in_dim3A_26 {strides = array<i32>} : memref<32x768xf32, #tpu.memory_space<vmem>>, vector<16xf32>,
      %swap3A_172 = arith.index_cast %scan3A_139 : i32 to index
      %swap3A_173 = arith.constant 176 : index
      %swap3A_174 = tpu.vector_load %arg9[%swap3A_172, %swap3A_173] {strides = array<i32>} : memref<32x768xf32, #tpu.memory_space<vmem>>, vector<16xf32>,
      tpu.vector_store %arg9[%swap3A_172, %swap3A_173], %broadcast_in_dim3A_26 {strides = array<i32>} : memref<32x768xf32, #tpu.memory_space<vmem>>, vector<16xf32>,
      %swap3A_175 = arith.index_cast %scan3A_139 : i32 to index
      %swap3A_176 = arith.constant 192 : index
      %swap3A_177 = tpu.vector_load %arg9[%swap3A_175, %swap3A_176] {strides = array<i32>} : memref<32x768xf32, #tpu.memory_space<vmem>>, vector<16xf32>,
      tpu.vector_store %arg9[%swap3A_175, %swap3A_176], %broadcast_in_dim3A_26 {strides = array<i32>} : memref<32x768xf32, #tpu.memory_space<vmem>>, vector<16xf32>,
      %swap3A_178 = arith.index_cast %scan3A_139 : i32 to index
      %swap3A_179 = arith.constant 208 : index
      %swap3A_180 = tpu.vector_load %arg9[%swap3A_178, %swap3A_179] {strides = array<i32>} : memref<32x768xf32, #tpu.memory_space<vmem>>, vector<16xf32>,
      tpu.vector_store %arg9[%swap3A_178, %swap3A_179], %broadcast_in_dim3A_26 {strides = array<i32>} : memref<32x768xf32, #tpu.memory_space<vmem>>, vector<16xf32>,
      %swap3A_181 = arith.index_cast %scan3A_139 : i32 to index
      %swap3A_182 = arith.constant 224 : index
      %swap3A_183 = tpu.vector_load %arg9[%swap3A_181, %swap3A_182] {strides = array<i32>} : memref<32x768xf32, #tpu.memory_space<vmem>>, vector<16xf32>,
      tpu.vector_store %arg9[%swap3A_181, %swap3A_182], %broadcast_in_dim3A_26 {strides = array<i32>} : memref<32x768xf32, #tpu.memory_space<vmem>>, vector<16xf32>,
      %swap3A_184 = arith.index_cast %scan3A_139 : i32 to index
      %swap3A_185 = arith.constant 240 : index
      %swap3A_186 = tpu.vector_load %arg9[%swap3A_184, %swap3A_185] {strides = array<i32>} : memref<32x768xf32, #tpu.memory_space<vmem>>, vector<16xf32>,
      tpu.vector_store %arg9[%swap3A_184, %swap3A_185], %broadcast_in_dim3A_26 {strides = array<i32>} : memref<32x768xf32, #tpu.memory_space<vmem>>, vector<16xf32>,
      %swap3A_187 = arith.index_cast %scan3A_139 : i32 to index
      %swap3A_188 = arith.constant 256 : index
      %swap3A_189 = tpu.vector_load %arg9[%swap3A_187, %swap3A_188] {strides = array<i32>} : memref<32x768xf32, #tpu.memory_space<vmem>>, vector<16xf32>,
      tpu.vector_store %arg9[%swap3A_187, %swap3A_188], %broadcast_in_dim3A_26 {strides = array<i32>} : memref<32x768xf32, #tpu.memory_space<vmem>>, vector<16xf32>,
      %swap3A_190 = arith.index_cast %scan3A_139 : i32 to index
      %swap3A_191 = arith.constant 272 : index
      %swap3A_192 = tpu.vector_load %arg9[%swap3A_190, %swap3A_191] {strides = array<i32>} : memref<32x768xf32, #tpu.memory_space<vmem>>, vector<16xf32>,
      tpu.vector_store %arg9[%swap3A_190, %swap3A_191], %broadcast_in_dim3A_26 {strides = array<i32>} : memref<32x768xf32, #tpu.memory_space<vmem>>, vector<16xf32>,
      %swap3A_193 = arith.index_cast %scan3A_139 : i32 to index
      %swap3A_194 = arith.constant 288 : index
      %swap3A_195 = tpu.vector_load %arg9[%swap3A_193, %swap3A_194] {strides = array<i32>} : memref<32x768xf32, #tpu.memory_space<vmem>>, vector<16xf32>,
      tpu.vector_store %arg9[%swap3A_193, %swap3A_194], %broadcast_in_dim3A_26 {strides = array<i32>} : memref<32x768xf32, #tpu.memory_space<vmem>>, vector<16xf32>,
      %swap3A_196 = arith.index_cast %scan3A_139 : i32 to index
      %swap3A_197 = arith.constant 304 : index
      %swap3A_198 = tpu.vector_load %arg9[%swap3A_196, %swap3A_197] {strides = array<i32>} : memref<32x768xf32, #tpu.memory_space<vmem>>, vector<16xf32>,
      tpu.vector_store %arg9[%swap3A_196, %swap3A_197], %broadcast_in_dim3A_26 {strides = array<i32>} : memref<32x768xf32, #tpu.memory_space<vmem>>, vector<16xf32>,
      %swap3A_199 = arith.index_cast %scan3A_139 : i32 to index
      %swap3A_200 = arith.constant 320 : index
      %swap3A_201 = tpu.vector_load %arg9[%swap3A_199, %swap3A_200] {strides = array<i32>} : memref<32x768xf32, #tpu.memory_space<vmem>>, vector<16xf32>,
      tpu.vector_store %arg9[%swap3A_199, %swap3A_200], %broadcast_in_dim3A_26 {strides = array<i32>} : memref<32x768xf32, #tpu.memory_space<vmem>>, vector<16xf32>,
      %swap3A_202 = arith.index_cast %scan3A_139 : i32 to index
      %swap3A_203 = arith.constant 336 : index
      %swap3A_204 = tpu.vector_load %arg9[%swap3A_202, %swap3A_203] {strides = array<i32>} : memref<32x768xf32, #tpu.memory_space<vmem>>, vector<16xf32>,
      tpu.vector_store %arg9[%swap3A_202, %swap3A_203], %broadcast_in_dim3A_26 {strides = array<i32>} : memref<32x768xf32, #tpu.memory_space<vmem>>, vector<16xf32>,
      %swap3A_205 = arith.index_cast %scan3A_139 : i32 to index
      %swap3A_206 = arith.constant 352 : index
      %swap3A_207 = tpu.vector_load %arg9[%swap3A_205, %swap3A_206] {strides = array<i32>} : memref<32x768xf32, #tpu.memory_space<vmem>>, vector<16xf32>,
      tpu.vector_store %arg9[%swap3A_205, %swap3A_206], %broadcast_in_dim3A_26 {strides = array<i32>} : memref<32x768xf32, #tpu.memory_space<vmem>>, vector<16xf32>,
      %swap3A_208 = arith.index_cast %scan3A_139 : i32 to index
      %swap3A_209 = arith.constant 368 : index
      %swap3A_210 = tpu.vector_load %arg9[%swap3A_208, %swap3A_209] {strides = array<i32>} : memref<32x768xf32, #tpu.memory_space<vmem>>, vector<16xf32>,
      tpu.vector_store %arg9[%swap3A_208, %swap3A_209], %broadcast_in_dim3A_26 {strides = array<i32>} : memref<32x768xf32, #tpu.memory_space<vmem>>, vector<16xf32>,
      %swap3A_211 = arith.index_cast %scan3A_139 : i32 to index
      %swap3A_212 = arith.constant 384 : index
      %swap3A_213 = tpu.vector_load %arg9[%swap3A_211, %swap3A_212] {strides = array<i32>} : memref<32x768xf32, #tpu.memory_space<vmem>>, vector<16xf32>,
      tpu.vector_store %arg9[%swap3A_211, %swap3A_212], %broadcast_in_dim3A_26 {strides = array<i32>} : memref<32x768xf32, #tpu.memory_space<vmem>>, vector<16xf32>,
      %swap3A_214 = arith.index_cast %scan3A_139 : i32 to index
      %swap3A_215 = arith.constant 400 : index
      %swap3A_216 = tpu.vector_load %arg9[%swap3A_214, %swap3A_215] {strides = array<i32>} : memref<32x768xf32, #tpu.memory_space<vmem>>, vector<16xf32>,
      tpu.vector_store %arg9[%swap3A_214, %swap3A_215], %broadcast_in_dim3A_26 {strides = array<i32>} : memref<32x768xf32, #tpu.memory_space<vmem>>, vector<16xf32>,
      %swap3A_217 = arith.index_cast %scan3A_139 : i32 to index
      %swap3A_218 = arith.constant 416 : index
      %swap3A_219 = tpu.vector_load %arg9[%swap3A_217, %swap3A_218] {strides = array<i32>} : memref<32x768xf32, #tpu.memory_space<vmem>>, vector<16xf32>,
      tpu.vector_store %arg9[%swap3A_217, %swap3A_218], %broadcast_in_dim3A_26 {strides = array<i32>} : memref<32x768xf32, #tpu.memory_space<vmem>>, vector<16xf32>,
      %swap3A_220 = arith.index_cast %scan3A_139 : i32 to index
      %swap3A_221 = arith.constant 432 : index
      %swap3A_222 = tpu.vector_load %arg9[%swap3A_220, %swap3A_221] {strides = array<i32>} : memref<32x768xf32, #tpu.memory_space<vmem>>, vector<16xf32>,
      tpu.vector_store %arg9[%swap3A_220, %swap3A_221], %broadcast_in_dim3A_26 {strides = array<i32>} : memref<32x768xf32, #tpu.memory_space<vmem>>, vector<16xf32>,
      %swap3A_223 = arith.index_cast %scan3A_139 : i32 to index
      %swap3A_224 = arith.constant 448 : index
      %swap3A_225 = tpu.vector_load %arg9[%swap3A_223, %swap3A_224] {strides = array<i32>} : memref<32x768xf32, #tpu.memory_space<vmem>>, vector<16xf32>,
      tpu.vector_store %arg9[%swap3A_223, %swap3A_224], %broadcast_in_dim3A_26 {strides = array<i32>} : memref<32x768xf32, #tpu.memory_space<vmem>>, vector<16xf32>,
      %swap3A_226 = arith.index_cast %scan3A_139 : i32 to index
      %swap3A_227 = arith.constant 464 : index
      %swap3A_228 = tpu.vector_load %arg9[%swap3A_226, %swap3A_227] {strides = array<i32>} : memref<32x768xf32, #tpu.memory_space<vmem>>, vector<16xf32>,
      tpu.vector_store %arg9[%swap3A_226, %swap3A_227], %broadcast_in_dim3A_26 {strides = array<i32>} : memref<32x768xf32, #tpu.memory_space<vmem>>, vector<16xf32>,
      %swap3A_229 = arith.index_cast %scan3A_139 : i32 to index
      %swap3A_230 = arith.constant 480 : index
      %swap3A_231 = tpu.vector_load %arg9[%swap3A_229, %swap3A_230] {strides = array<i32>} : memref<32x768xf32, #tpu.memory_space<vmem>>, vector<16xf32>,
      tpu.vector_store %arg9[%swap3A_229, %swap3A_230], %broadcast_in_dim3A_26 {strides = array<i32>} : memref<32x768xf32, #tpu.memory_space<vmem>>, vector<16xf32>,
      %swap3A_232 = arith.index_cast %scan3A_139 : i32 to index
      %swap3A_233 = arith.constant 496 : index
      %swap3A_234 = tpu.vector_load %arg9[%swap3A_232, %swap3A_233] {strides = array<i32>} : memref<32x768xf32, #tpu.memory_space<vmem>>, vector<16xf32>,
      tpu.vector_store %arg9[%swap3A_232, %swap3A_233], %broadcast_in_dim3A_26 {strides = array<i32>} : memref<32x768xf32, #tpu.memory_space<vmem>>, vector<16xf32>,
      %swap3A_235 = arith.index_cast %scan3A_139 : i32 to index
      %swap3A_236 = arith.constant 512 : index
      %swap3A_237 = tpu.vector_load %arg9[%swap3A_235, %swap3A_236] {strides = array<i32>} : memref<32x768xf32, #tpu.memory_space<vmem>>, vector<16xf32>,
      tpu.vector_store %arg9[%swap3A_235, %swap3A_236], %broadcast_in_dim3A_26 {strides = array<i32>} : memref<32x768xf32, #tpu.memory_space<vmem>>, vector<16xf32>,
      %swap3A_238 = arith.index_cast %scan3A_139 : i32 to index
      %swap3A_239 = arith.constant 528 : index
      %swap3A_240 = tpu.vector_load %arg9[%swap3A_238, %swap3A_239] {strides = array<i32>} : memref<32x768xf32, #tpu.memory_space<vmem>>, vector<16xf32>,
      tpu.vector_store %arg9[%swap3A_238, %swap3A_239], %broadcast_in_dim3A_26 {strides = array<i32>} : memref<32x768xf32, #tpu.memory_space<vmem>>, vector<16xf32>,
      %swap3A_241 = arith.index_cast %scan3A_139 : i32 to index
      %swap3A_242 = arith.constant 544 : index
      %swap3A_243 = tpu.vector_load %arg9[%swap3A_241, %swap3A_242] {strides = array<i32>} : memref<32x768xf32, #tpu.memory_space<vmem>>, vector<16xf32>,
      tpu.vector_store %arg9[%swap3A_241, %swap3A_242], %broadcast_in_dim3A_26 {strides = array<i32>} : memref<32x768xf32, #tpu.memory_space<vmem>>, vector<16xf32>,
      %swap3A_244 = arith.index_cast %scan3A_139 : i32 to index
      %swap3A_245 = arith.constant 560 : index
      %swap3A_246 = tpu.vector_load %arg9[%swap3A_244, %swap3A_245] {strides = array<i32>} : memref<32x768xf32, #tpu.memory_space<vmem>>, vector<16xf32>,
      tpu.vector_store %arg9[%swap3A_244, %swap3A_245], %broadcast_in_dim3A_26 {strides = array<i32>} : memref<32x768xf32, #tpu.memory_space<vmem>>, vector<16xf32>,
      %swap3A_247 = arith.index_cast %scan3A_139 : i32 to index
      %swap3A_248 = arith.constant 576 : index
      %swap3A_249 = tpu.vector_load %arg9[%swap3A_247, %swap3A_248] {strides = array<i32>} : memref<32x768xf32, #tpu.memory_space<vmem>>, vector<16xf32>,
      tpu.vector_store %arg9[%swap3A_247, %swap3A_248], %broadcast_in_dim3A_26 {strides = array<i32>} : memref<32x768xf32, #tpu.memory_space<vmem>>, vector<16xf32>,
      %swap3A_250 = arith.index_cast %scan3A_139 : i32 to index
      %swap3A_251 = arith.constant 592 : index
      %swap3A_252 = tpu.vector_load %arg9[%swap3A_250, %swap3A_251] {strides = array<i32>} : memref<32x768xf32, #tpu.memory_space<vmem>>, vector<16xf32>,
      tpu.vector_store %arg9[%swap3A_250, %swap3A_251], %broadcast_in_dim3A_26 {strides = array<i32>} : memref<32x768xf32, #tpu.memory_space<vmem>>, vector<16xf32>,
      %swap3A_253 = arith.index_cast %scan3A_139 : i32 to index
      %swap3A_254 = arith.constant 608 : index
      %swap3A_255 = tpu.vector_load %arg9[%swap3A_253, %swap3A_254] {strides = array<i32>} : memref<32x768xf32, #tpu.memory_space<vmem>>, vector<16xf32>,
      tpu.vector_store %arg9[%swap3A_253, %swap3A_254], %broadcast_in_dim3A_26 {strides = array<i32>} : memref<32x768xf32, #tpu.memory_space<vmem>>, vector<16xf32>,
      %swap3A_256 = arith.index_cast %scan3A_139 : i32 to index
      %swap3A_257 = arith.constant 624 : index
      %swap3A_258 = tpu.vector_load %arg9[%swap3A_256, %swap3A_257] {strides = array<i32>} : memref<32x768xf32, #tpu.memory_space<vmem>>, vector<16xf32>,
      tpu.vector_store %arg9[%swap3A_256, %swap3A_257], %broadcast_in_dim3A_26 {strides = array<i32>} : memref<32x768xf32, #tpu.memory_space<vmem>>, vector<16xf32>,
      %swap3A_259 = arith.index_cast %scan3A_139 : i32 to index
      %swap3A_260 = arith.constant 640 : index
      %swap3A_261 = tpu.vector_load %arg9[%swap3A_259, %swap3A_260] {strides = array<i32>} : memref<32x768xf32, #tpu.memory_space<vmem>>, vector<16xf32>,
      tpu.vector_store %arg9[%swap3A_259, %swap3A_260], %broadcast_in_dim3A_26 {strides = array<i32>} : memref<32x768xf32, #tpu.memory_space<vmem>>, vector<16xf32>,
      %swap3A_262 = arith.index_cast %scan3A_139 : i32 to index
      %swap3A_263 = arith.constant 656 : index
      %swap3A_264 = tpu.vector_load %arg9[%swap3A_262, %swap3A_263] {strides = array<i32>} : memref<32x768xf32, #tpu.memory_space<vmem>>, vector<16xf32>,
      tpu.vector_store %arg9[%swap3A_262, %swap3A_263], %broadcast_in_dim3A_26 {strides = array<i32>} : memref<32x768xf32, #tpu.memory_space<vmem>>, vector<16xf32>,
      %swap3A_265 = arith.index_cast %scan3A_139 : i32 to index
      %swap3A_266 = arith.constant 672 : index
      %swap3A_267 = tpu.vector_load %arg9[%swap3A_265, %swap3A_266] {strides = array<i32>} : memref<32x768xf32, #tpu.memory_space<vmem>>, vector<16xf32>,
      tpu.vector_store %arg9[%swap3A_265, %swap3A_266], %broadcast_in_dim3A_26 {strides = array<i32>} : memref<32x768xf32, #tpu.memory_space<vmem>>, vector<16xf32>,
      %swap3A_268 = arith.index_cast %scan3A_139 : i32 to index
      %swap3A_269 = arith.constant 688 : index
      %swap3A_270 = tpu.vector_load %arg9[%swap3A_268, %swap3A_269] {strides = array<i32>} : memref<32x768xf32, #tpu.memory_space<vmem>>, vector<16xf32>,
      tpu.vector_store %arg9[%swap3A_268, %swap3A_269], %broadcast_in_dim3A_26 {strides = array<i32>} : memref<32x768xf32, #tpu.memory_space<vmem>>, vector<16xf32>,
      %swap3A_271 = arith.index_cast %scan3A_139 : i32 to index
      %swap3A_272 = arith.constant 704 : index
      %swap3A_273 = tpu.vector_load %arg9[%swap3A_271, %swap3A_272] {strides = array<i32>} : memref<32x768xf32, #tpu.memory_space<vmem>>, vector<16xf32>,
      tpu.vector_store %arg9[%swap3A_271, %swap3A_272], %broadcast_in_dim3A_26 {strides = array<i32>} : memref<32x768xf32, #tpu.memory_space<vmem>>, vector<16xf32>,
      %swap3A_274 = arith.index_cast %scan3A_139 : i32 to index
      %swap3A_275 = arith.constant 720 : index
      %swap3A_276 = tpu.vector_load %arg9[%swap3A_274, %swap3A_275] {strides = array<i32>} : memref<32x768xf32, #tpu.memory_space<vmem>>, vector<16xf32>,
      tpu.vector_store %arg9[%swap3A_274, %swap3A_275], %broadcast_in_dim3A_26 {strides = array<i32>} : memref<32x768xf32, #tpu.memory_space<vmem>>, vector<16xf32>,
      %swap3A_277 = arith.index_cast %scan3A_139 : i32 to index
      %swap3A_278 = arith.constant 736 : index
      %swap3A_279 = tpu.vector_load %arg9[%swap3A_277, %swap3A_278] {strides = array<i32>} : memref<32x768xf32, #tpu.memory_space<vmem>>, vector<16xf32>,
      tpu.vector_store %arg9[%swap3A_277, %swap3A_278], %broadcast_in_dim3A_26 {strides = array<i32>} : memref<32x768xf32, #tpu.memory_space<vmem>>, vector<16xf32>,
      %swap3A_280 = arith.index_cast %scan3A_139 : i32 to index
      %swap3A_281 = arith.constant 752 : index
      %swap3A_282 = tpu.vector_load %arg9[%swap3A_280, %swap3A_281] {strides = array<i32>} : memref<32x768xf32, #tpu.memory_space<vmem>>, vector<16xf32>,
      tpu.vector_store %arg9[%swap3A_280, %swap3A_281], %broadcast_in_dim3A_26 {strides = array<i32>} : memref<32x768xf32, #tpu.memory_space<vmem>>, vector<16xf32>,
    }
    %scan3A_96 = arith.constant 32 : i32
    %scan3A_97 = arith.constant 0 : i32
    %scan3A_98 = arith.constant 0 : i32
    %scan3A_99 = arith.constant 32 : i32
    %scan3A_100 = arith.addi %scan3A_98, %scan3A_99 : i32
    %scan3A_101 = arith.constant 1 : i32
    scf.for %scan3A_139 = %scan3A_98 to %scan3A_100 step %scan3A_101  : i32 {
      %get3A = arith.index_cast %scan3A_139 : i32 to index
      %get3A_140 = arith.constant 64 : index
      %get3A_141 = tpu.vector_load %arg6[%get3A, %get3A_140] {strides = array<i32>} : memref<32x128xi32, #tpu.memory_space<vmem>>, vector<16xi32>,
      %get3A_142 = arith.index_cast %scan3A_139 : i32 to index
      %get3A_143 = arith.constant 64 : index
      %get3A_144 = tpu.vector_load %arg7[%get3A_142, %get3A_143] {strides = array<i32>} : memref<32x128xf32, #tpu.memory_space<vmem>>, vector<16xf32>,
      %get3A_145 = arith.index_cast %scan3A_139 : i32 to index
      %get3A_146 = arith.constant 64 : index
      %get3A_147 = tpu.vector_load %arg8[%get3A_145, %get3A_146] {strides = array<i32>} : memref<32x128xf32, #tpu.memory_space<vmem>>, vector<16xf32>,
      %add3A_148 = arith.constant 0 : i32
      %add3A_149 = vector.broadcast %add3A_148 : i32 to vector<16xi32>
      %add3A_150 = arith.addi %add3A_149, %iota3A : vector<16xi32>
      tpu.vector_store_idx %arg9[%add3A_150, %get3A_141], %broadcast_in_dim3A_28 {add = true} : memref<32x768xf32, #tpu.memory_space<vmem>>[vector<16xi32>, vector<16xi32>], vector<16xf32>,
      %add3A_151 = arith.constant 192 : i32
      %add3A_152 = vector.broadcast %add3A_151 : i32 to vector<16xi32>
      %add3A_153 = arith.addi %get3A_141, %add3A_152 : vector<16xi32>
      tpu.vector_store_idx %arg9[%add3A_150, %add3A_153], %get3A_144 {add = true} : memref<32x768xf32, #tpu.memory_space<vmem>>[vector<16xi32>, vector<16xi32>], vector<16xf32>,
      %add3A_154 = arith.constant 384 : i32
      %add3A_155 = vector.broadcast %add3A_154 : i32 to vector<16xi32>
      %add3A_156 = arith.addi %get3A_141, %add3A_155 : vector<16xi32>
      tpu.vector_store_idx %arg9[%add3A_150, %add3A_156], %get3A_147 {add = true} : memref<32x768xf32, #tpu.memory_space<vmem>>[vector<16xi32>, vector<16xi32>], vector<16xf32>,
      %add3A_157 = arith.constant 576 : i32
      %add3A_158 = vector.broadcast %add3A_157 : i32 to vector<16xi32>
      %add3A_159 = arith.addi %get3A_141, %add3A_158 : vector<16xi32>
      %mul3A_160 = arith.mulf %get3A_144, %get3A_147 : vector<16xf32>
      tpu.vector_store_idx %arg9[%add3A_150, %add3A_159], %mul3A_160 {add = true} : memref<32x768xf32, #tpu.memory_space<vmem>>[vector<16xi32>, vector<16xi32>], vector<16xf32>,
      %get3A_161 = arith.index_cast %scan3A_139 : i32 to index
      %get3A_162 = arith.constant 80 : index
      %get3A_163 = tpu.vector_load %arg6[%get3A_161, %get3A_162] {strides = array<i32>} : memref<32x128xi32, #tpu.memory_space<vmem>>, vector<16xi32>,
      %get3A_164 = arith.index_cast %scan3A_139 : i32 to index
      %get3A_165 = arith.constant 80 : index
      %get3A_166 = tpu.vector_load %arg7[%get3A_164, %get3A_165] {strides = array<i32>} : memref<32x128xf32, #tpu.memory_space<vmem>>, vector<16xf32>,
      %get3A_167 = arith.index_cast %scan3A_139 : i32 to index
      %get3A_168 = arith.constant 80 : index
      %get3A_169 = tpu.vector_load %arg8[%get3A_167, %get3A_168] {strides = array<i32>} : memref<32x128xf32, #tpu.memory_space<vmem>>, vector<16xf32>,
      %add3A_170 = arith.constant 16 : i32
      %add3A_171 = vector.broadcast %add3A_170 : i32 to vector<16xi32>
      %add3A_172 = arith.addi %add3A_171, %iota3A : vector<16xi32>
      tpu.vector_store_idx %arg9[%add3A_172, %get3A_163], %broadcast_in_dim3A_28 {add = true} : memref<32x768xf32, #tpu.memory_space<vmem>>[vector<16xi32>, vector<16xi32>], vector<16xf32>,
      %add3A_173 = arith.constant 192 : i32
      %add3A_174 = vector.broadcast %add3A_173 : i32 to vector<16xi32>
      %add3A_175 = arith.addi %get3A_163, %add3A_174 : vector<16xi32>
      tpu.vector_store_idx %arg9[%add3A_172, %add3A_175], %get3A_166 {add = true} : memref<32x768xf32, #tpu.memory_space<vmem>>[vector<16xi32>, vector<16xi32>], vector<16xf32>,
      %add3A_176 = arith.constant 384 : i32
      %add3A_177 = vector.broadcast %add3A_176 : i32 to vector<16xi32>
      %add3A_178 = arith.addi %get3A_163, %add3A_177 : vector<16xi32>
      tpu.vector_store_idx %arg9[%add3A_172, %add3A_178], %get3A_169 {add = true} : memref<32x768xf32, #tpu.memory_space<vmem>>[vector<16xi32>, vector<16xi32>], vector<16xf32>,
      %add3A_179 = arith.constant 576 : i32
      %add3A_180 = vector.broadcast %add3A_179 : i32 to vector<16xi32>
      %add3A_181 = arith.addi %get3A_163, %add3A_180 : vector<16xi32>
      %mul3A_182 = arith.mulf %get3A_166, %get3A_169 : vector<16xf32>
      tpu.vector_store_idx %arg9[%add3A_172, %add3A_181], %mul3A_182 {add = true} : memref<32x768xf32, #tpu.memory_space<vmem>>[vector<16xi32>, vector<16xi32>], vector<16xf32>,
    }
    %scan3A_102 = arith.constant 32 : i32
    %add3A_103 = arith.constant 64 : i32
    %add3A_104 = arith.addi %mul3A_2, %add3A_103 : i32
    %dma_start3A_105 = arith.constant 0 : i32
    %dma_start3A_106 = tpu.memref_slice %arg5[%add3A_104, %dma_start3A_105] : memref<4096x768xf32, #tpu.memory_space<hbm>> -> memref<32x768xf32, #tpu.memory_space<hbm>>
    %dma_start3A_107 = arith.constant 0 : i32
    %dma_start3A_108 = tpu.memref_slice %arg5[%add3A_104, %dma_start3A_107] : memref<4096x768xf32, #tpu.memory_space<hbm>> -> memref<32x768xf32, #tpu.memory_space<hbm>>
    tpu.enqueue_dma source(%arg9 : memref<32x768xf32, #tpu.memory_space<vmem>>) target(%dma_start3A_108 : memref<32x768xf32, #tpu.memory_space<hbm>>) target_semaphore(%arg11 : memref<!tpu.dma_semaphore, #tpu.memory_space<semaphore_mem>>)
    %dma_wait3A_109 = arith.constant 0 : i32
    %dma_wait3A_110 = tpu.memref_slice %arg5[%add3A_82, %dma_wait3A_109] : memref<4096x768xf32, #tpu.memory_space<hbm>> -> memref<32x768xf32, #tpu.memory_space<hbm>>
    %dma_wait3A_111 = arith.constant 0 : i32
    %dma_wait3A_112 = tpu.memref_slice %arg5[%add3A_82, %dma_wait3A_111] : memref<4096x768xf32, #tpu.memory_space<hbm>> -> memref<32x768xf32, #tpu.memory_space<hbm>>
    tpu.wait_dma2 semaphore(%arg11 : memref<!tpu.dma_semaphore, #tpu.memory_space<semaphore_mem>>) src(%arg10 : memref<32x768xf32, #tpu.memory_space<vmem>>) dst(%dma_wait3A_112 : memref<32x768xf32, #tpu.memory_space<hbm>>)
    %scan3A_113 = arith.constant 0 : i32
    %scan3A_114 = arith.constant 0 : i32
    %scan3A_115 = arith.constant 32 : i32
    %scan3A_116 = arith.addi %scan3A_114, %scan3A_115 : i32
    %scan3A_117 = arith.constant 1 : i32
    scf.for %scan3A_139 = %scan3A_114 to %scan3A_116 step %scan3A_117  : i32 {
      %swap3A = arith.index_cast %scan3A_139 : i32 to index
      %swap3A_140 = arith.constant 0 : index
      %swap3A_141 = tpu.vector_load %arg10[%swap3A, %swap3A_140] {strides = array<i32>} : memref<32x768xf32, #tpu.memory_space<vmem>>, vector<16xf32>,
      tpu.vector_store %arg10[%swap3A, %swap3A_140], %broadcast_in_dim3A_26 {strides = array<i32>} : memref<32x768xf32, #tpu.memory_space<vmem>>, vector<16xf32>,
      %swap3A_142 = arith.index_cast %scan3A_139 : i32 to index
      %swap3A_143 = arith.constant 16 : index
      %swap3A_144 = tpu.vector_load %arg10[%swap3A_142, %swap3A_143] {strides = array<i32>} : memref<32x768xf32, #tpu.memory_space<vmem>>, vector<16xf32>,
      tpu.vector_store %arg10[%swap3A_142, %swap3A_143], %broadcast_in_dim3A_26 {strides = array<i32>} : memref<32x768xf32, #tpu.memory_space<vmem>>, vector<16xf32>,
      %swap3A_145 = arith.index_cast %scan3A_139 : i32 to index
      %swap3A_146 = arith.constant 32 : index
      %swap3A_147 = tpu.vector_load %arg10[%swap3A_145, %swap3A_146] {strides = array<i32>} : memref<32x768xf32, #tpu.memory_space<vmem>>, vector<16xf32>,
      tpu.vector_store %arg10[%swap3A_145, %swap3A_146], %broadcast_in_dim3A_26 {strides = array<i32>} : memref<32x768xf32, #tpu.memory_space<vmem>>, vector<16xf32>,
      %swap3A_148 = arith.index_cast %scan3A_139 : i32 to index
      %swap3A_149 = arith.constant 48 : index
      %swap3A_150 = tpu.vector_load %arg10[%swap3A_148, %swap3A_149] {strides = array<i32>} : memref<32x768xf32, #tpu.memory_space<vmem>>, vector<16xf32>,
      tpu.vector_store %arg10[%swap3A_148, %swap3A_149], %broadcast_in_dim3A_26 {strides = array<i32>} : memref<32x768xf32, #tpu.memory_space<vmem>>, vector<16xf32>,
      %swap3A_151 = arith.index_cast %scan3A_139 : i32 to index
      %swap3A_152 = arith.constant 64 : index
      %swap3A_153 = tpu.vector_load %arg10[%swap3A_151, %swap3A_152] {strides = array<i32>} : memref<32x768xf32, #tpu.memory_space<vmem>>, vector<16xf32>,
      tpu.vector_store %arg10[%swap3A_151, %swap3A_152], %broadcast_in_dim3A_26 {strides = array<i32>} : memref<32x768xf32, #tpu.memory_space<vmem>>, vector<16xf32>,
      %swap3A_154 = arith.index_cast %scan3A_139 : i32 to index
      %swap3A_155 = arith.constant 80 : index
      %swap3A_156 = tpu.vector_load %arg10[%swap3A_154, %swap3A_155] {strides = array<i32>} : memref<32x768xf32, #tpu.memory_space<vmem>>, vector<16xf32>,
      tpu.vector_store %arg10[%swap3A_154, %swap3A_155], %broadcast_in_dim3A_26 {strides = array<i32>} : memref<32x768xf32, #tpu.memory_space<vmem>>, vector<16xf32>,
      %swap3A_157 = arith.index_cast %scan3A_139 : i32 to index
      %swap3A_158 = arith.constant 96 : index
      %swap3A_159 = tpu.vector_load %arg10[%swap3A_157, %swap3A_158] {strides = array<i32>} : memref<32x768xf32, #tpu.memory_space<vmem>>, vector<16xf32>,
      tpu.vector_store %arg10[%swap3A_157, %swap3A_158], %broadcast_in_dim3A_26 {strides = array<i32>} : memref<32x768xf32, #tpu.memory_space<vmem>>, vector<16xf32>,
      %swap3A_160 = arith.index_cast %scan3A_139 : i32 to index
      %swap3A_161 = arith.constant 112 : index
      %swap3A_162 = tpu.vector_load %arg10[%swap3A_160, %swap3A_161] {strides = array<i32>} : memref<32x768xf32, #tpu.memory_space<vmem>>, vector<16xf32>,
      tpu.vector_store %arg10[%swap3A_160, %swap3A_161], %broadcast_in_dim3A_26 {strides = array<i32>} : memref<32x768xf32, #tpu.memory_space<vmem>>, vector<16xf32>,
      %swap3A_163 = arith.index_cast %scan3A_139 : i32 to index
      %swap3A_164 = arith.constant 128 : index
      %swap3A_165 = tpu.vector_load %arg10[%swap3A_163, %swap3A_164] {strides = array<i32>} : memref<32x768xf32, #tpu.memory_space<vmem>>, vector<16xf32>,
      tpu.vector_store %arg10[%swap3A_163, %swap3A_164], %broadcast_in_dim3A_26 {strides = array<i32>} : memref<32x768xf32, #tpu.memory_space<vmem>>, vector<16xf32>,
      %swap3A_166 = arith.index_cast %scan3A_139 : i32 to index
      %swap3A_167 = arith.constant 144 : index
      %swap3A_168 = tpu.vector_load %arg10[%swap3A_166, %swap3A_167] {strides = array<i32>} : memref<32x768xf32, #tpu.memory_space<vmem>>, vector<16xf32>,
      tpu.vector_store %arg10[%swap3A_166, %swap3A_167], %broadcast_in_dim3A_26 {strides = array<i32>} : memref<32x768xf32, #tpu.memory_space<vmem>>, vector<16xf32>,
      %swap3A_169 = arith.index_cast %scan3A_139 : i32 to index
      %swap3A_170 = arith.constant 160 : index
      %swap3A_171 = tpu.vector_load %arg10[%swap3A_169, %swap3A_170] {strides = array<i32>} : memref<32x768xf32, #tpu.memory_space<vmem>>, vector<16xf32>,
      tpu.vector_store %arg10[%swap3A_169, %swap3A_170], %broadcast_in_dim3A_26 {strides = array<i32>} : memref<32x768xf32, #tpu.memory_space<vmem>>, vector<16xf32>,
      %swap3A_172 = arith.index_cast %scan3A_139 : i32 to index
      %swap3A_173 = arith.constant 176 : index
      %swap3A_174 = tpu.vector_load %arg10[%swap3A_172, %swap3A_173] {strides = array<i32>} : memref<32x768xf32, #tpu.memory_space<vmem>>, vector<16xf32>,
      tpu.vector_store %arg10[%swap3A_172, %swap3A_173], %broadcast_in_dim3A_26 {strides = array<i32>} : memref<32x768xf32, #tpu.memory_space<vmem>>, vector<16xf32>,
      %swap3A_175 = arith.index_cast %scan3A_139 : i32 to index
      %swap3A_176 = arith.constant 192 : index
      %swap3A_177 = tpu.vector_load %arg10[%swap3A_175, %swap3A_176] {strides = array<i32>} : memref<32x768xf32, #tpu.memory_space<vmem>>, vector<16xf32>,
      tpu.vector_store %arg10[%swap3A_175, %swap3A_176], %broadcast_in_dim3A_26 {strides = array<i32>} : memref<32x768xf32, #tpu.memory_space<vmem>>, vector<16xf32>,
      %swap3A_178 = arith.index_cast %scan3A_139 : i32 to index
      %swap3A_179 = arith.constant 208 : index
      %swap3A_180 = tpu.vector_load %arg10[%swap3A_178, %swap3A_179] {strides = array<i32>} : memref<32x768xf32, #tpu.memory_space<vmem>>, vector<16xf32>,
      tpu.vector_store %arg10[%swap3A_178, %swap3A_179], %broadcast_in_dim3A_26 {strides = array<i32>} : memref<32x768xf32, #tpu.memory_space<vmem>>, vector<16xf32>,
      %swap3A_181 = arith.index_cast %scan3A_139 : i32 to index
      %swap3A_182 = arith.constant 224 : index
      %swap3A_183 = tpu.vector_load %arg10[%swap3A_181, %swap3A_182] {strides = array<i32>} : memref<32x768xf32, #tpu.memory_space<vmem>>, vector<16xf32>,
      tpu.vector_store %arg10[%swap3A_181, %swap3A_182], %broadcast_in_dim3A_26 {strides = array<i32>} : memref<32x768xf32, #tpu.memory_space<vmem>>, vector<16xf32>,
      %swap3A_184 = arith.index_cast %scan3A_139 : i32 to index
      %swap3A_185 = arith.constant 240 : index
      %swap3A_186 = tpu.vector_load %arg10[%swap3A_184, %swap3A_185] {strides = array<i32>} : memref<32x768xf32, #tpu.memory_space<vmem>>, vector<16xf32>,
      tpu.vector_store %arg10[%swap3A_184, %swap3A_185], %broadcast_in_dim3A_26 {strides = array<i32>} : memref<32x768xf32, #tpu.memory_space<vmem>>, vector<16xf32>,
      %swap3A_187 = arith.index_cast %scan3A_139 : i32 to index
      %swap3A_188 = arith.constant 256 : index
      %swap3A_189 = tpu.vector_load %arg10[%swap3A_187, %swap3A_188] {strides = array<i32>} : memref<32x768xf32, #tpu.memory_space<vmem>>, vector<16xf32>,
      tpu.vector_store %arg10[%swap3A_187, %swap3A_188], %broadcast_in_dim3A_26 {strides = array<i32>} : memref<32x768xf32, #tpu.memory_space<vmem>>, vector<16xf32>,
      %swap3A_190 = arith.index_cast %scan3A_139 : i32 to index
      %swap3A_191 = arith.constant 272 : index
      %swap3A_192 = tpu.vector_load %arg10[%swap3A_190, %swap3A_191] {strides = array<i32>} : memref<32x768xf32, #tpu.memory_space<vmem>>, vector<16xf32>,
      tpu.vector_store %arg10[%swap3A_190, %swap3A_191], %broadcast_in_dim3A_26 {strides = array<i32>} : memref<32x768xf32, #tpu.memory_space<vmem>>, vector<16xf32>,
      %swap3A_193 = arith.index_cast %scan3A_139 : i32 to index
      %swap3A_194 = arith.constant 288 : index
      %swap3A_195 = tpu.vector_load %arg10[%swap3A_193, %swap3A_194] {strides = array<i32>} : memref<32x768xf32, #tpu.memory_space<vmem>>, vector<16xf32>,
      tpu.vector_store %arg10[%swap3A_193, %swap3A_194], %broadcast_in_dim3A_26 {strides = array<i32>} : memref<32x768xf32, #tpu.memory_space<vmem>>, vector<16xf32>,
      %swap3A_196 = arith.index_cast %scan3A_139 : i32 to index
      %swap3A_197 = arith.constant 304 : index
      %swap3A_198 = tpu.vector_load %arg10[%swap3A_196, %swap3A_197] {strides = array<i32>} : memref<32x768xf32, #tpu.memory_space<vmem>>, vector<16xf32>,
      tpu.vector_store %arg10[%swap3A_196, %swap3A_197], %broadcast_in_dim3A_26 {strides = array<i32>} : memref<32x768xf32, #tpu.memory_space<vmem>>, vector<16xf32>,
      %swap3A_199 = arith.index_cast %scan3A_139 : i32 to index
      %swap3A_200 = arith.constant 320 : index
      %swap3A_201 = tpu.vector_load %arg10[%swap3A_199, %swap3A_200] {strides = array<i32>} : memref<32x768xf32, #tpu.memory_space<vmem>>, vector<16xf32>,
      tpu.vector_store %arg10[%swap3A_199, %swap3A_200], %broadcast_in_dim3A_26 {strides = array<i32>} : memref<32x768xf32, #tpu.memory_space<vmem>>, vector<16xf32>,
      %swap3A_202 = arith.index_cast %scan3A_139 : i32 to index
      %swap3A_203 = arith.constant 336 : index
      %swap3A_204 = tpu.vector_load %arg10[%swap3A_202, %swap3A_203] {strides = array<i32>} : memref<32x768xf32, #tpu.memory_space<vmem>>, vector<16xf32>,
      tpu.vector_store %arg10[%swap3A_202, %swap3A_203], %broadcast_in_dim3A_26 {strides = array<i32>} : memref<32x768xf32, #tpu.memory_space<vmem>>, vector<16xf32>,
      %swap3A_205 = arith.index_cast %scan3A_139 : i32 to index
      %swap3A_206 = arith.constant 352 : index
      %swap3A_207 = tpu.vector_load %arg10[%swap3A_205, %swap3A_206] {strides = array<i32>} : memref<32x768xf32, #tpu.memory_space<vmem>>, vector<16xf32>,
      tpu.vector_store %arg10[%swap3A_205, %swap3A_206], %broadcast_in_dim3A_26 {strides = array<i32>} : memref<32x768xf32, #tpu.memory_space<vmem>>, vector<16xf32>,
      %swap3A_208 = arith.index_cast %scan3A_139 : i32 to index
      %swap3A_209 = arith.constant 368 : index
      %swap3A_210 = tpu.vector_load %arg10[%swap3A_208, %swap3A_209] {strides = array<i32>} : memref<32x768xf32, #tpu.memory_space<vmem>>, vector<16xf32>,
      tpu.vector_store %arg10[%swap3A_208, %swap3A_209], %broadcast_in_dim3A_26 {strides = array<i32>} : memref<32x768xf32, #tpu.memory_space<vmem>>, vector<16xf32>,
      %swap3A_211 = arith.index_cast %scan3A_139 : i32 to index
      %swap3A_212 = arith.constant 384 : index
      %swap3A_213 = tpu.vector_load %arg10[%swap3A_211, %swap3A_212] {strides = array<i32>} : memref<32x768xf32, #tpu.memory_space<vmem>>, vector<16xf32>,
      tpu.vector_store %arg10[%swap3A_211, %swap3A_212], %broadcast_in_dim3A_26 {strides = array<i32>} : memref<32x768xf32, #tpu.memory_space<vmem>>, vector<16xf32>,
      %swap3A_214 = arith.index_cast %scan3A_139 : i32 to index
      %swap3A_215 = arith.constant 400 : index
      %swap3A_216 = tpu.vector_load %arg10[%swap3A_214, %swap3A_215] {strides = array<i32>} : memref<32x768xf32, #tpu.memory_space<vmem>>, vector<16xf32>,
      tpu.vector_store %arg10[%swap3A_214, %swap3A_215], %broadcast_in_dim3A_26 {strides = array<i32>} : memref<32x768xf32, #tpu.memory_space<vmem>>, vector<16xf32>,
      %swap3A_217 = arith.index_cast %scan3A_139 : i32 to index
      %swap3A_218 = arith.constant 416 : index
      %swap3A_219 = tpu.vector_load %arg10[%swap3A_217, %swap3A_218] {strides = array<i32>} : memref<32x768xf32, #tpu.memory_space<vmem>>, vector<16xf32>,
      tpu.vector_store %arg10[%swap3A_217, %swap3A_218], %broadcast_in_dim3A_26 {strides = array<i32>} : memref<32x768xf32, #tpu.memory_space<vmem>>, vector<16xf32>,
      %swap3A_220 = arith.index_cast %scan3A_139 : i32 to index
      %swap3A_221 = arith.constant 432 : index
      %swap3A_222 = tpu.vector_load %arg10[%swap3A_220, %swap3A_221] {strides = array<i32>} : memref<32x768xf32, #tpu.memory_space<vmem>>, vector<16xf32>,
      tpu.vector_store %arg10[%swap3A_220, %swap3A_221], %broadcast_in_dim3A_26 {strides = array<i32>} : memref<32x768xf32, #tpu.memory_space<vmem>>, vector<16xf32>,
      %swap3A_223 = arith.index_cast %scan3A_139 : i32 to index
      %swap3A_224 = arith.constant 448 : index
      %swap3A_225 = tpu.vector_load %arg10[%swap3A_223, %swap3A_224] {strides = array<i32>} : memref<32x768xf32, #tpu.memory_space<vmem>>, vector<16xf32>,
      tpu.vector_store %arg10[%swap3A_223, %swap3A_224], %broadcast_in_dim3A_26 {strides = array<i32>} : memref<32x768xf32, #tpu.memory_space<vmem>>, vector<16xf32>,
      %swap3A_226 = arith.index_cast %scan3A_139 : i32 to index
      %swap3A_227 = arith.constant 464 : index
      %swap3A_228 = tpu.vector_load %arg10[%swap3A_226, %swap3A_227] {strides = array<i32>} : memref<32x768xf32, #tpu.memory_space<vmem>>, vector<16xf32>,
      tpu.vector_store %arg10[%swap3A_226, %swap3A_227], %broadcast_in_dim3A_26 {strides = array<i32>} : memref<32x768xf32, #tpu.memory_space<vmem>>, vector<16xf32>,
      %swap3A_229 = arith.index_cast %scan3A_139 : i32 to index
      %swap3A_230 = arith.constant 480 : index
      %swap3A_231 = tpu.vector_load %arg10[%swap3A_229, %swap3A_230] {strides = array<i32>} : memref<32x768xf32, #tpu.memory_space<vmem>>, vector<16xf32>,
      tpu.vector_store %arg10[%swap3A_229, %swap3A_230], %broadcast_in_dim3A_26 {strides = array<i32>} : memref<32x768xf32, #tpu.memory_space<vmem>>, vector<16xf32>,
      %swap3A_232 = arith.index_cast %scan3A_139 : i32 to index
      %swap3A_233 = arith.constant 496 : index
      %swap3A_234 = tpu.vector_load %arg10[%swap3A_232, %swap3A_233] {strides = array<i32>} : memref<32x768xf32, #tpu.memory_space<vmem>>, vector<16xf32>,
      tpu.vector_store %arg10[%swap3A_232, %swap3A_233], %broadcast_in_dim3A_26 {strides = array<i32>} : memref<32x768xf32, #tpu.memory_space<vmem>>, vector<16xf32>,
      %swap3A_235 = arith.index_cast %scan3A_139 : i32 to index
      %swap3A_236 = arith.constant 512 : index
      %swap3A_237 = tpu.vector_load %arg10[%swap3A_235, %swap3A_236] {strides = array<i32>} : memref<32x768xf32, #tpu.memory_space<vmem>>, vector<16xf32>,
      tpu.vector_store %arg10[%swap3A_235, %swap3A_236], %broadcast_in_dim3A_26 {strides = array<i32>} : memref<32x768xf32, #tpu.memory_space<vmem>>, vector<16xf32>,
      %swap3A_238 = arith.index_cast %scan3A_139 : i32 to index
      %swap3A_239 = arith.constant 528 : index
      %swap3A_240 = tpu.vector_load %arg10[%swap3A_238, %swap3A_239] {strides = array<i32>} : memref<32x768xf32, #tpu.memory_space<vmem>>, vector<16xf32>,
      tpu.vector_store %arg10[%swap3A_238, %swap3A_239], %broadcast_in_dim3A_26 {strides = array<i32>} : memref<32x768xf32, #tpu.memory_space<vmem>>, vector<16xf32>,
      %swap3A_241 = arith.index_cast %scan3A_139 : i32 to index
      %swap3A_242 = arith.constant 544 : index
      %swap3A_243 = tpu.vector_load %arg10[%swap3A_241, %swap3A_242] {strides = array<i32>} : memref<32x768xf32, #tpu.memory_space<vmem>>, vector<16xf32>,
      tpu.vector_store %arg10[%swap3A_241, %swap3A_242], %broadcast_in_dim3A_26 {strides = array<i32>} : memref<32x768xf32, #tpu.memory_space<vmem>>, vector<16xf32>,
      %swap3A_244 = arith.index_cast %scan3A_139 : i32 to index
      %swap3A_245 = arith.constant 560 : index
      %swap3A_246 = tpu.vector_load %arg10[%swap3A_244, %swap3A_245] {strides = array<i32>} : memref<32x768xf32, #tpu.memory_space<vmem>>, vector<16xf32>,
      tpu.vector_store %arg10[%swap3A_244, %swap3A_245], %broadcast_in_dim3A_26 {strides = array<i32>} : memref<32x768xf32, #tpu.memory_space<vmem>>, vector<16xf32>,
      %swap3A_247 = arith.index_cast %scan3A_139 : i32 to index
      %swap3A_248 = arith.constant 576 : index
      %swap3A_249 = tpu.vector_load %arg10[%swap3A_247, %swap3A_248] {strides = array<i32>} : memref<32x768xf32, #tpu.memory_space<vmem>>, vector<16xf32>,
      tpu.vector_store %arg10[%swap3A_247, %swap3A_248], %broadcast_in_dim3A_26 {strides = array<i32>} : memref<32x768xf32, #tpu.memory_space<vmem>>, vector<16xf32>,
      %swap3A_250 = arith.index_cast %scan3A_139 : i32 to index
      %swap3A_251 = arith.constant 592 : index
      %swap3A_252 = tpu.vector_load %arg10[%swap3A_250, %swap3A_251] {strides = array<i32>} : memref<32x768xf32, #tpu.memory_space<vmem>>, vector<16xf32>,
      tpu.vector_store %arg10[%swap3A_250, %swap3A_251], %broadcast_in_dim3A_26 {strides = array<i32>} : memref<32x768xf32, #tpu.memory_space<vmem>>, vector<16xf32>,
      %swap3A_253 = arith.index_cast %scan3A_139 : i32 to index
      %swap3A_254 = arith.constant 608 : index
      %swap3A_255 = tpu.vector_load %arg10[%swap3A_253, %swap3A_254] {strides = array<i32>} : memref<32x768xf32, #tpu.memory_space<vmem>>, vector<16xf32>,
      tpu.vector_store %arg10[%swap3A_253, %swap3A_254], %broadcast_in_dim3A_26 {strides = array<i32>} : memref<32x768xf32, #tpu.memory_space<vmem>>, vector<16xf32>,
      %swap3A_256 = arith.index_cast %scan3A_139 : i32 to index
      %swap3A_257 = arith.constant 624 : index
      %swap3A_258 = tpu.vector_load %arg10[%swap3A_256, %swap3A_257] {strides = array<i32>} : memref<32x768xf32, #tpu.memory_space<vmem>>, vector<16xf32>,
      tpu.vector_store %arg10[%swap3A_256, %swap3A_257], %broadcast_in_dim3A_26 {strides = array<i32>} : memref<32x768xf32, #tpu.memory_space<vmem>>, vector<16xf32>,
      %swap3A_259 = arith.index_cast %scan3A_139 : i32 to index
      %swap3A_260 = arith.constant 640 : index
      %swap3A_261 = tpu.vector_load %arg10[%swap3A_259, %swap3A_260] {strides = array<i32>} : memref<32x768xf32, #tpu.memory_space<vmem>>, vector<16xf32>,
      tpu.vector_store %arg10[%swap3A_259, %swap3A_260], %broadcast_in_dim3A_26 {strides = array<i32>} : memref<32x768xf32, #tpu.memory_space<vmem>>, vector<16xf32>,
      %swap3A_262 = arith.index_cast %scan3A_139 : i32 to index
      %swap3A_263 = arith.constant 656 : index
      %swap3A_264 = tpu.vector_load %arg10[%swap3A_262, %swap3A_263] {strides = array<i32>} : memref<32x768xf32, #tpu.memory_space<vmem>>, vector<16xf32>,
      tpu.vector_store %arg10[%swap3A_262, %swap3A_263], %broadcast_in_dim3A_26 {strides = array<i32>} : memref<32x768xf32, #tpu.memory_space<vmem>>, vector<16xf32>,
      %swap3A_265 = arith.index_cast %scan3A_139 : i32 to index
      %swap3A_266 = arith.constant 672 : index
      %swap3A_267 = tpu.vector_load %arg10[%swap3A_265, %swap3A_266] {strides = array<i32>} : memref<32x768xf32, #tpu.memory_space<vmem>>, vector<16xf32>,
      tpu.vector_store %arg10[%swap3A_265, %swap3A_266], %broadcast_in_dim3A_26 {strides = array<i32>} : memref<32x768xf32, #tpu.memory_space<vmem>>, vector<16xf32>,
      %swap3A_268 = arith.index_cast %scan3A_139 : i32 to index
      %swap3A_269 = arith.constant 688 : index
      %swap3A_270 = tpu.vector_load %arg10[%swap3A_268, %swap3A_269] {strides = array<i32>} : memref<32x768xf32, #tpu.memory_space<vmem>>, vector<16xf32>,
      tpu.vector_store %arg10[%swap3A_268, %swap3A_269], %broadcast_in_dim3A_26 {strides = array<i32>} : memref<32x768xf32, #tpu.memory_space<vmem>>, vector<16xf32>,
      %swap3A_271 = arith.index_cast %scan3A_139 : i32 to index
      %swap3A_272 = arith.constant 704 : index
      %swap3A_273 = tpu.vector_load %arg10[%swap3A_271, %swap3A_272] {strides = array<i32>} : memref<32x768xf32, #tpu.memory_space<vmem>>, vector<16xf32>,
      tpu.vector_store %arg10[%swap3A_271, %swap3A_272], %broadcast_in_dim3A_26 {strides = array<i32>} : memref<32x768xf32, #tpu.memory_space<vmem>>, vector<16xf32>,
      %swap3A_274 = arith.index_cast %scan3A_139 : i32 to index
      %swap3A_275 = arith.constant 720 : index
      %swap3A_276 = tpu.vector_load %arg10[%swap3A_274, %swap3A_275] {strides = array<i32>} : memref<32x768xf32, #tpu.memory_space<vmem>>, vector<16xf32>,
      tpu.vector_store %arg10[%swap3A_274, %swap3A_275], %broadcast_in_dim3A_26 {strides = array<i32>} : memref<32x768xf32, #tpu.memory_space<vmem>>, vector<16xf32>,
      %swap3A_277 = arith.index_cast %scan3A_139 : i32 to index
      %swap3A_278 = arith.constant 736 : index
      %swap3A_279 = tpu.vector_load %arg10[%swap3A_277, %swap3A_278] {strides = array<i32>} : memref<32x768xf32, #tpu.memory_space<vmem>>, vector<16xf32>,
      tpu.vector_store %arg10[%swap3A_277, %swap3A_278], %broadcast_in_dim3A_26 {strides = array<i32>} : memref<32x768xf32, #tpu.memory_space<vmem>>, vector<16xf32>,
      %swap3A_280 = arith.index_cast %scan3A_139 : i32 to index
      %swap3A_281 = arith.constant 752 : index
      %swap3A_282 = tpu.vector_load %arg10[%swap3A_280, %swap3A_281] {strides = array<i32>} : memref<32x768xf32, #tpu.memory_space<vmem>>, vector<16xf32>,
      tpu.vector_store %arg10[%swap3A_280, %swap3A_281], %broadcast_in_dim3A_26 {strides = array<i32>} : memref<32x768xf32, #tpu.memory_space<vmem>>, vector<16xf32>,
    }
    %scan3A_118 = arith.constant 32 : i32
    %scan3A_119 = arith.constant 0 : i32
    %scan3A_120 = arith.constant 0 : i32
    %scan3A_121 = arith.constant 32 : i32
    %scan3A_122 = arith.addi %scan3A_120, %scan3A_121 : i32
    %scan3A_123 = arith.constant 1 : i32
    scf.for %scan3A_139 = %scan3A_120 to %scan3A_122 step %scan3A_123  : i32 {
      %get3A = arith.index_cast %scan3A_139 : i32 to index
      %get3A_140 = arith.constant 96 : index
      %get3A_141 = tpu.vector_load %arg6[%get3A, %get3A_140] {strides = array<i32>} : memref<32x128xi32, #tpu.memory_space<vmem>>, vector<16xi32>,
      %get3A_142 = arith.index_cast %scan3A_139 : i32 to index
      %get3A_143 = arith.constant 96 : index
      %get3A_144 = tpu.vector_load %arg7[%get3A_142, %get3A_143] {strides = array<i32>} : memref<32x128xf32, #tpu.memory_space<vmem>>, vector<16xf32>,
      %get3A_145 = arith.index_cast %scan3A_139 : i32 to index
      %get3A_146 = arith.constant 96 : index
      %get3A_147 = tpu.vector_load %arg8[%get3A_145, %get3A_146] {strides = array<i32>} : memref<32x128xf32, #tpu.memory_space<vmem>>, vector<16xf32>,
      %add3A_148 = arith.constant 0 : i32
      %add3A_149 = vector.broadcast %add3A_148 : i32 to vector<16xi32>
      %add3A_150 = arith.addi %add3A_149, %iota3A : vector<16xi32>
      tpu.vector_store_idx %arg10[%add3A_150, %get3A_141], %broadcast_in_dim3A_28 {add = true} : memref<32x768xf32, #tpu.memory_space<vmem>>[vector<16xi32>, vector<16xi32>], vector<16xf32>,
      %add3A_151 = arith.constant 192 : i32
      %add3A_152 = vector.broadcast %add3A_151 : i32 to vector<16xi32>
      %add3A_153 = arith.addi %get3A_141, %add3A_152 : vector<16xi32>
      tpu.vector_store_idx %arg10[%add3A_150, %add3A_153], %get3A_144 {add = true} : memref<32x768xf32, #tpu.memory_space<vmem>>[vector<16xi32>, vector<16xi32>], vector<16xf32>,
      %add3A_154 = arith.constant 384 : i32
      %add3A_155 = vector.broadcast %add3A_154 : i32 to vector<16xi32>
      %add3A_156 = arith.addi %get3A_141, %add3A_155 : vector<16xi32>
      tpu.vector_store_idx %arg10[%add3A_150, %add3A_156], %get3A_147 {add = true} : memref<32x768xf32, #tpu.memory_space<vmem>>[vector<16xi32>, vector<16xi32>], vector<16xf32>,
      %add3A_157 = arith.constant 576 : i32
      %add3A_158 = vector.broadcast %add3A_157 : i32 to vector<16xi32>
      %add3A_159 = arith.addi %get3A_141, %add3A_158 : vector<16xi32>
      %mul3A_160 = arith.mulf %get3A_144, %get3A_147 : vector<16xf32>
      tpu.vector_store_idx %arg10[%add3A_150, %add3A_159], %mul3A_160 {add = true} : memref<32x768xf32, #tpu.memory_space<vmem>>[vector<16xi32>, vector<16xi32>], vector<16xf32>,
      %get3A_161 = arith.index_cast %scan3A_139 : i32 to index
      %get3A_162 = arith.constant 112 : index
      %get3A_163 = tpu.vector_load %arg6[%get3A_161, %get3A_162] {strides = array<i32>} : memref<32x128xi32, #tpu.memory_space<vmem>>, vector<16xi32>,
      %get3A_164 = arith.index_cast %scan3A_139 : i32 to index
      %get3A_165 = arith.constant 112 : index
      %get3A_166 = tpu.vector_load %arg7[%get3A_164, %get3A_165] {strides = array<i32>} : memref<32x128xf32, #tpu.memory_space<vmem>>, vector<16xf32>,
      %get3A_167 = arith.index_cast %scan3A_139 : i32 to index
      %get3A_168 = arith.constant 112 : index
      %get3A_169 = tpu.vector_load %arg8[%get3A_167, %get3A_168] {strides = array<i32>} : memref<32x128xf32, #tpu.memory_space<vmem>>, vector<16xf32>,
      %add3A_170 = arith.constant 16 : i32
      %add3A_171 = vector.broadcast %add3A_170 : i32 to vector<16xi32>
      %add3A_172 = arith.addi %add3A_171, %iota3A : vector<16xi32>
      tpu.vector_store_idx %arg10[%add3A_172, %get3A_163], %broadcast_in_dim3A_28 {add = true} : memref<32x768xf32, #tpu.memory_space<vmem>>[vector<16xi32>, vector<16xi32>], vector<16xf32>,
      %add3A_173 = arith.constant 192 : i32
      %add3A_174 = vector.broadcast %add3A_173 : i32 to vector<16xi32>
      %add3A_175 = arith.addi %get3A_163, %add3A_174 : vector<16xi32>
      tpu.vector_store_idx %arg10[%add3A_172, %add3A_175], %get3A_166 {add = true} : memref<32x768xf32, #tpu.memory_space<vmem>>[vector<16xi32>, vector<16xi32>], vector<16xf32>,
      %add3A_176 = arith.constant 384 : i32
      %add3A_177 = vector.broadcast %add3A_176 : i32 to vector<16xi32>
      %add3A_178 = arith.addi %get3A_163, %add3A_177 : vector<16xi32>
      tpu.vector_store_idx %arg10[%add3A_172, %add3A_178], %get3A_169 {add = true} : memref<32x768xf32, #tpu.memory_space<vmem>>[vector<16xi32>, vector<16xi32>], vector<16xf32>,
      %add3A_179 = arith.constant 576 : i32
      %add3A_180 = vector.broadcast %add3A_179 : i32 to vector<16xi32>
      %add3A_181 = arith.addi %get3A_163, %add3A_180 : vector<16xi32>
      %mul3A_182 = arith.mulf %get3A_166, %get3A_169 : vector<16xf32>
      tpu.vector_store_idx %arg10[%add3A_172, %add3A_181], %mul3A_182 {add = true} : memref<32x768xf32, #tpu.memory_space<vmem>>[vector<16xi32>, vector<16xi32>], vector<16xf32>,
    }
    %scan3A_124 = arith.constant 32 : i32
    %add3A_125 = arith.constant 96 : i32
    %add3A_126 = arith.addi %mul3A_2, %add3A_125 : i32
    %dma_start3A_127 = arith.constant 0 : i32
    %dma_start3A_128 = tpu.memref_slice %arg5[%add3A_126, %dma_start3A_127] : memref<4096x768xf32, #tpu.memory_space<hbm>> -> memref<32x768xf32, #tpu.memory_space<hbm>>
    %dma_start3A_129 = arith.constant 0 : i32
    %dma_start3A_130 = tpu.memref_slice %arg5[%add3A_126, %dma_start3A_129] : memref<4096x768xf32, #tpu.memory_space<hbm>> -> memref<32x768xf32, #tpu.memory_space<hbm>>
    tpu.enqueue_dma source(%arg10 : memref<32x768xf32, #tpu.memory_space<vmem>>) target(%dma_start3A_130 : memref<32x768xf32, #tpu.memory_space<hbm>>) target_semaphore(%arg11 : memref<!tpu.dma_semaphore, #tpu.memory_space<semaphore_mem>>)
    %dma_wait3A_131 = arith.constant 0 : i32
    %dma_wait3A_132 = tpu.memref_slice %arg5[%add3A_104, %dma_wait3A_131] : memref<4096x768xf32, #tpu.memory_space<hbm>> -> memref<32x768xf32, #tpu.memory_space<hbm>>
    %dma_wait3A_133 = arith.constant 0 : i32
    %dma_wait3A_134 = tpu.memref_slice %arg5[%add3A_104, %dma_wait3A_133] : memref<4096x768xf32, #tpu.memory_space<hbm>> -> memref<32x768xf32, #tpu.memory_space<hbm>>
    tpu.wait_dma2 semaphore(%arg11 : memref<!tpu.dma_semaphore, #tpu.memory_space<semaphore_mem>>) src(%arg9 : memref<32x768xf32, #tpu.memory_space<vmem>>) dst(%dma_wait3A_134 : memref<32x768xf32, #tpu.memory_space<hbm>>)
    %dma_wait3A_135 = arith.constant 0 : i32
    %dma_wait3A_136 = tpu.memref_slice %arg5[%add3A_126, %dma_wait3A_135] : memref<4096x768xf32, #tpu.memory_space<hbm>> -> memref<32x768xf32, #tpu.memory_space<hbm>>
    %dma_wait3A_137 = arith.constant 0 : i32
    %dma_wait3A_138 = tpu.memref_slice %arg5[%add3A_126, %dma_wait3A_137] : memref<4096x768xf32, #tpu.memory_space<hbm>> -> memref<32x768xf32, #tpu.memory_space<hbm>>
    tpu.wait_dma2 semaphore(%arg11 : memref<!tpu.dma_semaphore, #tpu.memory_space<semaphore_mem>>) src(%arg10 : memref<32x768xf32, #tpu.memory_space<vmem>>) dst(%dma_wait3A_138 : memref<32x768xf32, #tpu.memory_space<hbm>>)
    return
  }
}

module attributes {stable_mosaic.version = 14 : i64} {
  func.func @_tc_mm_body(%arg0: i32, %arg1: memref<2048x768xf32, #tpu.memory_space<vmem>>, %arg2: memref<2048x1xf32, #tpu.memory_space<vmem>>, %arg3: memref<192x256xf32, #tpu.memory_space<vmem>>, %arg4: memref<192x256xf32, #tpu.memory_space<vmem>>, %arg5: memref<192x64xf32, #tpu.memory_space<vmem>>, %arg6: memref<192x64xf32, #tpu.memory_space<vmem>>, %arg7: memref<1x256xf32, #tpu.memory_space<vmem>>, %arg8: memref<2048x256xf32, #tpu.memory_space<vmem>>, %arg9: memref<2048x256xf32, #tpu.memory_space<vmem>>, %arg10: memref<64x2048xf32, #tpu.memory_space<vmem>>, %arg11: memref<64x2048xf32, #tpu.memory_space<vmem>>) attributes {dimension_semantics = [#tpu.dimension_semantics<arbitrary>], iteration_bounds = array<i64: 2>, scalar_prefetch = 0 : i64, scratch_operands = 0 : i64, tpu.core_type = #tpu.core_type<tc>, window_params = [{transform_indices = @transform_0, window_bounds = array<i64: 2048, 768>}, {transform_indices = @transform_1, window_bounds = array<i64: 2048, 1>}, {pipeline_mode = #tpu.pipeline_mode<synchronous>, transform_indices = @transform_2, window_bounds = array<i64: 192, 256>}, {pipeline_mode = #tpu.pipeline_mode<synchronous>, transform_indices = @transform_3, window_bounds = array<i64: 192, 256>}, {pipeline_mode = #tpu.pipeline_mode<synchronous>, transform_indices = @transform_4, window_bounds = array<i64: 192, 64>}, {pipeline_mode = #tpu.pipeline_mode<synchronous>, transform_indices = @transform_5, window_bounds = array<i64: 192, 64>}, {pipeline_mode = #tpu.pipeline_mode<synchronous>, transform_indices = @transform_6, window_bounds = array<i64: 1, 256>}, {transform_indices = @transform_7, window_bounds = array<i64: 2048, 256>}, {transform_indices = @transform_8, window_bounds = array<i64: 2048, 256>}, {transform_indices = @transform_9, window_bounds = array<i64: 64, 2048>}, {transform_indices = @transform_10, window_bounds = array<i64: 64, 2048>}]} {
    %get3A = arith.constant 0 : index
    %get3A_0 = arith.constant 0 : index
    %get3A_1 = vector.load %arg1[%get3A, %get3A_0] : memref<2048x768xf32, #tpu.memory_space<vmem>>, vector<2048x768xf32>
    %slice3A = vector.extract_strided_slice %get3A_1 {offsets = [0, 0], sizes = [2048, 192], strides = [1, 1]} : vector<2048x768xf32> to vector<2048x192xf32>
    %get3A_2 = arith.constant 0 : index
    %get3A_3 = arith.constant 0 : index
    %get3A_4 = vector.load %arg3[%get3A_2, %get3A_3] : memref<192x256xf32, #tpu.memory_space<vmem>>, vector<192x256xf32>
    %dot_general3A = arith.constant dense<0.000000e+00> : vector<2048x256xf32>
    %dot_general3A_5 = tpu.matmul %slice3A, %get3A_4, %dot_general3A {dimension_numbers = #tpu.dot_dimension_numbers<[1], [0], [0], [1], [0, 0, 1, 1], [], []>, transpose_lhs_hint = false} : vector<2048x192xf32>, vector<192x256xf32>, vector<2048x256xf32> -> vector<2048x256xf32>
    %swap3A = arith.constant 0 : index
    %swap3A_6 = arith.constant 0 : index
    %swap3A_7 = vector.load %arg8[%swap3A, %swap3A_6] : memref<2048x256xf32, #tpu.memory_space<vmem>>, vector<2048x256xf32>
    tpu.vector_store %arg8[%swap3A, %swap3A_6], %dot_general3A_5 {strides = array<i32>} : memref<2048x256xf32, #tpu.memory_space<vmem>>, vector<2048x256xf32>,
    %slice3A_8 = vector.extract_strided_slice %get3A_1 {offsets = [0, 192], sizes = [2048, 192], strides = [1, 1]} : vector<2048x768xf32> to vector<2048x192xf32>
    %get3A_9 = arith.constant 0 : index
    %get3A_10 = arith.constant 0 : index
    %get3A_11 = vector.load %arg4[%get3A_9, %get3A_10] : memref<192x256xf32, #tpu.memory_space<vmem>>, vector<192x256xf32>
    %dot_general3A_12 = arith.constant dense<0.000000e+00> : vector<2048x256xf32>
    %dot_general3A_13 = tpu.matmul %slice3A_8, %get3A_11, %dot_general3A_12 {dimension_numbers = #tpu.dot_dimension_numbers<[1], [0], [0], [1], [0, 0, 1, 1], [], []>, transpose_lhs_hint = false} : vector<2048x192xf32>, vector<192x256xf32>, vector<2048x256xf32> -> vector<2048x256xf32>
    %get3A_14 = arith.constant 0 : index
    %get3A_15 = arith.constant 0 : index
    %get3A_16 = vector.load %arg2[%get3A_14, %get3A_15] : memref<2048x1xf32, #tpu.memory_space<vmem>>, vector<2048x1xf32>
    %get3A_17 = arith.constant 0 : index
    %get3A_18 = arith.constant 0 : index
    %get3A_19 = vector.load %arg7[%get3A_17, %get3A_18] : memref<1x256xf32, #tpu.memory_space<vmem>>, vector<1x256xf32>
    %mul3A = vector.broadcast %get3A_16 : vector<2048x1xf32> to vector<2048x256xf32>
    %mul3A_20 = vector.broadcast %get3A_19 : vector<1x256xf32> to vector<2048x256xf32>
    %mul3A_21 = arith.mulf %mul3A, %mul3A_20 : vector<2048x256xf32>
    %add3A = arith.addf %dot_general3A_13, %mul3A_21 : vector<2048x256xf32>
    %swap3A_22 = arith.constant 0 : index
    %swap3A_23 = arith.constant 0 : index
    %swap3A_24 = vector.load %arg9[%swap3A_22, %swap3A_23] : memref<2048x256xf32, #tpu.memory_space<vmem>>, vector<2048x256xf32>
    tpu.vector_store %arg9[%swap3A_22, %swap3A_23], %add3A {strides = array<i32>} : memref<2048x256xf32, #tpu.memory_space<vmem>>, vector<2048x256xf32>,
    %get3A_25 = arith.constant 0 : index
    %get3A_26 = arith.constant 0 : index
    %get3A_27 = vector.load %arg5[%get3A_25, %get3A_26] : memref<192x64xf32, #tpu.memory_space<vmem>>, vector<192x64xf32>
    %slice3A_28 = vector.extract_strided_slice %get3A_1 {offsets = [0, 384], sizes = [2048, 192], strides = [1, 1]} : vector<2048x768xf32> to vector<2048x192xf32>
    %dot_general3A_29 = arith.constant dense<0.000000e+00> : vector<64x2048xf32>
    %dot_general3A_30 = tpu.matmul %get3A_27, %slice3A_28, %dot_general3A_29 {dimension_numbers = #tpu.dot_dimension_numbers<[0], [1], [1], [0], [0, 1, 1, 0], [], []>, transpose_lhs_hint = false} : vector<192x64xf32>, vector<2048x192xf32>, vector<64x2048xf32> -> vector<64x2048xf32>
    %swap3A_31 = arith.constant 0 : index
    %swap3A_32 = arith.constant 0 : index
    %swap3A_33 = vector.load %arg10[%swap3A_31, %swap3A_32] : memref<64x2048xf32, #tpu.memory_space<vmem>>, vector<64x2048xf32>
    tpu.vector_store %arg10[%swap3A_31, %swap3A_32], %dot_general3A_30 {strides = array<i32>} : memref<64x2048xf32, #tpu.memory_space<vmem>>, vector<64x2048xf32>,
    %get3A_34 = arith.constant 0 : index
    %get3A_35 = arith.constant 0 : index
    %get3A_36 = vector.load %arg6[%get3A_34, %get3A_35] : memref<192x64xf32, #tpu.memory_space<vmem>>, vector<192x64xf32>
    %slice3A_37 = vector.extract_strided_slice %get3A_1 {offsets = [0, 576], sizes = [2048, 192], strides = [1, 1]} : vector<2048x768xf32> to vector<2048x192xf32>
    %dot_general3A_38 = arith.constant dense<0.000000e+00> : vector<64x2048xf32>
    %dot_general3A_39 = tpu.matmul %get3A_36, %slice3A_37, %dot_general3A_38 {dimension_numbers = #tpu.dot_dimension_numbers<[0], [1], [1], [0], [0, 1, 1, 0], [], []>, transpose_lhs_hint = false} : vector<192x64xf32>, vector<2048x192xf32>, vector<64x2048xf32> -> vector<64x2048xf32>
    %swap3A_40 = arith.constant 0 : index
    %swap3A_41 = arith.constant 0 : index
    %swap3A_42 = vector.load %arg11[%swap3A_40, %swap3A_41] : memref<64x2048xf32, #tpu.memory_space<vmem>>, vector<64x2048xf32>
    tpu.vector_store %arg11[%swap3A_40, %swap3A_41], %dot_general3A_39 {strides = array<i32>} : memref<64x2048xf32, #tpu.memory_space<vmem>>, vector<64x2048xf32>,
    return
  }
  func.func @transform_0(%arg0: i32) -> (i32, i32) {
    %c0_i32 = arith.constant 0 : i32
    %c0_i32_0 = arith.constant 0 : i32
    return %arg0, %c0_i32 : i32, i32
  }
  func.func @transform_1(%arg0: i32) -> (i32, i32) {
    %c0_i32 = arith.constant 0 : i32
    %c0_i32_0 = arith.constant 0 : i32
    return %arg0, %c0_i32 : i32, i32
  }
  func.func @transform_2(%arg0: i32) -> (i32, i32) {
    %c0_i32 = arith.constant 0 : i32
    %c0_i32_0 = arith.constant 0 : i32
    %c0_i32_1 = arith.constant 0 : i32
    return %c0_i32, %c0_i32_0 : i32, i32
  }
  func.func @transform_3(%arg0: i32) -> (i32, i32) {
    %c0_i32 = arith.constant 0 : i32
    %c0_i32_0 = arith.constant 0 : i32
    %c0_i32_1 = arith.constant 0 : i32
    return %c0_i32, %c0_i32_0 : i32, i32
  }
  func.func @transform_4(%arg0: i32) -> (i32, i32) {
    %c0_i32 = arith.constant 0 : i32
    %c0_i32_0 = arith.constant 0 : i32
    %c0_i32_1 = arith.constant 0 : i32
    return %c0_i32, %c0_i32_0 : i32, i32
  }
  func.func @transform_5(%arg0: i32) -> (i32, i32) {
    %c0_i32 = arith.constant 0 : i32
    %c0_i32_0 = arith.constant 0 : i32
    %c0_i32_1 = arith.constant 0 : i32
    return %c0_i32, %c0_i32_0 : i32, i32
  }
  func.func @transform_6(%arg0: i32) -> (i32, i32) {
    %c0_i32 = arith.constant 0 : i32
    %c0_i32_0 = arith.constant 0 : i32
    %c0_i32_1 = arith.constant 0 : i32
    return %c0_i32, %c0_i32_0 : i32, i32
  }
  func.func @transform_7(%arg0: i32) -> (i32, i32) {
    %c0_i32 = arith.constant 0 : i32
    %c0_i32_0 = arith.constant 0 : i32
    return %arg0, %c0_i32 : i32, i32
  }
  func.func @transform_8(%arg0: i32) -> (i32, i32) {
    %c0_i32 = arith.constant 0 : i32
    %c0_i32_0 = arith.constant 0 : i32
    return %arg0, %c0_i32 : i32, i32
  }
  func.func @transform_9(%arg0: i32) -> (i32, i32) {
    %c0_i32 = arith.constant 0 : i32
    %c0_i32_0 = arith.constant 0 : i32
    return %c0_i32, %arg0 : i32, i32
  }
  func.func @transform_10(%arg0: i32) -> (i32, i32) {
    %c0_i32 = arith.constant 0 : i32
    %c0_i32_0 = arith.constant 0 : i32
    return %c0_i32, %arg0 : i32, i32
  }
}

</mosaic_0001>

<sc_bundles>
// kernel: kernel.4.cloned.1.call-start
scs
__scs_entry_jumppad:
0x0: {  	(pc) =	sbr.rel $0x88, $3  }
0x1: {  	(tag) =	ssettag $0x0;
	lr =	simm.s32 $0x1  }
0x2: {  	[smem:$0x3F98] =	sst lr;
	_ =	strace $0xD0000000  }
0x3: {  	_ = 	snop  }
0x4: {  	_ = 	snop  }
0x5: {  	_ = 	snop  }
0x6: {  	_ = 	snop  }
0x7: {  	_ = 	snop  }
__scs_overlays_trampoline_lowered:
0x8: {  	[smem:$0x3FA7] =	sst s0  }
0x9: {  	[smem:$0x3FA8] =	sst s1  }
0xa: {  	[smem:$0x3FA9] =	sst s2  }
0xb: {  	[smem:$0x3FAA] =	sst s3  }
0xc: {  	[smem:$0x3FAB] =	sst s4  }
0xd: {  	[smem:$0x3FAC] =	sst s5  }
0xe: {  	[smem:$0x3FAD] =	sst s6  }
0xf: {  	[smem:$0x3FAE] =	sst s7  }
0x10: {  	[smem:$0x3FAF] =	sst s8  }
0x11: {  	[smem:$0x3FB0] =	sst s9;
	s0 =	simm.s32 @!p0 $0x0  }
0x12: {  	s1 =	sld [smem:$0x3F96];
	s0 =	simm.s32 @p0 $0x1  }
0x13: {  	[smem:$0x3FB1] =	sst s0;
	s0 =	simm.s32 @!p1 $0x0  }
0x14: {  	s2 =	sld [smem:$0x3F95];
	s0 =	simm.s32 @p1 $0x1  }
0x15: {  	[smem:$0x3FB2] =	sst s0;
	s0 =	simm.s32 @!p2 $0x0  }
0x16: {  	s3 =	sld [smem:$0x3FDB];
	s0 =	simm.s32 @p2 $0x1  }
0x17: {  	s4 =	simm.s32 $0x1BF5;
	[smem:$0x3FB4] =	sst s0  }
0x18: {  	s0 =	sld [smem:$0x3F97];
	_ =	swait.ge [sflag:s4], $0x0  }
0x19: {  	s7 =	sld [smem:$0x3F98]  }
0x1a: {  	s8 =	sadd.s32 $0xFFFFE003, lr  }
0x1b: {  	s9 =	sadd.s32 $0xFFFFFEF7, lr;
	s5 =	simm.s32 $0xFFFFFFFF;
	p2 =	slt.u32 s8, $0xFFFFF086  }
0x1c: {  	p1 =	slt.u32 s9, $0xF7A;
	s5 =	simm.s32 @!p2 $0x0  }
0x1d: {  	s5 =	simm.s32 @p1 $0x1;
	p0 =	seq.s32 s7, s2  }
0x1e: {  	s7 =	smul.u32 @!p0 $0xF7A, s2;
	p2 =	seq.s32 @!p0 s5, $0x0  }
0x1f: {  	s9 =	smul.u32 $0xF7A, s1;
	s8 =	simm.s32 @!p0 $0x1BF5;
	p2 =	por !p2, p0  }
0x20: {  	[sflag:s8] =	ssyncset.s32 @!p0 $0xFFFFF086;
	s6 =	sadd.s32 @!p0 s3, s7;
	s7 =	simm.s32 @!p0 $0x108  }
0x21: {  	s3 =	sadd.s32 s3, s9;
	s6 =	sadd.s32 @!p0 $0x88, s6;
	s7 =	simm.s32 @p2 $0x1082  }
0x22: {  	[simem:s7], [sflag:s8] =	dma.local @!p0 [hbm:s6], $0xF7A  }
0x23: {  	s9 =	sor.u32 $0xD0000000, s2;
	s6 =	simm.s32 $0x108;
	_ =	swait.ge @!p0 [sflag:s8], $0x0  }
0x24: {  	s3 =	sadd.s32 $0x88, s3;
	s6 =	simm.s32 @!p1 $0x1082;
	[sflag:s4] =	ssyncset.s32 $0xFFFFF086  }
0x25: {  	[simem:s6], [sflag:s4] =	dma.local [hbm:s3], $0xF7A  }
0x26: {  	[smem:$0x3F98] =	sst s1;
	(tag) =	ssettag s2;
	_ =	strace s9  }
0x27: {  	s1 =	sld [smem:$0x3FA8]  }
0x28: {  	s2 =	sld [smem:$0x3FA9]  }
0x29: {  	s4 =	sld [smem:$0x3FAB]  }
0x2a: {  	p0 =	seq.s32 s5, $0x0;
	s5 =	sld [smem:$0x3FAC]  }
0x2b: {  	s6 =	sld [smem:$0x3FAD]  }
0x2c: {  	s7 =	sld [smem:$0x3FAE]  }
0x2d: {  	s3 =	simm.s32 $0x108;
	s8 =	sld [smem:$0x3FAF]  }
0x2e: {  	s3 =	simm.s32 @!p0 $0x1082;
	s9 =	sld [smem:$0x3FB0]  }
0x2f: {  	lr =	sadd.s32 s0, s3;
	s0 =	sld [smem:$0x3FA7]  }
0x30: {  	s3 =	sld [smem:$0x3FAA]  }
0x31: {  	[smem:$0x3FB3] =	sst s10  }
0x32: {  	s10 =	sld [smem:$0x3FB1];
	_ =	sdelay $0x3  }
0x33: {  	p0 =	seq.s32 s10, $0x1;
	s10 =	sld [smem:$0x3FB3];
	_ =	sdelay $0x3  }
0x34: {  	[smem:$0x3FB3] =	sst s10  }
0x35: {  	s10 =	sld [smem:$0x3FB2];
	_ =	sdelay $0x3  }
0x36: {  	p1 =	seq.s32 s10, $0x1;
	s10 =	sld [smem:$0x3FB3];
	_ =	sdelay $0x3  }
0x37: {  	[smem:$0x3FB3] =	sst s10  }
0x38: {  	s10 =	sld [smem:$0x3FB4]  }
0x39: {  	_ = 	snop;
	(pc) =	sbr.ind lr, $3  }
0x3a: {  	_ = 	snop  }
0x3b: {  	_ = 	snop  }
0x3c: {  	p2 =	seq.s32 s10, $0x1;
	s10 =	sld [smem:$0x3FB3]  }
0x3d: {  	_ =	shalt  }
0x3e: {  	_ =	shalt  }
0x3f: {  	_ =	shalt  }
0x40: {  	_ =	shalt  }
0x41: {  	_ =	shalt  }
0x42: {  	_ =	shalt  }
0x43: {  	_ =	shalt  }
0x44: {  	_ =	shalt  }
0x45: {  	_ =	shalt  }
0x46: {  	_ =	shalt  }
0x47: {  	_ =	shalt  }
0x48: {  	_ =	shalt  }
0x49: {  	_ =	shalt  }
0x4a: {  	_ =	shalt  }
0x4b: {  	_ =	shalt  }
0x4c: {  	_ =	shalt  }
0x4d: {  	_ =	shalt  }
0x4e: {  	_ =	shalt  }
0x4f: {  	_ =	shalt  }
0x50: {  	_ =	shalt  }
0x51: {  	_ =	shalt  }
0x52: {  	_ =	shalt  }
0x53: {  	_ =	shalt  }
0x54: {  	_ =	shalt  }
0x55: {  	_ =	shalt  }
0x56: {  	_ =	shalt  }
0x57: {  	_ =	shalt  }
0x58: {  	_ =	shalt  }
0x59: {  	_ =	shalt  }
0x5a: {  	_ =	shalt  }
0x5b: {  	_ =	shalt  }
0x5c: {  	_ =	shalt  }
0x5d: {  	_ =	shalt  }
0x5e: {  	_ =	shalt  }
0x5f: {  	_ =	shalt  }
0x60: {  	_ =	shalt  }
0x61: {  	_ =	shalt  }
0x62: {  	_ =	shalt  }
0x63: {  	_ =	shalt  }
0x64: {  	_ =	shalt  }
0x65: {  	_ =	shalt  }
0x66: {  	_ =	shalt  }
0x67: {  	_ =	shalt  }
0x68: {  	_ =	shalt  }
0x69: {  	_ =	shalt  }
0x6a: {  	_ =	shalt  }
0x6b: {  	_ =	shalt  }
0x6c: {  	_ =	shalt  }
0x6d: {  	_ =	shalt  }
0x6e: {  	_ =	shalt  }
0x6f: {  	_ =	shalt  }
0x70: {  	_ =	shalt  }
0x71: {  	_ =	shalt  }
0x72: {  	_ =	shalt  }
0x73: {  	_ =	shalt  }
0x74: {  	_ =	shalt  }
0x75: {  	_ =	shalt  }
0x76: {  	_ =	shalt  }
0x77: {  	_ =	shalt  }
0x78: {  	_ =	shalt  }
0x79: {  	_ =	shalt  }
0x7a: {  	_ =	shalt  }
0x7b: {  	_ =	shalt  }
0x7c: {  	_ =	shalt  }
0x7d: {  	_ =	shalt  }
0x7e: {  	_ =	shalt  }
0x7f: {  	_ =	shalt  }
0x80: {  	_ =	shalt  }
0x81: {  	_ =	shalt  }
0x82: {  	_ =	shalt  }
0x83: {  	_ =	shalt  }
0x84: {  	_ =	shalt  }
0x85: {  	_ =	shalt  }
0x86: {  	_ =	shalt  }
0x87: {  	_ =	shalt  }
.Lfunc_end0:
.L_simem_size_0:
called_computation_lowered:
.L_overlay_start_0:
0x88: {  	s2 =	sld [smem:$0x3FD9]  }
0x89: {  	s3 =	sld [smem:$0x3FFE];
	_ =	sdelay $0x1  }
0x8a: {  	s1 =	srdreg.scid  }
0x8b: {  	s0 =	sand.u32 $0x1, s1  }
0x8c: {  	s14 =	sshll.u32 s0, $0xA;
	s2 =	sadd.s32 s3, s2  }
0x8d: {  	s2 =	sadd.s32 s2, s14  }
0x8e: {  	[smem:$0x3FBF] =	sst s2  }
0x8f: {  	_ = 	snop  }
0x90: {  	s2 =	sld [smem:$0x3FD0];
	_ =	sdelay $0x2  }
0x91: {  	s15 =	simm.s32 $0xA;
	s4 =	simm.s32 $0x10  }
0x92: {  	[smem:s4], [sflag:s15] =	dma.local [hbm:s2], $0x1  }
0x93: {  	_ =	swait.eq [sflag:s15], $0x1  }
0x94: {  	s16 =	sld [smem:$0x11];
	[sflag:s15] =	ssyncset.done $0x0  }
0x95: {  	s17 =	sld [smem:$0x12];
	[sflag:s15] =	ssyncadd.s32 $0xFFFFFFFF  }
0x96: {  	s18 =	sld [smem:$0x13];
	(tm) =	ssettm $0x1  }
0x97: {  	s5 =	sld [smem:$0x3FFB];
	_ =	sdelay $0x3  }
0x98: {  	_ =	strace s5  }
0x99: {  	s5 =	sld [smem:$0x3FFC];
	_ =	sdelay $0x3  }
0x9a: {  	_ =	strace s5  }
0x9b: {  	s5 =	sld [smem:$0x3FFD];
	_ =	sdelay $0x3  }
0x9c: {  	_ =	strace s5  }
0x9d: {  	_ =	strace $0x8FFFFFFF  }
0x9e: {  	s19 =	sld [smem:$0x3FDB];
	_ =	sdelay $0x1  }
0x9f: {  	s6 =	simm.s32 $_scs_section_size  }
0xa0: {  	s7 =	simm.s32 $_size__tile_overlayer_lowered;
	s8 =	simm.s32 $_tile_overlayer_lowered  }
0xa1: {  	s22 =	simm.s32 $0x1BFF;
	s21 =	sshll.u32 s8, $0x1;
	s5 =	sadd.s32 s6, s19  }
0xa2: {  	s9 =	simm.s32 $0x0;
	s20 =	sshll.u32 s7, $0x1;
	s7 =	sadd.s32 s21, s5  }
0xa3: {  	[timem:s9], [sflag:s22] =	dma.local [hbm:s7], s20  }
0xa4: {  	_ =	swait.ge [sflag:s22], s20  }
0xa5: {  	s6 =	ssub.s32 $0x0, s20;
	[sflag:s22] =	ssyncset.done $0x0  }
0xa6: {  	[sflag:s22] =	ssyncadd.s32 s6;
	_ =	sdelay $0x1  }
0xa7: {  	s23 =	simm.s32 $0x1B8B  }
0xa8: {  	_ =	swait.ge [sflag:s23], $0x1  }
0xa9: {  	[sflag:s23] =	ssyncset.done $0x0  }
0xaa: {  	s25 =	simm.s32 $0x1B8E;
	s24 =	sld [smem:$0x3FFE];
	[sflag:s23] =	ssyncadd.s32 $0xFFFFFFFF  }
0xab: {  	s26 =	simm.s32 $execute0_lowered;
	[smem:$0x3FD2] =	sst s25  }
0xac: {  	s7 =	sshll.u32 s26, $0x1;
	_ =	strace $0x80000046;
	[dreg:$0x1] =	wrdreg $0xFFFFFFFF  }
0xad: {  	s28 =	simm.s32 $_size_execute0_lowered;
	s5 =	sadd.s32 s5, s7;
	[dreg:$0x0] =	wrdreg $0x0  }
0xae: {  	s7 =	sshll.u32 s28, $0x1;
	[dreg:$0x2] =	wrdreg s5  }
0xaf: {  	[dreg:$0x3] =	wrdreg s7  }
0xb0: {  	[dreg:$0x4] =	wrdreg $0xC0  }
0xb1: {  	_ =	task [dreg:s9], $0x5FFFF  }
0xb2: {  	[dreg:$0x1] =	wrdreg $0xFFFFFFFF  }
0xb3: {  	[dreg:$0x0] =	wrdreg $0x60  }
0xb4: {  	[dreg:$0x2] =	wrdreg s18  }
0xb5: {  	[dreg:$0x3] =	wrdreg s16  }
0xb6: {  	[dreg:$0x4] =	wrdreg s17  }
0xb7: {  	[dreg:$0x5] =	wrdreg s24  }
0xb8: {  	[dreg:$0x6] =	wrdreg $0x9  }
0xb9: {  	_ =	task.clear_ibuf [dreg:s9], $0x7FFFF;
	_ =	strace $0x90000046  }
0xba: {  	s29 =	simm.s32 $0x9;
	_ =	strace $0x80000048  }
0xbb: {  	_ =	swait.ge [sflag:s29], $0x1  }
0xbc: {  	[sflag:s29] =	ssyncadd.s32 $0xFFFFFFFF  }
0xbd: {  	_ =	strace $0x90000048  }
0xbe: {  	_ =	sfence  }
0xbf: {  	s30 =	sld [smem:$0x0];
	_ =	sdelay $0x2  }
0xc0: {  	s31 =	sshll.u32 s1, $0xD;
	s1 =	sshrl.u32 s1, $0x2  }
0xc1: {  	s3 =	sand.u32 $0x4000, s31;
	s1 =	sadd.s32 s1, s30  }
0xc2: {  	s0 =	sor.u32 s3, s0;
	s1 =	sshll.u32 s1, $0x11  }
0xc3: {  	s0 =	sor.u32 s1, s0  }
0xc4: {  	s0 =	sadd.s32 $0x8F2B, s0  }
0xc5: {  	[sflag:s0] =	ssyncadd.remote.s32 $0x1  }
0xc6: {  	_ =	sfence.sel $0xFFFF  }
0xc7: {  	[dreg:$0x0] =	wrdreg $0xFFFFFFFF;
	(pc) =	sbr.abs _section_cstart, $3  }
0xc8: {  	[dreg:$0x1] =	wrdreg $0xFFFFFFFF  }
0xc9: {  	_ =	task.clear_ibuf [dreg:s9], $0x2FFFF;
	_ =	strace $0x9FFFFFFF  }
0xca: {  	(tm) =	ssettm $0x7FFFFFFF  }
0xcb: {  	_ =	shalt  }
tec
execute0_lowered:
.L_overlay_start_1:
0x0: {  	(tag) =	ssettag $0x1  }
0x1: {  	v0 =	vimm.s32 $0x1B80;
	vm14 =	vcmask $0x300;
	vm13 =	vcmask $0x704  }
0x2: {  	vm12 =	vcmask $0xB08;
	vm11 =	vcmask $0xF0C;
	vm10 =	vcmask $0x1310  }
0x3: {  	vm9 =	vcmask $0x1714;
	vm8 =	vcmask $0x1B18;
	vm7 =	vcmask $0x1F1C  }
0x4: {  	vm6 =	vcmask $0x2320;
	vm5 =	vcmask $0x2724;
	vm4 =	vcmask $0x2B28  }
0x5: {  	vm3 =	vcmask $0x2F2C;
	vm2 =	vcmask $0x3330;
	vm1 =	vcmask $0x3734  }
0x6: {  	vm0 =	vcmask $0x3B38;
	v2 =	vimm.f32 $1.000000000e+00;
	v3 =	vimm.s32 $0x2780  }
0x7: {  	v4 =	vimm.s32 $0x4B80;
	v5 =	vimm.s32 $0x5780;
	v0 =	vsel vm14, $0x0, v0  }
0x8: {  	v3 =	vsel vm14, $0xC00, v3;
	v4 =	vsel vm14, $0x3000, v4;
	v5 =	vsel vm14, $0x3C00, v5  }
0x9: {  	v0 =	vsel vm13, $0x80, v0;
	v3 =	vsel vm13, $0xC80, v3;
	v4 =	vsel vm13, $0x3080, v4  }
0xa: {  	v5 =	vsel vm13, $0x3C80, v5;
	v0 =	vsel vm12, $0x100, v0;
	v3 =	vsel vm12, $0xD00, v3  }
0xb: {  	v4 =	vsel vm12, $0x3100, v4;
	v5 =	vsel vm12, $0x3D00, v5;
	v0 =	vsel vm11, $0x180, v0  }
0xc: {  	v3 =	vsel vm11, $0xD80, v3;
	v4 =	vsel vm11, $0x3180, v4;
	v5 =	vsel vm11, $0x3D80, v5  }
0xd: {  	s3 =	rddreg [dreg:$0x0];
	v0 =	vsel vm10, $0x200, v0;
	v3 =	vsel vm10, $0xE00, v3;
	v4 =	vsel vm10, $0x3200, v4  }
0xe: {  	s4 =	rddreg [dreg:$0x1];
	v5 =	vsel vm10, $0x3E00, v5;
	v0 =	vsel vm9, $0x280, v0;
	v3 =	vsel vm9, $0xE80, v3  }
0xf: {  	s6 =	rddreg [dreg:$0x2];
	v4 =	vsel vm9, $0x3280, v4;
	v5 =	vsel vm9, $0x3E80, v5;
	v0 =	vsel vm8, $0x300, v0  }
0x10: {  	s5 =	rddreg [dreg:$0x3];
	v3 =	vsel vm8, $0xF00, v3;
	v4 =	vsel vm8, $0x3300, v4;
	v5 =	vsel vm8, $0x3F00, v5  }
0x11: {  	s0 =	rddreg [dreg:$0x4];
	s7 =	srdreg.scid;
	v0 =	vsel vm7, $0x380, v0;
	v3 =	vsel vm7, $0xF80, v3;
	v4 =	vsel vm7, $0x3380, v4  }
0x12: {  	s1 =	stileid.u32;
	s2 =	simm.s32 $0x0;
	s13 =	simm.s32 $0x1;
	v5 =	vsel vm7, $0x3F80, v5;
	v0 =	vsel vm6, $0x1800, v0;
	v3 =	vsel vm6, $0x2400, v3  }
0x13: {  	s14 =	simm.s32 $0x3000;
	s15 =	simm.s32 $0x9000;
	s16 =	simm.s32 $0x0;
	v4 =	vsel vm6, $0x4800, v4;
	v5 =	vsel vm6, $0x5400, v5;
	v0 =	vsel vm5, $0x1880, v0  }
0x14: {  	s7 =	sand.u32 $0x1, s7;
	s8 =	sshll.u32 s1, $0x1;
	[smem:$0x7FF] =	sst s2;
	v3 =	vsel vm5, $0x2480, v3;
	v4 =	vsel vm5, $0x4880, v4;
	v5 =	vsel vm5, $0x5480, v5  }
0x15: {  	s12 =	sadd.s32 $0x1800, s5;
	s8 =	sor.u32 s7, s8;
	s7 =	ssub.s32 $0x2, s7;
	v0 =	vsel vm4, $0x1900, v0;
	v3 =	vsel vm4, $0x2500, v3;
	v4 =	vsel vm4, $0x4900, v4  }
0x16: {  	_ =	strace $0x80000047;
	s9 =	smul.u32 $0x3000, s8;
	s10 =	sshrl.u32 s7, $0x1;
	v5 =	vsel vm4, $0x5500, v5;
	v0 =	vsel vm3, $0x1980, v0;
	v3 =	vsel vm3, $0x2580, v3  }
0x17: {  	s11 =	sshll.u32 s8, $0x9;
	s8 =	smul.u32 $0x18000, s8;
	s10 =	ssub.s32 s7, s10;
	v4 =	vsel vm3, $0x4980, v4;
	v5 =	vsel vm3, $0x5580, v5;
	v0 =	vsel vm2, $0x1A00, v0  }
0x18: {  	s3 =	sadd.s32 s3, s11;
	s4 =	sadd.s32 s4, s11;
	s6 =	sadd.s32 s6, s11;
	v3 =	vsel vm2, $0x2600, v3;
	v4 =	vsel vm2, $0x4A00, v4;
	v5 =	vsel vm2, $0x5600, v5  }
0x19: {  	s11 =	simm.s32 $0x1000;
	s5 =	sadd.s32 s12, s9;
	s8 =	sshrl.u32 s8, $0x3;
	v1 =	vsel vm1, $0x1A80, v0;
	v0 =	vimm.f32 $0.0e+00;
	v3 =	vsel vm1, $0x2680, v3  }
0x1a: {  	s10 =	smax.u32 s10, $0x1;
	s7 =	sadd.s32 $0xC00, s5;
	s31 =	sadd.s32 s12, s8;
	v4 =	vsel vm1, $0x4A80, v4;
	v5 =	vsel vm1, $0x5680, v5;
	v1 =	vsel vm0, $0x1B00, v1  }
0x1b: {  	s12 =	simm.s32 $0x2000;
	s8 =	sadd.s32 $0x1800, s31;
	s9 =	sadd.s32 $0x2400, s31;
	v3 =	vsel vm0, $0x2700, v3;
	v4 =	vsel vm0, $0x4B00, v4;
	v5 =	vsel vm0, $0x5700, v5  }
.LBB2_1:
0x1c: {  	[tilespmem:s2], [sflag:$0x1] =	stream.linear.gather [hbm4b:s3+s2], $0x1000, $0x38;
	[tilespmem:$0xF000] =	vst v63  }
0x1d: {  	s17 =	simm.s32 $0x0  }
0x1e: {  	s17 =	smul.u32 $0x6000, s17  }
0x1f: {  	[tilespmem:s11], [sflag:$0x1] =	stream.linear.gather [hbm4b:s4+s2], $0x1000, $0x38;
	[tilespmem:$0xF000] =	vst v63  }
0x20: {  	s18 =	sand.u32 $0x380, s2;
	s17 =	sshra.s32 s17, $0x2  }
0x21: {  	[tilespmem:s12], [sflag:$0x1] =	stream.linear.gather [hbm4b:s6+s2], $0x1000, $0x38;
	[tilespmem:$0xF000] =	vst v63  }
0x22: {  	s17 =	sor.u32 s18, s17  }
0x23: {  	[tilespmem:s17+$0x4470] =	vst v0  }
0x24: {  	[tilespmem:s17+$0x3000] =	vst v0  }
0x25: {  	[tilespmem:s17+$0x3010] =	vst v0  }
0x26: {  	[tilespmem:s17+$0x3020] =	vst v0  }
0x27: {  	[tilespmem:s17+$0x3030] =	vst v0  }
0x28: {  	[tilespmem:s17+$0x3040] =	vst v0  }
0x29: {  	[tilespmem:s17+$0x3050] =	vst v0  }
0x2a: {  	[tilespmem:s17+$0x3060] =	vst v0  }
0x2b: {  	[tilespmem:s17+$0x3070] =	vst v0  }
0x2c: {  	[tilespmem:s17+$0x3400] =	vst v0  }
0x2d: {  	[tilespmem:s17+$0x3410] =	vst v0  }
0x2e: {  	[tilespmem:s17+$0x3420] =	vst v0  }
0x2f: {  	[tilespmem:s17+$0x3430] =	vst v0  }
0x30: {  	[tilespmem:s17+$0x3440] =	vst v0  }
0x31: {  	[tilespmem:s17+$0x3450] =	vst v0  }
0x32: {  	[tilespmem:s17+$0x3460] =	vst v0  }
0x33: {  	[tilespmem:s17+$0x3470] =	vst v0  }
0x34: {  	[tilespmem:s17+$0x3800] =	vst v0  }
0x35: {  	[tilespmem:s17+$0x3810] =	vst v0  }
0x36: {  	[tilespmem:s17+$0x3820] =	vst v0  }
0x37: {  	[tilespmem:s17+$0x3830] =	vst v0  }
0x38: {  	[tilespmem:s17+$0x3840] =	vst v0  }
0x39: {  	[tilespmem:s17+$0x3850] =	vst v0  }
0x3a: {  	[tilespmem:s17+$0x3860] =	vst v0  }
0x3b: {  	[tilespmem:s17+$0x3870] =	vst v0  }
0x3c: {  	[tilespmem:s17+$0x3C00] =	vst v0  }
0x3d: {  	[tilespmem:s17+$0x3C10] =	vst v0  }
0x3e: {  	[tilespmem:s17+$0x3C20] =	vst v0  }
0x3f: {  	[tilespmem:s17+$0x3C30] =	vst v0  }
0x40: {  	[tilespmem:s17+$0x3C40] =	vst v0  }
0x41: {  	[tilespmem:s17+$0x3C50] =	vst v0  }
0x42: {  	[tilespmem:s17+$0x3C60] =	vst v0  }
0x43: {  	[tilespmem:s17+$0x3C70] =	vst v0  }
0x44: {  	[tilespmem:s17+$0x4000] =	vst v0  }
0x45: {  	[tilespmem:s17+$0x4010] =	vst v0  }
0x46: {  	[tilespmem:s17+$0x4020] =	vst v0  }
0x47: {  	[tilespmem:s17+$0x4030] =	vst v0  }
0x48: {  	[tilespmem:s17+$0x4040] =	vst v0  }
0x49: {  	[tilespmem:s17+$0x4050] =	vst v0  }
0x4a: {  	[tilespmem:s17+$0x4060] =	vst v0  }
0x4b: {  	[tilespmem:s17+$0x4070] =	vst v0  }
0x4c: {  	[tilespmem:s17+$0x4400] =	vst v0  }
0x4d: {  	[tilespmem:s17+$0x4410] =	vst v0  }
0x4e: {  	s20 =	simm.s32 $0x0;
	s19 =	simm.s32 $0x2;
	s18 =	simm.s32 $0x0;
	[tilespmem:s17+$0x4420] =	vst v0  }
.LBB2_2:
0x4f: {  	p0 =	sne.s32 s19, $0x1F;
	s20 =	smul.u32 $0x6000, s20;
	[tilespmem:s17+$0x4430] =	vst v0  }
0x50: {  	s18 =	sadd.s32 $0x80, s18;
	[tilespmem:s17+$0x4440] =	vst v0  }
0x51: {  	s21 =	sand.u32 $0x380, s18;
	s20 =	sshra.s32 s20, $0x2;
	[tilespmem:s17+$0x4450] =	vst v0  }
0x52: {  	[tilespmem:s17+$0x4460] =	vst v0;
	s17 =	sor.u32 s21, s20  }
0x53: {  	[tilespmem:s17+$0x4470] =	vst v0  }
0x54: {  	[tilespmem:s17+$0x3000] =	vst v0  }
0x55: {  	[tilespmem:s17+$0x3010] =	vst v0  }
0x56: {  	[tilespmem:s17+$0x3020] =	vst v0  }
0x57: {  	[tilespmem:s17+$0x3030] =	vst v0  }
0x58: {  	[tilespmem:s17+$0x3040] =	vst v0  }
0x59: {  	[tilespmem:s17+$0x3050] =	vst v0  }
0x5a: {  	[tilespmem:s17+$0x3060] =	vst v0  }
0x5b: {  	[tilespmem:s17+$0x3070] =	vst v0  }
0x5c: {  	[tilespmem:s17+$0x3400] =	vst v0  }
0x5d: {  	[tilespmem:s17+$0x3410] =	vst v0  }
0x5e: {  	[tilespmem:s17+$0x3420] =	vst v0  }
0x5f: {  	[tilespmem:s17+$0x3430] =	vst v0  }
0x60: {  	[tilespmem:s17+$0x3440] =	vst v0  }
0x61: {  	[tilespmem:s17+$0x3450] =	vst v0  }
0x62: {  	[tilespmem:s17+$0x3460] =	vst v0  }
0x63: {  	[tilespmem:s17+$0x3470] =	vst v0  }
0x64: {  	[tilespmem:s17+$0x3800] =	vst v0  }
0x65: {  	[tilespmem:s17+$0x3810] =	vst v0  }
0x66: {  	[tilespmem:s17+$0x3820] =	vst v0  }
0x67: {  	[tilespmem:s17+$0x3830] =	vst v0  }
0x68: {  	[tilespmem:s17+$0x3840] =	vst v0  }
0x69: {  	[tilespmem:s17+$0x3850] =	vst v0  }
0x6a: {  	[tilespmem:s17+$0x3860] =	vst v0  }
0x6b: {  	[tilespmem:s17+$0x3870] =	vst v0  }
0x6c: {  	[tilespmem:s17+$0x3C00] =	vst v0  }
0x6d: {  	[tilespmem:s17+$0x3C10] =	vst v0  }
0x6e: {  	[tilespmem:s17+$0x3C20] =	vst v0  }
0x6f: {  	[tilespmem:s17+$0x3C30] =	vst v0  }
0x70: {  	[tilespmem:s17+$0x3C40] =	vst v0  }
0x71: {  	[tilespmem:s17+$0x3C50] =	vst v0  }
0x72: {  	[tilespmem:s17+$0x3C60] =	vst v0  }
0x73: {  	[tilespmem:s17+$0x3C70] =	vst v0  }
0x74: {  	[tilespmem:s17+$0x4000] =	vst v0  }
0x75: {  	[tilespmem:s17+$0x4010] =	vst v0  }
0x76: {  	[tilespmem:s17+$0x4020] =	vst v0  }
0x77: {  	[tilespmem:s17+$0x4030] =	vst v0  }
0x78: {  	[tilespmem:s17+$0x4040] =	vst v0  }
0x79: {  	[tilespmem:s17+$0x4050] =	vst v0  }
.Ltmp0:
0x7a: {  	[tilespmem:s17+$0x4060] =	vst v0;
	(pc) =	sbr.rel @p0 .LBB2_2-.Ltmp0, $4  }
0x7b: {  	[tilespmem:s17+$0x4070] =	vst v0  }
0x7c: {  	[tilespmem:s17+$0x4400] =	vst v0  }
0x7d: {  	[tilespmem:s17+$0x4410] =	vst v0  }
0x7e: {  	s20 =	sshrl.u32 s19, $0x3;
	s19 =	sadd.s32 $0x1, s19;
	[tilespmem:s17+$0x4420] =	vst v0  }
0x7f: {  	s19 =	smul.u32 $0x6000, s20;
	[tilespmem:s17+$0x4430] =	vst v0  }
0x80: {  	[tilespmem:s17+$0x4440] =	vst v0;
	s18 =	sadd.s32 $0x80, s18  }
0x81: {  	[tilespmem:s17+$0x4450] =	vst v0;
	s18 =	sand.u32 $0x380, s18;
	s19 =	sshra.s32 s19, $0x2  }
0x82: {  	[tilespmem:s17+$0x4460] =	vst v0;
	s18 =	sor.u32 s18, s19  }
0x83: {  	[tilespmem:s18+$0x4470] =	vst v0  }
0x84: {  	[tilespmem:s18+$0x3000] =	vst v0  }
0x85: {  	[tilespmem:s18+$0x3010] =	vst v0  }
0x86: {  	[tilespmem:s18+$0x3020] =	vst v0  }
0x87: {  	[tilespmem:s18+$0x3030] =	vst v0  }
0x88: {  	[tilespmem:s18+$0x3040] =	vst v0  }
0x89: {  	[tilespmem:s18+$0x3050] =	vst v0  }
0x8a: {  	[tilespmem:s18+$0x3060] =	vst v0  }
0x8b: {  	[tilespmem:s18+$0x3070] =	vst v0  }
0x8c: {  	[tilespmem:s18+$0x3400] =	vst v0  }
0x8d: {  	[tilespmem:s18+$0x3410] =	vst v0  }
0x8e: {  	[tilespmem:s18+$0x3420] =	vst v0  }
0x8f: {  	[tilespmem:s18+$0x3430] =	vst v0  }
0x90: {  	[tilespmem:s18+$0x3440] =	vst v0  }
0x91: {  	[tilespmem:s18+$0x3450] =	vst v0  }
0x92: {  	[tilespmem:s18+$0x3460] =	vst v0  }
0x93: {  	[tilespmem:s18+$0x3470] =	vst v0  }
0x94: {  	[tilespmem:s18+$0x3800] =	vst v0  }
0x95: {  	[tilespmem:s18+$0x3810] =	vst v0  }
0x96: {  	[tilespmem:s18+$0x3820] =	vst v0  }
0x97: {  	[tilespmem:s18+$0x3830] =	vst v0  }
0x98: {  	[tilespmem:s18+$0x3840] =	vst v0  }
0x99: {  	[tilespmem:s18+$0x3850] =	vst v0  }
0x9a: {  	[tilespmem:s18+$0x3860] =	vst v0  }
0x9b: {  	[tilespmem:s18+$0x3870] =	vst v0  }
0x9c: {  	[tilespmem:s18+$0x3C00] =	vst v0  }
0x9d: {  	[tilespmem:s18+$0x3C10] =	vst v0  }
0x9e: {  	[tilespmem:s18+$0x3C20] =	vst v0  }
0x9f: {  	[tilespmem:s18+$0x3C30] =	vst v0  }
0xa0: {  	[tilespmem:s18+$0x3C40] =	vst v0  }
0xa1: {  	[tilespmem:s18+$0x3C50] =	vst v0  }
0xa2: {  	[tilespmem:s18+$0x3C60] =	vst v0  }
0xa3: {  	[tilespmem:s18+$0x3C70] =	vst v0  }
0xa4: {  	[tilespmem:s18+$0x4000] =	vst v0  }
0xa5: {  	[tilespmem:s18+$0x4010] =	vst v0  }
0xa6: {  	[tilespmem:s18+$0x4020] =	vst v0  }
0xa7: {  	[tilespmem:s18+$0x4030] =	vst v0  }
0xa8: {  	[tilespmem:s18+$0x4040] =	vst v0  }
0xa9: {  	[tilespmem:s18+$0x4050] =	vst v0  }
0xaa: {  	[tilespmem:s18+$0x4060] =	vst v0  }
0xab: {  	[tilespmem:s18+$0x4070] =	vst v0  }
0xac: {  	[tilespmem:s18+$0x4400] =	vst v0  }
0xad: {  	[tilespmem:s18+$0x4410] =	vst v0  }
0xae: {  	[tilespmem:s18+$0x4420] =	vst v0  }
0xaf: {  	[tilespmem:s18+$0x4430] =	vst v0  }
0xb0: {  	[tilespmem:s18+$0x4440] =	vst v0  }
0xb1: {  	[tilespmem:s18+$0x4450] =	vst v0  }
0xb2: {  	[tilespmem:s18+$0x4460] =	vst v0  }
0xb3: {  	_ =	swait.ge [sflag:s13], $0x1000  }
0xb4: {  	[sflag:s13] =	ssyncset.done $0x0  }
0xb5: {  	[sflag:s13] =	ssyncadd.s32 $0xFFFFF000  }
0xb6: {  	_ =	swait.ge [sflag:s13], $0x1000  }
0xb7: {  	[sflag:s13] =	ssyncset.done $0x0  }
0xb8: {  	[sflag:s13] =	ssyncadd.s32 $0xFFFFF000  }
0xb9: {  	_ =	swait.ge [sflag:s13], $0x1000  }
0xba: {  	[sflag:s13] =	ssyncset.done $0x0  }
0xbb: {  	s31 =	simm.s32 $0x0;
	[sflag:s13] =	ssyncadd.s32 $0xFFFFF000  }
0xbc: {  	v6 =	vld [tilespmem:s31+$0x0];
	_ =	sdelay $0x4  }
0xbd: {  	v7 =	vshll.u32 v6, $0x3;
	v8 =	vadd.s32 $0xC0, v6;
	v9 =	vadd.s32 $0x240, v6  }
0xbe: {  	v6 =	vand.u32 $0x7F, v6;
	v7 =	vand.u32 $0xFFFFFC00, v7;
	v10 =	vshll.u32 v8, $0x3  }
0xbf: {  	v6 =	vor.u32 v6, v7;
	v7 =	vand.u32 $0x7F, v8;
	v8 =	vand.u32 $0xFFFFFC00, v10  }
0xc0: {  	v57 =	vld [tilespmem:s31+$0x2000];
	v11 =	vadd.s32 v1, v6;
	v7 =	vor.u32 v7, v8;
	v8 =	vshll.u32 v9, $0x3  }
0xc1: {  	v12 =	vld [tilespmem:s31+$0x1000];
	v9 =	vand.u32 $0x7F, v9;
	v7 =	vadd.s32 v1, v7;
	v8 =	vand.u32 $0xFFFFFC00, v8  }
0xc2: {  	v6 =	vadd.s32 v3, v6;
	v8 =	vor.u32 v9, v8  }
0xc3: {  	v8 =	vadd.s32 v1, v8;
	_ =	sdelay $0x1  }
0xc4: {  	[tilespmem:v11+s14+$0x0] =	vst.idx.add.f32.msk $0xffff, v2  }
0xc5: {  	[tilespmem:v7+s14+$0x0] =	vst.idx.add.f32.msk $0xffff, v12;
	v7 =	vmul.f32 v57, v12  }
0xc6: {  	[tilespmem:v6+s14+$0x0] =	vst.idx.add.f32.msk $0xffff, v57  }
0xc7: {  	[tilespmem:v8+s14+$0x0] =	vst.idx.add.f32.msk $0xffff, v7  }
0xc8: {  	v6 =	vld [tilespmem:s31+$0x10];
	_ =	sdelay $0x4  }
0xc9: {  	v7 =	vshll.u32 v6, $0x3;
	v8 =	vadd.s32 $0xC0, v6  }
0xca: {  	v58 =	vand.u32 $0x7F, v6;
	v7 =	vand.u32 $0xFFFFFC00, v7;
	v59 =	vshll.u32 v8, $0x3  }
0xcb: {  	v8 =	vand.u32 $0x7F, v8;
	v7 =	vor.u32 v58, v7;
	v60 =	vand.u32 $0xFFFFFC00, v59  }
0xcc: {  	v6 =	vadd.s32 $0x240, v6;
	v61 =	vadd.s32 v4, v7;
	v8 =	vor.u32 v8, v60  }
0xcd: {  	v62 =	vld [tilespmem:s31+$0x1010];
	v63 =	vadd.s32 v5, v7;
	v7 =	vshll.u32 v6, $0x3;
	v8 =	vadd.s32 v4, v8  }
0xce: {  	v11 =	vld [tilespmem:s31+$0x2010];
	v6 =	vand.u32 $0x7F, v6;
	v7 =	vand.u32 $0xFFFFFC00, v7  }
0xcf: {  	v6 =	vor.u32 v6, v7  }
0xd0: {  	v6 =	vadd.s32 v4, v6  }
0xd1: {  	[tilespmem:v61+s14+$0x0] =	vst.idx.add.f32.msk $0xffff, v2  }
0xd2: {  	[tilespmem:v8+s14+$0x0] =	vst.idx.add.f32.msk $0xffff, v62  }
0xd3: {  	s17 =	simm.s32 $0x200;
	s18 =	simm.s32 $0x400;
	v7 =	vmul.f32 v11, v62;
	[tilespmem:v63+s14+$0x0] =	vst.idx.add.f32.msk $0xffff, v11  }
.LBB2_4:
0xd4: {  	p0 =	sne.s32 s18, $0x3E00  }
0xd5: {  	s19 =	sshra.s32 s17, $0x2;
	[tilespmem:v6+s14+$0x0] =	vst.idx.add.f32.msk $0xffff, v7;
	s17 =	smov.u32 s18;
	s18 =	sadd.s32 $0x200, s18  }
0xd6: {  	v6 =	vld [tilespmem:s19+$0x0];
	_ =	sdelay $0x4  }
0xd7: {  	v7 =	vshll.u32 v6, $0x3;
	v8 =	vadd.s32 $0xC0, v6;
	v9 =	vadd.s32 $0x240, v6  }
0xd8: {  	v6 =	vand.u32 $0x7F, v6;
	v7 =	vand.u32 $0xFFFFFC00, v7;
	v10 =	vshll.u32 v8, $0x3  }
0xd9: {  	v6 =	vor.u32 v6, v7;
	v7 =	vand.u32 $0x7F, v8;
	v8 =	vand.u32 $0xFFFFFC00, v10  }
0xda: {  	v10 =	vld [tilespmem:s19+$0x2000];
	v11 =	vadd.s32 v1, v6;
	v7 =	vor.u32 v7, v8;
	v8 =	vshll.u32 v9, $0x3  }
0xdb: {  	v9 =	vand.u32 $0x7F, v9;
	v12 =	vld [tilespmem:s19+$0x1000];
	v7 =	vadd.s32 v1, v7;
	v8 =	vand.u32 $0xFFFFFC00, v8  }
0xdc: {  	v6 =	vadd.s32 v3, v6;
	v8 =	vor.u32 v9, v8  }
0xdd: {  	v8 =	vadd.s32 v1, v8;
	_ =	sdelay $0x1  }
0xde: {  	[tilespmem:v11+s14+$0x0] =	vst.idx.add.f32.msk $0xffff, v2  }
0xdf: {  	[tilespmem:v7+s14+$0x0] =	vst.idx.add.f32.msk $0xffff, v12;
	v7 =	vmul.f32 v10, v12  }
0xe0: {  	[tilespmem:v6+s14+$0x0] =	vst.idx.add.f32.msk $0xffff, v10  }
0xe1: {  	[tilespmem:v8+s14+$0x0] =	vst.idx.add.f32.msk $0xffff, v7  }
0xe2: {  	v6 =	vld [tilespmem:s19+$0x10];
	_ =	sdelay $0x4  }
0xe3: {  	v7 =	vshll.u32 v6, $0x3;
	v8 =	vadd.s32 $0xC0, v6;
	v9 =	vadd.s32 $0x240, v6  }
0xe4: {  	v6 =	vand.u32 $0x7F, v6;
	v7 =	vand.u32 $0xFFFFFC00, v7;
	v10 =	vshll.u32 v8, $0x3  }
0xe5: {  	v6 =	vor.u32 v6, v7;
	v7 =	vand.u32 $0x7F, v8;
	v8 =	vand.u32 $0xFFFFFC00, v10  }
0xe6: {  	v10 =	vld [tilespmem:s19+$0x2010];
	v11 =	vadd.s32 v4, v6;
	v7 =	vor.u32 v7, v8;
	v8 =	vshll.u32 v9, $0x3  }
0xe7: {  	v9 =	vand.u32 $0x7F, v9;
	v12 =	vld [tilespmem:s19+$0x1010];
	v7 =	vadd.s32 v4, v7;
	v8 =	vand.u32 $0xFFFFFC00, v8  }
0xe8: {  	v13 =	vadd.s32 v5, v6;
	v6 =	vor.u32 v9, v8  }
.Ltmp1:
0xe9: {  	v6 =	vadd.s32 v4, v6;
	(pc) =	sbr.rel @p0 .LBB2_4-.Ltmp1, $4  }
0xea: {  	_ = 	snop  }
0xeb: {  	[tilespmem:v11+s14+$0x0] =	vst.idx.add.f32.msk $0xffff, v2  }
0xec: {  	[tilespmem:v7+s14+$0x0] =	vst.idx.add.f32.msk $0xffff, v12;
	v7 =	vmul.f32 v10, v12  }
0xed: {  	[tilespmem:v13+s14+$0x0] =	vst.idx.add.f32.msk $0xffff, v10  }
0xee: {  	_ =	sdelay $0x3  }
0xef: {  	s17 =	sshra.s32 s17, $0x2;
	[tilespmem:v6+s14+$0x0] =	vst.idx.add.f32.msk $0xffff, v7  }
0xf0: {  	v6 =	vld [tilespmem:s17+$0x0];
	_ =	sdelay $0x4  }
0xf1: {  	v7 =	vshll.u32 v6, $0x3;
	v8 =	vadd.s32 $0xC0, v6;
	v9 =	vadd.s32 $0x240, v6  }
0xf2: {  	v6 =	vand.u32 $0x7F, v6;
	v7 =	vand.u32 $0xFFFFFC00, v7;
	v10 =	vshll.u32 v8, $0x3  }
0xf3: {  	v6 =	vor.u32 v6, v7;
	v7 =	vand.u32 $0x7F, v8;
	v53 =	vand.u32 $0xFFFFFC00, v10  }
0xf4: {  	v54 =	vld [tilespmem:s17+$0x2000];
	v55 =	vshll.u32 v9, $0x3;
	v11 =	vadd.s32 v1, v6;
	v7 =	vor.u32 v7, v53  }
0xf5: {  	v12 =	vld [tilespmem:s17+$0x1000];
	v9 =	vand.u32 $0x7F, v9;
	v8 =	vand.u32 $0xFFFFFC00, v55;
	v7 =	vadd.s32 v1, v7  }
0xf6: {  	v6 =	vadd.s32 v3, v6;
	v8 =	vor.u32 v9, v8  }
0xf7: {  	v8 =	vadd.s32 v1, v8;
	_ =	sdelay $0x1  }
0xf8: {  	[tilespmem:v11+s14+$0x0] =	vst.idx.add.f32.msk $0xffff, v2  }
0xf9: {  	[tilespmem:v7+s14+$0x0] =	vst.idx.add.f32.msk $0xffff, v12;
	v7 =	vmul.f32 v54, v12  }
0xfa: {  	[tilespmem:v6+s14+$0x0] =	vst.idx.add.f32.msk $0xffff, v54  }
0xfb: {  	[tilespmem:v8+s14+$0x0] =	vst.idx.add.f32.msk $0xffff, v7  }
0xfc: {  	v6 =	vld [tilespmem:s17+$0x10];
	_ =	sdelay $0x4  }
0xfd: {  	v7 =	vshll.u32 v6, $0x3;
	v56 =	vadd.s32 $0xC0, v6;
	v57 =	vadd.s32 $0x240, v6  }
0xfe: {  	v6 =	vand.u32 $0x7F, v6;
	v7 =	vand.u32 $0xFFFFFC00, v7;
	v58 =	vshll.u32 v56, $0x3  }
0xff: {  	v6 =	vor.u32 v6, v7;
	v7 =	vand.u32 $0x7F, v56;
	v59 =	vand.u32 $0xFFFFFC00, v58  }
0x100: {  	v60 =	vld [tilespmem:s17+$0x2010];
	v62 =	vshll.u32 v57, $0x3;
	v61 =	vadd.s32 v4, v6;
	v7 =	vor.u32 v7, v59  }
0x101: {  	v63 =	vld [tilespmem:s17+$0x1010];
	v9 =	vand.u32 $0x7F, v57;
	v8 =	vand.u32 $0xFFFFFC00, v62;
	v7 =	vadd.s32 v4, v7  }
0x102: {  	v6 =	vadd.s32 v5, v6;
	v8 =	vor.u32 v9, v8  }
0x103: {  	v8 =	vadd.s32 v4, v8  }
0x104: {  	s18 =	simm.s32 $0x0  }
0x105: {  	s18 =	smul.u32 $0x6000, s18;
	[tilespmem:v61+s14+$0x0] =	vst.idx.add.f32.msk $0xffff, v2  }
0x106: {  	s17 =	simm.s32 $0x0;
	[tilespmem:v7+s14+$0x0] =	vst.idx.add.f32.msk $0xffff, v63;
	v7 =	vmul.f32 v60, v63  }
0x107: {  	s18 =	sshra.s32 s18, $0x2;
	s19 =	sand.u32 $0x380, s17;
	[tilespmem:v6+s14+$0x0] =	vst.idx.add.f32.msk $0xffff, v60  }
0x108: {  	s18 =	sor.u32 s19, s18;
	[tilespmem:v8+s14+$0x0] =	vst.idx.add.f32.msk $0xffff, v7  }
0x109: {  	[hbm4b:s5+s17] =	stream.linear.scatter [tilespmem:s14], [sflag:$0x1], $0x6000, $0x38;
	[tilespmem:$0xF000] =	vst v63  }
0x10a: {  	[tilespmem:s18+$0xA470] =	vst v0  }
0x10b: {  	[tilespmem:s18+$0x9000] =	vst v0  }
0x10c: {  	[tilespmem:s18+$0x9010] =	vst v0  }
0x10d: {  	[tilespmem:s18+$0x9020] =	vst v0  }
0x10e: {  	[tilespmem:s18+$0x9030] =	vst v0  }
0x10f: {  	[tilespmem:s18+$0x9040] =	vst v0  }
0x110: {  	[tilespmem:s18+$0x9050] =	vst v0  }
0x111: {  	[tilespmem:s18+$0x9060] =	vst v0  }
0x112: {  	[tilespmem:s18+$0x9070] =	vst v0  }
0x113: {  	[tilespmem:s18+$0x9400] =	vst v0  }
0x114: {  	[tilespmem:s18+$0x9410] =	vst v0  }
0x115: {  	[tilespmem:s18+$0x9420] =	vst v0  }
0x116: {  	[tilespmem:s18+$0x9430] =	vst v0  }
0x117: {  	[tilespmem:s18+$0x9440] =	vst v0  }
0x118: {  	[tilespmem:s18+$0x9450] =	vst v0  }
0x119: {  	[tilespmem:s18+$0x9460] =	vst v0  }
0x11a: {  	[tilespmem:s18+$0x9470] =	vst v0  }
0x11b: {  	[tilespmem:s18+$0x9800] =	vst v0  }
0x11c: {  	[tilespmem:s18+$0x9810] =	vst v0  }
0x11d: {  	[tilespmem:s18+$0x9820] =	vst v0  }
0x11e: {  	[tilespmem:s18+$0x9830] =	vst v0  }
0x11f: {  	[tilespmem:s18+$0x9840] =	vst v0  }
0x120: {  	[tilespmem:s18+$0x9850] =	vst v0  }
0x121: {  	[tilespmem:s18+$0x9860] =	vst v0  }
0x122: {  	[tilespmem:s18+$0x9870] =	vst v0  }
0x123: {  	[tilespmem:s18+$0x9C00] =	vst v0  }
0x124: {  	[tilespmem:s18+$0x9C10] =	vst v0  }
0x125: {  	[tilespmem:s18+$0x9C20] =	vst v0  }
0x126: {  	[tilespmem:s18+$0x9C30] =	vst v0  }
0x127: {  	[tilespmem:s18+$0x9C40] =	vst v0  }
0x128: {  	[tilespmem:s18+$0x9C50] =	vst v0  }
0x129: {  	[tilespmem:s18+$0x9C60] =	vst v0  }
0x12a: {  	[tilespmem:s18+$0x9C70] =	vst v0  }
0x12b: {  	[tilespmem:s18+$0xA000] =	vst v0  }
0x12c: {  	[tilespmem:s18+$0xA010] =	vst v0  }
0x12d: {  	[tilespmem:s18+$0xA020] =	vst v0  }
0x12e: {  	[tilespmem:s18+$0xA030] =	vst v0  }
0x12f: {  	[tilespmem:s18+$0xA040] =	vst v0  }
0x130: {  	[tilespmem:s18+$0xA050] =	vst v0  }
0x131: {  	[tilespmem:s18+$0xA060] =	vst v0  }
0x132: {  	[tilespmem:s18+$0xA070] =	vst v0  }
0x133: {  	[tilespmem:s18+$0xA400] =	vst v0  }
0x134: {  	[tilespmem:s18+$0xA410] =	vst v0  }
0x135: {  	s20 =	simm.s32 $0x0;
	s19 =	simm.s32 $0x2;
	[tilespmem:s18+$0xA420] =	vst v0  }
.LBB2_6:
0x136: {  	p0 =	sne.s32 s19, $0x1F;
	s20 =	smul.u32 $0x6000, s20;
	[tilespmem:s18+$0xA430] =	vst v0  }
0x137: {  	s17 =	sadd.s32 $0x80, s17;
	[tilespmem:s18+$0xA440] =	vst v0  }
0x138: {  	s21 =	sand.u32 $0x380, s17;
	s20 =	sshra.s32 s20, $0x2;
	[tilespmem:s18+$0xA450] =	vst v0  }
0x139: {  	[tilespmem:s18+$0xA460] =	vst v0;
	s18 =	sor.u32 s21, s20  }
0x13a: {  	[tilespmem:s18+$0xA470] =	vst v0  }
0x13b: {  	[tilespmem:s18+$0x9000] =	vst v0  }
0x13c: {  	[tilespmem:s18+$0x9010] =	vst v0  }
0x13d: {  	[tilespmem:s18+$0x9020] =	vst v0  }
0x13e: {  	[tilespmem:s18+$0x9030] =	vst v0  }
0x13f: {  	[tilespmem:s18+$0x9040] =	vst v0  }
0x140: {  	[tilespmem:s18+$0x9050] =	vst v0  }
0x141: {  	[tilespmem:s18+$0x9060] =	vst v0  }
0x142: {  	[tilespmem:s18+$0x9070] =	vst v0  }
0x143: {  	[tilespmem:s18+$0x9400] =	vst v0  }
0x144: {  	[tilespmem:s18+$0x9410] =	vst v0  }
0x145: {  	[tilespmem:s18+$0x9420] =	vst v0  }
0x146: {  	[tilespmem:s18+$0x9430] =	vst v0  }
0x147: {  	[tilespmem:s18+$0x9440] =	vst v0  }
0x148: {  	[tilespmem:s18+$0x9450] =	vst v0  }
0x149: {  	[tilespmem:s18+$0x9460] =	vst v0  }
0x14a: {  	[tilespmem:s18+$0x9470] =	vst v0  }
0x14b: {  	[tilespmem:s18+$0x9800] =	vst v0  }
0x14c: {  	[tilespmem:s18+$0x9810] =	vst v0  }
0x14d: {  	[tilespmem:s18+$0x9820] =	vst v0  }
0x14e: {  	[tilespmem:s18+$0x9830] =	vst v0  }
0x14f: {  	[tilespmem:s18+$0x9840] =	vst v0  }
0x150: {  	[tilespmem:s18+$0x9850] =	vst v0  }
0x151: {  	[tilespmem:s18+$0x9860] =	vst v0  }
0x152: {  	[tilespmem:s18+$0x9870] =	vst v0  }
0x153: {  	[tilespmem:s18+$0x9C00] =	vst v0  }
0x154: {  	[tilespmem:s18+$0x9C10] =	vst v0  }
0x155: {  	[tilespmem:s18+$0x9C20] =	vst v0  }
0x156: {  	[tilespmem:s18+$0x9C30] =	vst v0  }
0x157: {  	[tilespmem:s18+$0x9C40] =	vst v0  }
0x158: {  	[tilespmem:s18+$0x9C50] =	vst v0  }
0x159: {  	[tilespmem:s18+$0x9C60] =	vst v0  }
0x15a: {  	[tilespmem:s18+$0x9C70] =	vst v0  }
0x15b: {  	[tilespmem:s18+$0xA000] =	vst v0  }
0x15c: {  	[tilespmem:s18+$0xA010] =	vst v0  }
0x15d: {  	[tilespmem:s18+$0xA020] =	vst v0  }
0x15e: {  	[tilespmem:s18+$0xA030] =	vst v0  }
0x15f: {  	[tilespmem:s18+$0xA040] =	vst v0  }
0x160: {  	[tilespmem:s18+$0xA050] =	vst v0  }
.Ltmp2:
0x161: {  	[tilespmem:s18+$0xA060] =	vst v0;
	(pc) =	sbr.rel @p0 .LBB2_6-.Ltmp2, $4  }
0x162: {  	[tilespmem:s18+$0xA070] =	vst v0  }
0x163: {  	[tilespmem:s18+$0xA400] =	vst v0  }
0x164: {  	[tilespmem:s18+$0xA410] =	vst v0  }
0x165: {  	s20 =	sshrl.u32 s19, $0x3;
	s19 =	sadd.s32 $0x1, s19;
	[tilespmem:s18+$0xA420] =	vst v0  }
0x166: {  	s19 =	smul.u32 $0x6000, s20;
	[tilespmem:s18+$0xA430] =	vst v0  }
0x167: {  	[tilespmem:s18+$0xA440] =	vst v0;
	s17 =	sadd.s32 $0x80, s17  }
0x168: {  	[tilespmem:s18+$0xA450] =	vst v0;
	s17 =	sand.u32 $0x380, s17;
	s19 =	sshra.s32 s19, $0x2  }
0x169: {  	[tilespmem:s18+$0xA460] =	vst v0;
	s17 =	sor.u32 s17, s19  }
0x16a: {  	[tilespmem:s17+$0xA470] =	vst v0  }
0x16b: {  	[tilespmem:s17+$0x9000] =	vst v0  }
0x16c: {  	[tilespmem:s17+$0x9010] =	vst v0  }
0x16d: {  	[tilespmem:s17+$0x9020] =	vst v0  }
0x16e: {  	[tilespmem:s17+$0x9030] =	vst v0  }
0x16f: {  	[tilespmem:s17+$0x9040] =	vst v0  }
0x170: {  	[tilespmem:s17+$0x9050] =	vst v0  }
0x171: {  	[tilespmem:s17+$0x9060] =	vst v0  }
0x172: {  	[tilespmem:s17+$0x9070] =	vst v0  }
0x173: {  	[tilespmem:s17+$0x9400] =	vst v0  }
0x174: {  	[tilespmem:s17+$0x9410] =	vst v0  }
0x175: {  	[tilespmem:s17+$0x9420] =	vst v0  }
0x176: {  	[tilespmem:s17+$0x9430] =	vst v0  }
0x177: {  	[tilespmem:s17+$0x9440] =	vst v0  }
0x178: {  	[tilespmem:s17+$0x9450] =	vst v0  }
0x179: {  	[tilespmem:s17+$0x9460] =	vst v0  }
0x17a: {  	[tilespmem:s17+$0x9470] =	vst v0  }
0x17b: {  	[tilespmem:s17+$0x9800] =	vst v0  }
0x17c: {  	[tilespmem:s17+$0x9810] =	vst v0  }
0x17d: {  	[tilespmem:s17+$0x9820] =	vst v0  }
0x17e: {  	[tilespmem:s17+$0x9830] =	vst v0  }
0x17f: {  	[tilespmem:s17+$0x9840] =	vst v0  }
0x180: {  	[tilespmem:s17+$0x9850] =	vst v0  }
0x181: {  	[tilespmem:s17+$0x9860] =	vst v0  }
0x182: {  	[tilespmem:s17+$0x9870] =	vst v0  }
0x183: {  	[tilespmem:s17+$0x9C00] =	vst v0  }
0x184: {  	[tilespmem:s17+$0x9C10] =	vst v0  }
0x185: {  	[tilespmem:s17+$0x9C20] =	vst v0  }
0x186: {  	[tilespmem:s17+$0x9C30] =	vst v0  }
0x187: {  	[tilespmem:s17+$0x9C40] =	vst v0  }
0x188: {  	[tilespmem:s17+$0x9C50] =	vst v0  }
0x189: {  	[tilespmem:s17+$0x9C60] =	vst v0  }
0x18a: {  	[tilespmem:s17+$0x9C70] =	vst v0  }
0x18b: {  	[tilespmem:s17+$0xA000] =	vst v0  }
0x18c: {  	[tilespmem:s17+$0xA010] =	vst v0  }
0x18d: {  	[tilespmem:s17+$0xA020] =	vst v0  }
0x18e: {  	[tilespmem:s17+$0xA030] =	vst v0  }
0x18f: {  	[tilespmem:s17+$0xA040] =	vst v0  }
0x190: {  	[tilespmem:s17+$0xA050] =	vst v0  }
0x191: {  	[tilespmem:s17+$0xA060] =	vst v0  }
0x192: {  	[tilespmem:s17+$0xA070] =	vst v0  }
0x193: {  	[tilespmem:s17+$0xA400] =	vst v0  }
0x194: {  	[tilespmem:s17+$0xA410] =	vst v0  }
0x195: {  	[tilespmem:s17+$0xA420] =	vst v0  }
0x196: {  	[tilespmem:s17+$0xA430] =	vst v0  }
0x197: {  	[tilespmem:s17+$0xA440] =	vst v0  }
0x198: {  	[tilespmem:s17+$0xA450] =	vst v0  }
0x199: {  	s31 =	simm.s32 $0x0;
	[tilespmem:s17+$0xA460] =	vst v0  }
0x19a: {  	v6 =	vld [tilespmem:s31+$0x20];
	_ =	sdelay $0x4  }
0x19b: {  	v7 =	vshll.u32 v6, $0x3;
	v8 =	vadd.s32 $0xC0, v6;
	v9 =	vadd.s32 $0x240, v6  }
0x19c: {  	v6 =	vand.u32 $0x7F, v6;
	v7 =	vand.u32 $0xFFFFFC00, v7;
	v10 =	vshll.u32 v8, $0x3  }
0x19d: {  	v6 =	vor.u32 v6, v7;
	v7 =	vand.u32 $0x7F, v8;
	v8 =	vand.u32 $0xFFFFFC00, v10  }
0x19e: {  	v57 =	vld [tilespmem:s31+$0x2020];
	v11 =	vadd.s32 v1, v6;
	v7 =	vor.u32 v7, v8;
	v8 =	vshll.u32 v9, $0x3  }
0x19f: {  	v12 =	vld [tilespmem:s31+$0x1020];
	v9 =	vand.u32 $0x7F, v9;
	v7 =	vadd.s32 v1, v7;
	v8 =	vand.u32 $0xFFFFFC00, v8  }
0x1a0: {  	v6 =	vadd.s32 v3, v6;
	v8 =	vor.u32 v9, v8  }
0x1a1: {  	v8 =	vadd.s32 v1, v8;
	_ =	sdelay $0x1  }
0x1a2: {  	[tilespmem:v11+s15+$0x0] =	vst.idx.add.f32.msk $0xffff, v2  }
0x1a3: {  	[tilespmem:v7+s15+$0x0] =	vst.idx.add.f32.msk $0xffff, v12;
	v7 =	vmul.f32 v57, v12  }
0x1a4: {  	[tilespmem:v6+s15+$0x0] =	vst.idx.add.f32.msk $0xffff, v57  }
0x1a5: {  	[tilespmem:v8+s15+$0x0] =	vst.idx.add.f32.msk $0xffff, v7  }
0x1a6: {  	v6 =	vld [tilespmem:s31+$0x30];
	_ =	sdelay $0x4  }
0x1a7: {  	v7 =	vshll.u32 v6, $0x3;
	v8 =	vadd.s32 $0xC0, v6  }
0x1a8: {  	v58 =	vand.u32 $0x7F, v6;
	v7 =	vand.u32 $0xFFFFFC00, v7;
	v59 =	vshll.u32 v8, $0x3  }
0x1a9: {  	v8 =	vand.u32 $0x7F, v8;
	v7 =	vor.u32 v58, v7;
	v60 =	vand.u32 $0xFFFFFC00, v59  }
0x1aa: {  	v6 =	vadd.s32 $0x240, v6;
	v61 =	vadd.s32 v4, v7;
	v8 =	vor.u32 v8, v60  }
0x1ab: {  	v62 =	vld [tilespmem:s31+$0x1030];
	v63 =	vadd.s32 v5, v7;
	v7 =	vshll.u32 v6, $0x3;
	v8 =	vadd.s32 v4, v8  }
0x1ac: {  	v11 =	vld [tilespmem:s31+$0x2030];
	v6 =	vand.u32 $0x7F, v6;
	v7 =	vand.u32 $0xFFFFFC00, v7  }
0x1ad: {  	v6 =	vor.u32 v6, v7  }
0x1ae: {  	v6 =	vadd.s32 v4, v6  }
0x1af: {  	[tilespmem:v61+s15+$0x0] =	vst.idx.add.f32.msk $0xffff, v2  }
0x1b0: {  	[tilespmem:v8+s15+$0x0] =	vst.idx.add.f32.msk $0xffff, v62  }
0x1b1: {  	s18 =	simm.s32 $0x400;
	s17 =	simm.s32 $0x200;
	v7 =	vmul.f32 v11, v62;
	[tilespmem:v63+s15+$0x0] =	vst.idx.add.f32.msk $0xffff, v11  }
.LBB2_8:
0x1b2: {  	p0 =	sne.s32 s18, $0x3E00  }
0x1b3: {  	s19 =	sshra.s32 s17, $0x2;
	[tilespmem:v6+s15+$0x0] =	vst.idx.add.f32.msk $0xffff, v7;
	s17 =	smov.u32 s18;
	s18 =	sadd.s32 $0x200, s18  }
0x1b4: {  	v6 =	vld [tilespmem:s19+$0x20];
	_ =	sdelay $0x4  }
0x1b5: {  	v7 =	vshll.u32 v6, $0x3;
	v8 =	vadd.s32 $0xC0, v6;
	v9 =	vadd.s32 $0x240, v6  }
0x1b6: {  	v6 =	vand.u32 $0x7F, v6;
	v7 =	vand.u32 $0xFFFFFC00, v7;
	v10 =	vshll.u32 v8, $0x3  }
0x1b7: {  	v6 =	vor.u32 v6, v7;
	v7 =	vand.u32 $0x7F, v8;
	v8 =	vand.u32 $0xFFFFFC00, v10  }
0x1b8: {  	v10 =	vld [tilespmem:s19+$0x2020];
	v11 =	vadd.s32 v1, v6;
	v7 =	vor.u32 v7, v8;
	v8 =	vshll.u32 v9, $0x3  }
0x1b9: {  	v9 =	vand.u32 $0x7F, v9;
	v12 =	vld [tilespmem:s19+$0x1020];
	v7 =	vadd.s32 v1, v7;
	v8 =	vand.u32 $0xFFFFFC00, v8  }
0x1ba: {  	v6 =	vadd.s32 v3, v6;
	v8 =	vor.u32 v9, v8  }
0x1bb: {  	v8 =	vadd.s32 v1, v8;
	_ =	sdelay $0x1  }
0x1bc: {  	[tilespmem:v11+s15+$0x0] =	vst.idx.add.f32.msk $0xffff, v2  }
0x1bd: {  	[tilespmem:v7+s15+$0x0] =	vst.idx.add.f32.msk $0xffff, v12;
	v7 =	vmul.f32 v10, v12  }
0x1be: {  	[tilespmem:v6+s15+$0x0] =	vst.idx.add.f32.msk $0xffff, v10  }
0x1bf: {  	[tilespmem:v8+s15+$0x0] =	vst.idx.add.f32.msk $0xffff, v7  }
0x1c0: {  	v6 =	vld [tilespmem:s19+$0x30];
	_ =	sdelay $0x4  }
0x1c1: {  	v7 =	vshll.u32 v6, $0x3;
	v8 =	vadd.s32 $0xC0, v6;
	v9 =	vadd.s32 $0x240, v6  }
0x1c2: {  	v6 =	vand.u32 $0x7F, v6;
	v7 =	vand.u32 $0xFFFFFC00, v7;
	v10 =	vshll.u32 v8, $0x3  }
0x1c3: {  	v6 =	vor.u32 v6, v7;
	v7 =	vand.u32 $0x7F, v8;
	v8 =	vand.u32 $0xFFFFFC00, v10  }
0x1c4: {  	v10 =	vld [tilespmem:s19+$0x2030];
	v11 =	vadd.s32 v4, v6;
	v7 =	vor.u32 v7, v8;
	v8 =	vshll.u32 v9, $0x3  }
0x1c5: {  	v9 =	vand.u32 $0x7F, v9;
	v12 =	vld [tilespmem:s19+$0x1030];
	v7 =	vadd.s32 v4, v7;
	v8 =	vand.u32 $0xFFFFFC00, v8  }
0x1c6: {  	v13 =	vadd.s32 v5, v6;
	v6 =	vor.u32 v9, v8  }
.Ltmp3:
0x1c7: {  	v6 =	vadd.s32 v4, v6;
	(pc) =	sbr.rel @p0 .LBB2_8-.Ltmp3, $4  }
0x1c8: {  	_ = 	snop  }
0x1c9: {  	[tilespmem:v11+s15+$0x0] =	vst.idx.add.f32.msk $0xffff, v2  }
0x1ca: {  	[tilespmem:v7+s15+$0x0] =	vst.idx.add.f32.msk $0xffff, v12;
	v7 =	vmul.f32 v10, v12  }
0x1cb: {  	[tilespmem:v13+s15+$0x0] =	vst.idx.add.f32.msk $0xffff, v10  }
0x1cc: {  	_ =	sdelay $0x3  }
0x1cd: {  	s17 =	sshra.s32 s17, $0x2;
	[tilespmem:v6+s15+$0x0] =	vst.idx.add.f32.msk $0xffff, v7  }
0x1ce: {  	v6 =	vld [tilespmem:s17+$0x20];
	_ =	sdelay $0x4  }
0x1cf: {  	v7 =	vshll.u32 v6, $0x3;
	v8 =	vadd.s32 $0xC0, v6;
	v9 =	vadd.s32 $0x240, v6  }
0x1d0: {  	v6 =	vand.u32 $0x7F, v6;
	v7 =	vand.u32 $0xFFFFFC00, v7;
	v10 =	vshll.u32 v8, $0x3  }
0x1d1: {  	v6 =	vor.u32 v6, v7;
	v7 =	vand.u32 $0x7F, v8;
	v53 =	vand.u32 $0xFFFFFC00, v10  }
0x1d2: {  	v54 =	vld [tilespmem:s17+$0x2020];
	v55 =	vshll.u32 v9, $0x3;
	v11 =	vadd.s32 v1, v6;
	v7 =	vor.u32 v7, v53  }
0x1d3: {  	v12 =	vld [tilespmem:s17+$0x1020];
	v9 =	vand.u32 $0x7F, v9;
	v8 =	vand.u32 $0xFFFFFC00, v55;
	v7 =	vadd.s32 v1, v7  }
0x1d4: {  	v6 =	vadd.s32 v3, v6;
	v8 =	vor.u32 v9, v8  }
0x1d5: {  	v8 =	vadd.s32 v1, v8;
	_ =	sdelay $0x1  }
0x1d6: {  	[tilespmem:v11+s15+$0x0] =	vst.idx.add.f32.msk $0xffff, v2  }
0x1d7: {  	[tilespmem:v7+s15+$0x0] =	vst.idx.add.f32.msk $0xffff, v12;
	v7 =	vmul.f32 v54, v12  }
0x1d8: {  	[tilespmem:v6+s15+$0x0] =	vst.idx.add.f32.msk $0xffff, v54  }
0x1d9: {  	[tilespmem:v8+s15+$0x0] =	vst.idx.add.f32.msk $0xffff, v7  }
0x1da: {  	v6 =	vld [tilespmem:s17+$0x30];
	_ =	sdelay $0x4  }
0x1db: {  	v7 =	vshll.u32 v6, $0x3;
	v56 =	vadd.s32 $0xC0, v6;
	v57 =	vadd.s32 $0x240, v6  }
0x1dc: {  	v6 =	vand.u32 $0x7F, v6;
	v7 =	vand.u32 $0xFFFFFC00, v7;
	v58 =	vshll.u32 v56, $0x3  }
0x1dd: {  	v6 =	vor.u32 v6, v7;
	v7 =	vand.u32 $0x7F, v56;
	v59 =	vand.u32 $0xFFFFFC00, v58  }
0x1de: {  	v60 =	vld [tilespmem:s17+$0x2030];
	v62 =	vshll.u32 v57, $0x3;
	v61 =	vadd.s32 v4, v6;
	v7 =	vor.u32 v7, v59  }
0x1df: {  	v63 =	vld [tilespmem:s17+$0x1030];
	v9 =	vand.u32 $0x7F, v57;
	v8 =	vand.u32 $0xFFFFFC00, v62;
	v7 =	vadd.s32 v4, v7  }
0x1e0: {  	v6 =	vadd.s32 v5, v6;
	v8 =	vor.u32 v9, v8  }
0x1e1: {  	v8 =	vadd.s32 v4, v8;
	_ =	sdelay $0x1  }
0x1e2: {  	[tilespmem:v61+s15+$0x0] =	vst.idx.add.f32.msk $0xffff, v2  }
0x1e3: {  	[tilespmem:v7+s15+$0x0] =	vst.idx.add.f32.msk $0xffff, v63;
	v7 =	vmul.f32 v60, v63  }
0x1e4: {  	s18 =	simm.s32 $0x0;
	[tilespmem:v6+s15+$0x0] =	vst.idx.add.f32.msk $0xffff, v60  }
0x1e5: {  	s18 =	smul.u32 $0x6000, s18;
	s17 =	simm.s32 $0x0;
	[tilespmem:v8+s15+$0x0] =	vst.idx.add.f32.msk $0xffff, v7  }
0x1e6: {  	[hbm4b:s7+s17] =	stream.linear.scatter [tilespmem:s15], [sflag:$0x1], $0x6000, $0x38;
	[tilespmem:$0xF000] =	vst v63  }
0x1e7: {  	_ =	swait.ge [sflag:s13], $0x6000  }
0x1e8: {  	s18 =	sshra.s32 s18, $0x2;
	s19 =	sand.u32 $0x380, s17;
	[sflag:s13] =	ssyncset.done $0x0  }
0x1e9: {  	s18 =	sor.u32 s19, s18;
	[sflag:s13] =	ssyncadd.s32 $0xFFFFA000  }
0x1ea: {  	[tilespmem:s18+$0x4470] =	vst v0  }
0x1eb: {  	[tilespmem:s18+$0x3000] =	vst v0  }
0x1ec: {  	[tilespmem:s18+$0x3010] =	vst v0  }
0x1ed: {  	[tilespmem:s18+$0x3020] =	vst v0  }
0x1ee: {  	[tilespmem:s18+$0x3030] =	vst v0  }
0x1ef: {  	[tilespmem:s18+$0x3040] =	vst v0  }
0x1f0: {  	[tilespmem:s18+$0x3050] =	vst v0  }
0x1f1: {  	[tilespmem:s18+$0x3060] =	vst v0  }
0x1f2: {  	[tilespmem:s18+$0x3070] =	vst v0  }
0x1f3: {  	[tilespmem:s18+$0x3400] =	vst v0  }
0x1f4: {  	[tilespmem:s18+$0x3410] =	vst v0  }
0x1f5: {  	[tilespmem:s18+$0x3420] =	vst v0  }
0x1f6: {  	[tilespmem:s18+$0x3430] =	vst v0  }
0x1f7: {  	[tilespmem:s18+$0x3440] =	vst v0  }
0x1f8: {  	[tilespmem:s18+$0x3450] =	vst v0  }
0x1f9: {  	[tilespmem:s18+$0x3460] =	vst v0  }
0x1fa: {  	[tilespmem:s18+$0x3470] =	vst v0  }
0x1fb: {  	[tilespmem:s18+$0x3800] =	vst v0  }
0x1fc: {  	[tilespmem:s18+$0x3810] =	vst v0  }
0x1fd: {  	[tilespmem:s18+$0x3820] =	vst v0  }
0x1fe: {  	[tilespmem:s18+$0x3830] =	vst v0  }
0x1ff: {  	[tilespmem:s18+$0x3840] =	vst v0  }
0x200: {  	[tilespmem:s18+$0x3850] =	vst v0  }
0x201: {  	[tilespmem:s18+$0x3860] =	vst v0  }
0x202: {  	[tilespmem:s18+$0x3870] =	vst v0  }
0x203: {  	[tilespmem:s18+$0x3C00] =	vst v0  }
0x204: {  	[tilespmem:s18+$0x3C10] =	vst v0  }
0x205: {  	[tilespmem:s18+$0x3C20] =	vst v0  }
0x206: {  	[tilespmem:s18+$0x3C30] =	vst v0  }
0x207: {  	[tilespmem:s18+$0x3C40] =	vst v0  }
0x208: {  	[tilespmem:s18+$0x3C50] =	vst v0  }
0x209: {  	[tilespmem:s18+$0x3C60] =	vst v0  }
0x20a: {  	[tilespmem:s18+$0x3C70] =	vst v0  }
0x20b: {  	[tilespmem:s18+$0x4000] =	vst v0  }
0x20c: {  	[tilespmem:s18+$0x4010] =	vst v0  }
0x20d: {  	[tilespmem:s18+$0x4020] =	vst v0  }
0x20e: {  	[tilespmem:s18+$0x4030] =	vst v0  }
0x20f: {  	[tilespmem:s18+$0x4040] =	vst v0  }
0x210: {  	[tilespmem:s18+$0x4050] =	vst v0  }
0x211: {  	[tilespmem:s18+$0x4060] =	vst v0  }
0x212: {  	[tilespmem:s18+$0x4070] =	vst v0  }
0x213: {  	[tilespmem:s18+$0x4400] =	vst v0  }
0x214: {  	[tilespmem:s18+$0x4410] =	vst v0  }
0x215: {  	s20 =	simm.s32 $0x0;
	s19 =	simm.s32 $0x2;
	[tilespmem:s18+$0x4420] =	vst v0  }
.LBB2_10:
0x216: {  	p0 =	sne.s32 s19, $0x1F;
	s20 =	smul.u32 $0x6000, s20;
	[tilespmem:s18+$0x4430] =	vst v0  }
0x217: {  	s17 =	sadd.s32 $0x80, s17;
	[tilespmem:s18+$0x4440] =	vst v0  }
0x218: {  	s21 =	sand.u32 $0x380, s17;
	s20 =	sshra.s32 s20, $0x2;
	[tilespmem:s18+$0x4450] =	vst v0  }
0x219: {  	[tilespmem:s18+$0x4460] =	vst v0;
	s18 =	sor.u32 s21, s20  }
0x21a: {  	[tilespmem:s18+$0x4470] =	vst v0  }
0x21b: {  	[tilespmem:s18+$0x3000] =	vst v0  }
0x21c: {  	[tilespmem:s18+$0x3010] =	vst v0  }
0x21d: {  	[tilespmem:s18+$0x3020] =	vst v0  }
0x21e: {  	[tilespmem:s18+$0x3030] =	vst v0  }
0x21f: {  	[tilespmem:s18+$0x3040] =	vst v0  }
0x220: {  	[tilespmem:s18+$0x3050] =	vst v0  }
0x221: {  	[tilespmem:s18+$0x3060] =	vst v0  }
0x222: {  	[tilespmem:s18+$0x3070] =	vst v0  }
0x223: {  	[tilespmem:s18+$0x3400] =	vst v0  }
0x224: {  	[tilespmem:s18+$0x3410] =	vst v0  }
0x225: {  	[tilespmem:s18+$0x3420] =	vst v0  }
0x226: {  	[tilespmem:s18+$0x3430] =	vst v0  }
0x227: {  	[tilespmem:s18+$0x3440] =	vst v0  }
0x228: {  	[tilespmem:s18+$0x3450] =	vst v0  }
0x229: {  	[tilespmem:s18+$0x3460] =	vst v0  }
0x22a: {  	[tilespmem:s18+$0x3470] =	vst v0  }
0x22b: {  	[tilespmem:s18+$0x3800] =	vst v0  }
0x22c: {  	[tilespmem:s18+$0x3810] =	vst v0  }
0x22d: {  	[tilespmem:s18+$0x3820] =	vst v0  }
0x22e: {  	[tilespmem:s18+$0x3830] =	vst v0  }
0x22f: {  	[tilespmem:s18+$0x3840] =	vst v0  }
0x230: {  	[tilespmem:s18+$0x3850] =	vst v0  }
0x231: {  	[tilespmem:s18+$0x3860] =	vst v0  }
0x232: {  	[tilespmem:s18+$0x3870] =	vst v0  }
0x233: {  	[tilespmem:s18+$0x3C00] =	vst v0  }
0x234: {  	[tilespmem:s18+$0x3C10] =	vst v0  }
0x235: {  	[tilespmem:s18+$0x3C20] =	vst v0  }
0x236: {  	[tilespmem:s18+$0x3C30] =	vst v0  }
0x237: {  	[tilespmem:s18+$0x3C40] =	vst v0  }
0x238: {  	[tilespmem:s18+$0x3C50] =	vst v0  }
0x239: {  	[tilespmem:s18+$0x3C60] =	vst v0  }
0x23a: {  	[tilespmem:s18+$0x3C70] =	vst v0  }
0x23b: {  	[tilespmem:s18+$0x4000] =	vst v0  }
0x23c: {  	[tilespmem:s18+$0x4010] =	vst v0  }
0x23d: {  	[tilespmem:s18+$0x4020] =	vst v0  }
0x23e: {  	[tilespmem:s18+$0x4030] =	vst v0  }
0x23f: {  	[tilespmem:s18+$0x4040] =	vst v0  }
0x240: {  	[tilespmem:s18+$0x4050] =	vst v0  }
.Ltmp4:
0x241: {  	[tilespmem:s18+$0x4060] =	vst v0;
	(pc) =	sbr.rel @p0 .LBB2_10-.Ltmp4, $4  }
0x242: {  	[tilespmem:s18+$0x4070] =	vst v0  }
0x243: {  	[tilespmem:s18+$0x4400] =	vst v0  }
0x244: {  	[tilespmem:s18+$0x4410] =	vst v0  }
0x245: {  	s20 =	sshrl.u32 s19, $0x3;
	s19 =	sadd.s32 $0x1, s19;
	[tilespmem:s18+$0x4420] =	vst v0  }
0x246: {  	s19 =	smul.u32 $0x6000, s20;
	[tilespmem:s18+$0x4430] =	vst v0  }
0x247: {  	[tilespmem:s18+$0x4440] =	vst v0;
	s17 =	sadd.s32 $0x80, s17  }
0x248: {  	[tilespmem:s18+$0x4450] =	vst v0;
	s17 =	sand.u32 $0x380, s17;
	s19 =	sshra.s32 s19, $0x2  }
0x249: {  	[tilespmem:s18+$0x4460] =	vst v0;
	s17 =	sor.u32 s17, s19  }
0x24a: {  	[tilespmem:s17+$0x4470] =	vst v0  }
0x24b: {  	[tilespmem:s17+$0x3000] =	vst v0  }
0x24c: {  	[tilespmem:s17+$0x3010] =	vst v0  }
0x24d: {  	[tilespmem:s17+$0x3020] =	vst v0  }
0x24e: {  	[tilespmem:s17+$0x3030] =	vst v0  }
0x24f: {  	[tilespmem:s17+$0x3040] =	vst v0  }
0x250: {  	[tilespmem:s17+$0x3050] =	vst v0  }
0x251: {  	[tilespmem:s17+$0x3060] =	vst v0  }
0x252: {  	[tilespmem:s17+$0x3070] =	vst v0  }
0x253: {  	[tilespmem:s17+$0x3400] =	vst v0  }
0x254: {  	[tilespmem:s17+$0x3410] =	vst v0  }
0x255: {  	[tilespmem:s17+$0x3420] =	vst v0  }
0x256: {  	[tilespmem:s17+$0x3430] =	vst v0  }
0x257: {  	[tilespmem:s17+$0x3440] =	vst v0  }
0x258: {  	[tilespmem:s17+$0x3450] =	vst v0  }
0x259: {  	[tilespmem:s17+$0x3460] =	vst v0  }
0x25a: {  	[tilespmem:s17+$0x3470] =	vst v0  }
0x25b: {  	[tilespmem:s17+$0x3800] =	vst v0  }
0x25c: {  	[tilespmem:s17+$0x3810] =	vst v0  }
0x25d: {  	[tilespmem:s17+$0x3820] =	vst v0  }
0x25e: {  	[tilespmem:s17+$0x3830] =	vst v0  }
0x25f: {  	[tilespmem:s17+$0x3840] =	vst v0  }
0x260: {  	[tilespmem:s17+$0x3850] =	vst v0  }
0x261: {  	[tilespmem:s17+$0x3860] =	vst v0  }
0x262: {  	[tilespmem:s17+$0x3870] =	vst v0  }
0x263: {  	[tilespmem:s17+$0x3C00] =	vst v0  }
0x264: {  	[tilespmem:s17+$0x3C10] =	vst v0  }
0x265: {  	[tilespmem:s17+$0x3C20] =	vst v0  }
0x266: {  	[tilespmem:s17+$0x3C30] =	vst v0  }
0x267: {  	[tilespmem:s17+$0x3C40] =	vst v0  }
0x268: {  	[tilespmem:s17+$0x3C50] =	vst v0  }
0x269: {  	[tilespmem:s17+$0x3C60] =	vst v0  }
0x26a: {  	[tilespmem:s17+$0x3C70] =	vst v0  }
0x26b: {  	[tilespmem:s17+$0x4000] =	vst v0  }
0x26c: {  	[tilespmem:s17+$0x4010] =	vst v0  }
0x26d: {  	[tilespmem:s17+$0x4020] =	vst v0  }
0x26e: {  	[tilespmem:s17+$0x4030] =	vst v0  }
0x26f: {  	[tilespmem:s17+$0x4040] =	vst v0  }
0x270: {  	[tilespmem:s17+$0x4050] =	vst v0  }
0x271: {  	[tilespmem:s17+$0x4060] =	vst v0  }
0x272: {  	[tilespmem:s17+$0x4070] =	vst v0  }
0x273: {  	[tilespmem:s17+$0x4400] =	vst v0  }
0x274: {  	[tilespmem:s17+$0x4410] =	vst v0  }
0x275: {  	[tilespmem:s17+$0x4420] =	vst v0  }
0x276: {  	[tilespmem:s17+$0x4430] =	vst v0  }
0x277: {  	[tilespmem:s17+$0x4440] =	vst v0  }
0x278: {  	[tilespmem:s17+$0x4450] =	vst v0  }
0x279: {  	s31 =	simm.s32 $0x0;
	[tilespmem:s17+$0x4460] =	vst v0  }
0x27a: {  	v6 =	vld [tilespmem:s31+$0x40];
	_ =	sdelay $0x4  }
0x27b: {  	v7 =	vshll.u32 v6, $0x3;
	v8 =	vadd.s32 $0xC0, v6;
	v9 =	vadd.s32 $0x240, v6  }
0x27c: {  	v6 =	vand.u32 $0x7F, v6;
	v7 =	vand.u32 $0xFFFFFC00, v7;
	v10 =	vshll.u32 v8, $0x3  }
0x27d: {  	v6 =	vor.u32 v6, v7;
	v7 =	vand.u32 $0x7F, v8;
	v8 =	vand.u32 $0xFFFFFC00, v10  }
0x27e: {  	v57 =	vld [tilespmem:s31+$0x2040];
	v11 =	vadd.s32 v1, v6;
	v7 =	vor.u32 v7, v8;
	v8 =	vshll.u32 v9, $0x3  }
0x27f: {  	v12 =	vld [tilespmem:s31+$0x1040];
	v9 =	vand.u32 $0x7F, v9;
	v7 =	vadd.s32 v1, v7;
	v8 =	vand.u32 $0xFFFFFC00, v8  }
0x280: {  	v6 =	vadd.s32 v3, v6;
	v8 =	vor.u32 v9, v8  }
0x281: {  	v8 =	vadd.s32 v1, v8;
	_ =	sdelay $0x1  }
0x282: {  	[tilespmem:v11+s14+$0x0] =	vst.idx.add.f32.msk $0xffff, v2  }
0x283: {  	[tilespmem:v7+s14+$0x0] =	vst.idx.add.f32.msk $0xffff, v12;
	v7 =	vmul.f32 v57, v12  }
0x284: {  	[tilespmem:v6+s14+$0x0] =	vst.idx.add.f32.msk $0xffff, v57  }
0x285: {  	[tilespmem:v8+s14+$0x0] =	vst.idx.add.f32.msk $0xffff, v7  }
0x286: {  	v6 =	vld [tilespmem:s31+$0x50];
	_ =	sdelay $0x4  }
0x287: {  	v7 =	vshll.u32 v6, $0x3;
	v8 =	vadd.s32 $0xC0, v6  }
0x288: {  	v58 =	vand.u32 $0x7F, v6;
	v7 =	vand.u32 $0xFFFFFC00, v7;
	v59 =	vshll.u32 v8, $0x3  }
0x289: {  	v8 =	vand.u32 $0x7F, v8;
	v7 =	vor.u32 v58, v7;
	v60 =	vand.u32 $0xFFFFFC00, v59  }
0x28a: {  	v6 =	vadd.s32 $0x240, v6;
	v61 =	vadd.s32 v4, v7;
	v8 =	vor.u32 v8, v60  }
0x28b: {  	v62 =	vld [tilespmem:s31+$0x1050];
	v63 =	vadd.s32 v5, v7;
	v7 =	vshll.u32 v6, $0x3;
	v8 =	vadd.s32 v4, v8  }
0x28c: {  	v11 =	vld [tilespmem:s31+$0x2050];
	v6 =	vand.u32 $0x7F, v6;
	v7 =	vand.u32 $0xFFFFFC00, v7  }
0x28d: {  	v6 =	vor.u32 v6, v7  }
0x28e: {  	v6 =	vadd.s32 v4, v6  }
0x28f: {  	[tilespmem:v61+s14+$0x0] =	vst.idx.add.f32.msk $0xffff, v2  }
0x290: {  	[tilespmem:v8+s14+$0x0] =	vst.idx.add.f32.msk $0xffff, v62  }
0x291: {  	s18 =	simm.s32 $0x400;
	s17 =	simm.s32 $0x200;
	v7 =	vmul.f32 v11, v62;
	[tilespmem:v63+s14+$0x0] =	vst.idx.add.f32.msk $0xffff, v11  }
.LBB2_12:
0x292: {  	p0 =	sne.s32 s18, $0x3E00  }
0x293: {  	s19 =	sshra.s32 s17, $0x2;
	[tilespmem:v6+s14+$0x0] =	vst.idx.add.f32.msk $0xffff, v7;
	s17 =	smov.u32 s18;
	s18 =	sadd.s32 $0x200, s18  }
0x294: {  	v6 =	vld [tilespmem:s19+$0x40];
	_ =	sdelay $0x4  }
0x295: {  	v7 =	vshll.u32 v6, $0x3;
	v8 =	vadd.s32 $0xC0, v6;
	v9 =	vadd.s32 $0x240, v6  }
0x296: {  	v6 =	vand.u32 $0x7F, v6;
	v7 =	vand.u32 $0xFFFFFC00, v7;
	v10 =	vshll.u32 v8, $0x3  }
0x297: {  	v6 =	vor.u32 v6, v7;
	v7 =	vand.u32 $0x7F, v8;
	v8 =	vand.u32 $0xFFFFFC00, v10  }
0x298: {  	v10 =	vld [tilespmem:s19+$0x2040];
	v11 =	vadd.s32 v1, v6;
	v7 =	vor.u32 v7, v8;
	v8 =	vshll.u32 v9, $0x3  }
0x299: {  	v9 =	vand.u32 $0x7F, v9;
	v12 =	vld [tilespmem:s19+$0x1040];
	v7 =	vadd.s32 v1, v7;
	v8 =	vand.u32 $0xFFFFFC00, v8  }
0x29a: {  	v6 =	vadd.s32 v3, v6;
	v8 =	vor.u32 v9, v8  }
0x29b: {  	v8 =	vadd.s32 v1, v8;
	_ =	sdelay $0x1  }
0x29c: {  	[tilespmem:v11+s14+$0x0] =	vst.idx.add.f32.msk $0xffff, v2  }
0x29d: {  	[tilespmem:v7+s14+$0x0] =	vst.idx.add.f32.msk $0xffff, v12;
	v7 =	vmul.f32 v10, v12  }
0x29e: {  	[tilespmem:v6+s14+$0x0] =	vst.idx.add.f32.msk $0xffff, v10  }
0x29f: {  	[tilespmem:v8+s14+$0x0] =	vst.idx.add.f32.msk $0xffff, v7  }
0x2a0: {  	v6 =	vld [tilespmem:s19+$0x50];
	_ =	sdelay $0x4  }
0x2a1: {  	v7 =	vshll.u32 v6, $0x3;
	v8 =	vadd.s32 $0xC0, v6;
	v9 =	vadd.s32 $0x240, v6  }
0x2a2: {  	v6 =	vand.u32 $0x7F, v6;
	v7 =	vand.u32 $0xFFFFFC00, v7;
	v10 =	vshll.u32 v8, $0x3  }
0x2a3: {  	v6 =	vor.u32 v6, v7;
	v7 =	vand.u32 $0x7F, v8;
	v8 =	vand.u32 $0xFFFFFC00, v10  }
0x2a4: {  	v10 =	vld [tilespmem:s19+$0x2050];
	v11 =	vadd.s32 v4, v6;
	v7 =	vor.u32 v7, v8;
	v8 =	vshll.u32 v9, $0x3  }
0x2a5: {  	v9 =	vand.u32 $0x7F, v9;
	v12 =	vld [tilespmem:s19+$0x1050];
	v7 =	vadd.s32 v4, v7;
	v8 =	vand.u32 $0xFFFFFC00, v8  }
0x2a6: {  	v13 =	vadd.s32 v5, v6;
	v6 =	vor.u32 v9, v8  }
.Ltmp5:
0x2a7: {  	v6 =	vadd.s32 v4, v6;
	(pc) =	sbr.rel @p0 .LBB2_12-.Ltmp5, $4  }
0x2a8: {  	_ = 	snop  }
0x2a9: {  	[tilespmem:v11+s14+$0x0] =	vst.idx.add.f32.msk $0xffff, v2  }
0x2aa: {  	[tilespmem:v7+s14+$0x0] =	vst.idx.add.f32.msk $0xffff, v12;
	v7 =	vmul.f32 v10, v12  }
0x2ab: {  	[tilespmem:v13+s14+$0x0] =	vst.idx.add.f32.msk $0xffff, v10  }
0x2ac: {  	_ =	sdelay $0x3  }
0x2ad: {  	s17 =	sshra.s32 s17, $0x2;
	[tilespmem:v6+s14+$0x0] =	vst.idx.add.f32.msk $0xffff, v7  }
0x2ae: {  	v6 =	vld [tilespmem:s17+$0x40];
	_ =	sdelay $0x4  }
0x2af: {  	v7 =	vshll.u32 v6, $0x3;
	v8 =	vadd.s32 $0xC0, v6;
	v9 =	vadd.s32 $0x240, v6  }
0x2b0: {  	v6 =	vand.u32 $0x7F, v6;
	v7 =	vand.u32 $0xFFFFFC00, v7;
	v10 =	vshll.u32 v8, $0x3  }
0x2b1: {  	v6 =	vor.u32 v6, v7;
	v7 =	vand.u32 $0x7F, v8;
	v53 =	vand.u32 $0xFFFFFC00, v10  }
0x2b2: {  	v54 =	vld [tilespmem:s17+$0x2040];
	v55 =	vshll.u32 v9, $0x3;
	v11 =	vadd.s32 v1, v6;
	v7 =	vor.u32 v7, v53  }
0x2b3: {  	v12 =	vld [tilespmem:s17+$0x1040];
	v9 =	vand.u32 $0x7F, v9;
	v8 =	vand.u32 $0xFFFFFC00, v55;
	v7 =	vadd.s32 v1, v7  }
0x2b4: {  	v6 =	vadd.s32 v3, v6;
	v8 =	vor.u32 v9, v8  }
0x2b5: {  	v8 =	vadd.s32 v1, v8;
	_ =	sdelay $0x1  }
0x2b6: {  	[tilespmem:v11+s14+$0x0] =	vst.idx.add.f32.msk $0xffff, v2  }
0x2b7: {  	[tilespmem:v7+s14+$0x0] =	vst.idx.add.f32.msk $0xffff, v12;
	v7 =	vmul.f32 v54, v12  }
0x2b8: {  	[tilespmem:v6+s14+$0x0] =	vst.idx.add.f32.msk $0xffff, v54  }
0x2b9: {  	[tilespmem:v8+s14+$0x0] =	vst.idx.add.f32.msk $0xffff, v7  }
0x2ba: {  	v6 =	vld [tilespmem:s17+$0x50];
	_ =	sdelay $0x4  }
0x2bb: {  	v7 =	vshll.u32 v6, $0x3;
	v56 =	vadd.s32 $0xC0, v6;
	v57 =	vadd.s32 $0x240, v6  }
0x2bc: {  	v6 =	vand.u32 $0x7F, v6;
	v7 =	vand.u32 $0xFFFFFC00, v7;
	v58 =	vshll.u32 v56, $0x3  }
0x2bd: {  	v6 =	vor.u32 v6, v7;
	v7 =	vand.u32 $0x7F, v56;
	v59 =	vand.u32 $0xFFFFFC00, v58  }
0x2be: {  	v60 =	vld [tilespmem:s17+$0x2050];
	v62 =	vshll.u32 v57, $0x3;
	v61 =	vadd.s32 v4, v6;
	v7 =	vor.u32 v7, v59  }
0x2bf: {  	v63 =	vld [tilespmem:s17+$0x1050];
	v9 =	vand.u32 $0x7F, v57;
	v8 =	vand.u32 $0xFFFFFC00, v62;
	v7 =	vadd.s32 v4, v7  }
0x2c0: {  	v6 =	vadd.s32 v5, v6;
	v8 =	vor.u32 v9, v8  }
0x2c1: {  	v8 =	vadd.s32 v4, v8;
	_ =	sdelay $0x1  }
0x2c2: {  	[tilespmem:v61+s14+$0x0] =	vst.idx.add.f32.msk $0xffff, v2  }
0x2c3: {  	[tilespmem:v7+s14+$0x0] =	vst.idx.add.f32.msk $0xffff, v63;
	v7 =	vmul.f32 v60, v63  }
0x2c4: {  	s18 =	simm.s32 $0x0;
	[tilespmem:v6+s14+$0x0] =	vst.idx.add.f32.msk $0xffff, v60  }
0x2c5: {  	s18 =	smul.u32 $0x6000, s18;
	s17 =	simm.s32 $0x0;
	[tilespmem:v8+s14+$0x0] =	vst.idx.add.f32.msk $0xffff, v7  }
0x2c6: {  	[hbm4b:s8+s17] =	stream.linear.scatter [tilespmem:s14], [sflag:$0x1], $0x6000, $0x38;
	[tilespmem:$0xF000] =	vst v63  }
0x2c7: {  	_ =	swait.ge [sflag:s13], $0x6000  }
0x2c8: {  	s18 =	sshra.s32 s18, $0x2;
	s19 =	sand.u32 $0x380, s17;
	[sflag:s13] =	ssyncset.done $0x0  }
0x2c9: {  	s18 =	sor.u32 s19, s18;
	[sflag:s13] =	ssyncadd.s32 $0xFFFFA000  }
0x2ca: {  	[tilespmem:s18+$0xA470] =	vst v0  }
0x2cb: {  	[tilespmem:s18+$0x9000] =	vst v0  }
0x2cc: {  	[tilespmem:s18+$0x9010] =	vst v0  }
0x2cd: {  	[tilespmem:s18+$0x9020] =	vst v0  }
0x2ce: {  	[tilespmem:s18+$0x9030] =	vst v0  }
0x2cf: {  	[tilespmem:s18+$0x9040] =	vst v0  }
0x2d0: {  	[tilespmem:s18+$0x9050] =	vst v0  }
0x2d1: {  	[tilespmem:s18+$0x9060] =	vst v0  }
0x2d2: {  	[tilespmem:s18+$0x9070] =	vst v0  }
0x2d3: {  	[tilespmem:s18+$0x9400] =	vst v0  }
0x2d4: {  	[tilespmem:s18+$0x9410] =	vst v0  }
0x2d5: {  	[tilespmem:s18+$0x9420] =	vst v0  }
0x2d6: {  	[tilespmem:s18+$0x9430] =	vst v0  }
0x2d7: {  	[tilespmem:s18+$0x9440] =	vst v0  }
0x2d8: {  	[tilespmem:s18+$0x9450] =	vst v0  }
0x2d9: {  	[tilespmem:s18+$0x9460] =	vst v0  }
0x2da: {  	[tilespmem:s18+$0x9470] =	vst v0  }
0x2db: {  	[tilespmem:s18+$0x9800] =	vst v0  }
0x2dc: {  	[tilespmem:s18+$0x9810] =	vst v0  }
0x2dd: {  	[tilespmem:s18+$0x9820] =	vst v0  }
0x2de: {  	[tilespmem:s18+$0x9830] =	vst v0  }
0x2df: {  	[tilespmem:s18+$0x9840] =	vst v0  }
0x2e0: {  	[tilespmem:s18+$0x9850] =	vst v0  }
0x2e1: {  	[tilespmem:s18+$0x9860] =	vst v0  }
0x2e2: {  	[tilespmem:s18+$0x9870] =	vst v0  }
0x2e3: {  	[tilespmem:s18+$0x9C00] =	vst v0  }
0x2e4: {  	[tilespmem:s18+$0x9C10] =	vst v0  }
0x2e5: {  	[tilespmem:s18+$0x9C20] =	vst v0  }
0x2e6: {  	[tilespmem:s18+$0x9C30] =	vst v0  }
0x2e7: {  	[tilespmem:s18+$0x9C40] =	vst v0  }
0x2e8: {  	[tilespmem:s18+$0x9C50] =	vst v0  }
0x2e9: {  	[tilespmem:s18+$0x9C60] =	vst v0  }
0x2ea: {  	[tilespmem:s18+$0x9C70] =	vst v0  }
0x2eb: {  	[tilespmem:s18+$0xA000] =	vst v0  }
0x2ec: {  	[tilespmem:s18+$0xA010] =	vst v0  }
0x2ed: {  	[tilespmem:s18+$0xA020] =	vst v0  }
0x2ee: {  	[tilespmem:s18+$0xA030] =	vst v0  }
0x2ef: {  	[tilespmem:s18+$0xA040] =	vst v0  }
0x2f0: {  	[tilespmem:s18+$0xA050] =	vst v0  }
0x2f1: {  	[tilespmem:s18+$0xA060] =	vst v0  }
0x2f2: {  	[tilespmem:s18+$0xA070] =	vst v0  }
0x2f3: {  	[tilespmem:s18+$0xA400] =	vst v0  }
0x2f4: {  	[tilespmem:s18+$0xA410] =	vst v0  }
0x2f5: {  	s20 =	simm.s32 $0x0;
	s19 =	simm.s32 $0x2;
	[tilespmem:s18+$0xA420] =	vst v0  }
.LBB2_14:
0x2f6: {  	p0 =	sne.s32 s19, $0x1F;
	s20 =	smul.u32 $0x6000, s20;
	[tilespmem:s18+$0xA430] =	vst v0  }
0x2f7: {  	s17 =	sadd.s32 $0x80, s17;
	[tilespmem:s18+$0xA440] =	vst v0  }
0x2f8: {  	s21 =	sand.u32 $0x380, s17;
	s20 =	sshra.s32 s20, $0x2;
	[tilespmem:s18+$0xA450] =	vst v0  }
0x2f9: {  	[tilespmem:s18+$0xA460] =	vst v0;
	s18 =	sor.u32 s21, s20  }
0x2fa: {  	[tilespmem:s18+$0xA470] =	vst v0  }
0x2fb: {  	[tilespmem:s18+$0x9000] =	vst v0  }
0x2fc: {  	[tilespmem:s18+$0x9010] =	vst v0  }
0x2fd: {  	[tilespmem:s18+$0x9020] =	vst v0  }
0x2fe: {  	[tilespmem:s18+$0x9030] =	vst v0  }
0x2ff: {  	[tilespmem:s18+$0x9040] =	vst v0  }
0x300: {  	[tilespmem:s18+$0x9050] =	vst v0  }
0x301: {  	[tilespmem:s18+$0x9060] =	vst v0  }
0x302: {  	[tilespmem:s18+$0x9070] =	vst v0  }
0x303: {  	[tilespmem:s18+$0x9400] =	vst v0  }
0x304: {  	[tilespmem:s18+$0x9410] =	vst v0  }
0x305: {  	[tilespmem:s18+$0x9420] =	vst v0  }
0x306: {  	[tilespmem:s18+$0x9430] =	vst v0  }
0x307: {  	[tilespmem:s18+$0x9440] =	vst v0  }
0x308: {  	[tilespmem:s18+$0x9450] =	vst v0  }
0x309: {  	[tilespmem:s18+$0x9460] =	vst v0  }
0x30a: {  	[tilespmem:s18+$0x9470] =	vst v0  }
0x30b: {  	[tilespmem:s18+$0x9800] =	vst v0  }
0x30c: {  	[tilespmem:s18+$0x9810] =	vst v0  }
0x30d: {  	[tilespmem:s18+$0x9820] =	vst v0  }
0x30e: {  	[tilespmem:s18+$0x9830] =	vst v0  }
0x30f: {  	[tilespmem:s18+$0x9840] =	vst v0  }
0x310: {  	[tilespmem:s18+$0x9850] =	vst v0  }
0x311: {  	[tilespmem:s18+$0x9860] =	vst v0  }
0x312: {  	[tilespmem:s18+$0x9870] =	vst v0  }
0x313: {  	[tilespmem:s18+$0x9C00] =	vst v0  }
0x314: {  	[tilespmem:s18+$0x9C10] =	vst v0  }
0x315: {  	[tilespmem:s18+$0x9C20] =	vst v0  }
0x316: {  	[tilespmem:s18+$0x9C30] =	vst v0  }
0x317: {  	[tilespmem:s18+$0x9C40] =	vst v0  }
0x318: {  	[tilespmem:s18+$0x9C50] =	vst v0  }
0x319: {  	[tilespmem:s18+$0x9C60] =	vst v0  }
0x31a: {  	[tilespmem:s18+$0x9C70] =	vst v0  }
0x31b: {  	[tilespmem:s18+$0xA000] =	vst v0  }
0x31c: {  	[tilespmem:s18+$0xA010] =	vst v0  }
0x31d: {  	[tilespmem:s18+$0xA020] =	vst v0  }
0x31e: {  	[tilespmem:s18+$0xA030] =	vst v0  }
0x31f: {  	[tilespmem:s18+$0xA040] =	vst v0  }
0x320: {  	[tilespmem:s18+$0xA050] =	vst v0  }
.Ltmp6:
0x321: {  	[tilespmem:s18+$0xA060] =	vst v0;
	(pc) =	sbr.rel @p0 .LBB2_14-.Ltmp6, $4  }
0x322: {  	[tilespmem:s18+$0xA070] =	vst v0  }
0x323: {  	[tilespmem:s18+$0xA400] =	vst v0  }
0x324: {  	[tilespmem:s18+$0xA410] =	vst v0  }
0x325: {  	s20 =	sshrl.u32 s19, $0x3;
	s19 =	sadd.s32 $0x1, s19;
	[tilespmem:s18+$0xA420] =	vst v0  }
0x326: {  	s19 =	smul.u32 $0x6000, s20;
	[tilespmem:s18+$0xA430] =	vst v0  }
0x327: {  	[tilespmem:s18+$0xA440] =	vst v0;
	s17 =	sadd.s32 $0x80, s17  }
0x328: {  	[tilespmem:s18+$0xA450] =	vst v0;
	s17 =	sand.u32 $0x380, s17;
	s19 =	sshra.s32 s19, $0x2  }
0x329: {  	[tilespmem:s18+$0xA460] =	vst v0;
	s17 =	sor.u32 s17, s19  }
0x32a: {  	[tilespmem:s17+$0xA470] =	vst v0  }
0x32b: {  	[tilespmem:s17+$0x9000] =	vst v0  }
0x32c: {  	[tilespmem:s17+$0x9010] =	vst v0  }
0x32d: {  	[tilespmem:s17+$0x9020] =	vst v0  }
0x32e: {  	[tilespmem:s17+$0x9030] =	vst v0  }
0x32f: {  	[tilespmem:s17+$0x9040] =	vst v0  }
0x330: {  	[tilespmem:s17+$0x9050] =	vst v0  }
0x331: {  	[tilespmem:s17+$0x9060] =	vst v0  }
0x332: {  	[tilespmem:s17+$0x9070] =	vst v0  }
0x333: {  	[tilespmem:s17+$0x9400] =	vst v0  }
0x334: {  	[tilespmem:s17+$0x9410] =	vst v0  }
0x335: {  	[tilespmem:s17+$0x9420] =	vst v0  }
0x336: {  	[tilespmem:s17+$0x9430] =	vst v0  }
0x337: {  	[tilespmem:s17+$0x9440] =	vst v0  }
0x338: {  	[tilespmem:s17+$0x9450] =	vst v0  }
0x339: {  	[tilespmem:s17+$0x9460] =	vst v0  }
0x33a: {  	[tilespmem:s17+$0x9470] =	vst v0  }
0x33b: {  	[tilespmem:s17+$0x9800] =	vst v0  }
0x33c: {  	[tilespmem:s17+$0x9810] =	vst v0  }
0x33d: {  	[tilespmem:s17+$0x9820] =	vst v0  }
0x33e: {  	[tilespmem:s17+$0x9830] =	vst v0  }
0x33f: {  	[tilespmem:s17+$0x9840] =	vst v0  }
0x340: {  	[tilespmem:s17+$0x9850] =	vst v0  }
0x341: {  	[tilespmem:s17+$0x9860] =	vst v0  }
0x342: {  	[tilespmem:s17+$0x9870] =	vst v0  }
0x343: {  	[tilespmem:s17+$0x9C00] =	vst v0  }
0x344: {  	[tilespmem:s17+$0x9C10] =	vst v0  }
0x345: {  	[tilespmem:s17+$0x9C20] =	vst v0  }
0x346: {  	[tilespmem:s17+$0x9C30] =	vst v0  }
0x347: {  	[tilespmem:s17+$0x9C40] =	vst v0  }
0x348: {  	[tilespmem:s17+$0x9C50] =	vst v0  }
0x349: {  	[tilespmem:s17+$0x9C60] =	vst v0  }
0x34a: {  	[tilespmem:s17+$0x9C70] =	vst v0  }
0x34b: {  	[tilespmem:s17+$0xA000] =	vst v0  }
0x34c: {  	[tilespmem:s17+$0xA010] =	vst v0  }
0x34d: {  	[tilespmem:s17+$0xA020] =	vst v0  }
0x34e: {  	[tilespmem:s17+$0xA030] =	vst v0  }
0x34f: {  	[tilespmem:s17+$0xA040] =	vst v0  }
0x350: {  	[tilespmem:s17+$0xA050] =	vst v0  }
0x351: {  	[tilespmem:s17+$0xA060] =	vst v0  }
0x352: {  	[tilespmem:s17+$0xA070] =	vst v0  }
0x353: {  	[tilespmem:s17+$0xA400] =	vst v0  }
0x354: {  	[tilespmem:s17+$0xA410] =	vst v0  }
0x355: {  	[tilespmem:s17+$0xA420] =	vst v0  }
0x356: {  	[tilespmem:s17+$0xA430] =	vst v0  }
0x357: {  	[tilespmem:s17+$0xA440] =	vst v0  }
0x358: {  	[tilespmem:s17+$0xA450] =	vst v0  }
0x359: {  	s31 =	simm.s32 $0x0;
	[tilespmem:s17+$0xA460] =	vst v0  }
0x35a: {  	v6 =	vld [tilespmem:s31+$0x60];
	_ =	sdelay $0x4  }
0x35b: {  	v7 =	vshll.u32 v6, $0x3;
	v8 =	vadd.s32 $0xC0, v6;
	v9 =	vadd.s32 $0x240, v6  }
0x35c: {  	v6 =	vand.u32 $0x7F, v6;
	v7 =	vand.u32 $0xFFFFFC00, v7;
	v10 =	vshll.u32 v8, $0x3  }
0x35d: {  	v6 =	vor.u32 v6, v7;
	v7 =	vand.u32 $0x7F, v8;
	v8 =	vand.u32 $0xFFFFFC00, v10  }
0x35e: {  	v57 =	vld [tilespmem:s31+$0x2060];
	v11 =	vadd.s32 v1, v6;
	v7 =	vor.u32 v7, v8;
	v8 =	vshll.u32 v9, $0x3  }
0x35f: {  	v12 =	vld [tilespmem:s31+$0x1060];
	v9 =	vand.u32 $0x7F, v9;
	v7 =	vadd.s32 v1, v7;
	v8 =	vand.u32 $0xFFFFFC00, v8  }
0x360: {  	v6 =	vadd.s32 v3, v6;
	v8 =	vor.u32 v9, v8  }
0x361: {  	v8 =	vadd.s32 v1, v8;
	_ =	sdelay $0x1  }
0x362: {  	[tilespmem:v11+s15+$0x0] =	vst.idx.add.f32.msk $0xffff, v2  }
0x363: {  	[tilespmem:v7+s15+$0x0] =	vst.idx.add.f32.msk $0xffff, v12;
	v7 =	vmul.f32 v57, v12  }
0x364: {  	[tilespmem:v6+s15+$0x0] =	vst.idx.add.f32.msk $0xffff, v57  }
0x365: {  	[tilespmem:v8+s15+$0x0] =	vst.idx.add.f32.msk $0xffff, v7  }
0x366: {  	v6 =	vld [tilespmem:s31+$0x70];
	_ =	sdelay $0x4  }
0x367: {  	v7 =	vshll.u32 v6, $0x3;
	v8 =	vadd.s32 $0xC0, v6  }
0x368: {  	v58 =	vand.u32 $0x7F, v6;
	v7 =	vand.u32 $0xFFFFFC00, v7;
	v59 =	vshll.u32 v8, $0x3  }
0x369: {  	v8 =	vand.u32 $0x7F, v8;
	v7 =	vor.u32 v58, v7;
	v60 =	vand.u32 $0xFFFFFC00, v59  }
0x36a: {  	v6 =	vadd.s32 $0x240, v6;
	v61 =	vadd.s32 v4, v7;
	v8 =	vor.u32 v8, v60  }
0x36b: {  	v62 =	vld [tilespmem:s31+$0x1070];
	v63 =	vadd.s32 v5, v7;
	v7 =	vshll.u32 v6, $0x3;
	v8 =	vadd.s32 v4, v8  }
0x36c: {  	v11 =	vld [tilespmem:s31+$0x2070];
	v6 =	vand.u32 $0x7F, v6;
	v7 =	vand.u32 $0xFFFFFC00, v7  }
0x36d: {  	v6 =	vor.u32 v6, v7  }
0x36e: {  	v6 =	vadd.s32 v4, v6  }
0x36f: {  	[tilespmem:v61+s15+$0x0] =	vst.idx.add.f32.msk $0xffff, v2  }
0x370: {  	[tilespmem:v8+s15+$0x0] =	vst.idx.add.f32.msk $0xffff, v62  }
0x371: {  	s18 =	simm.s32 $0x400;
	s17 =	simm.s32 $0x200;
	v7 =	vmul.f32 v11, v62;
	[tilespmem:v63+s15+$0x0] =	vst.idx.add.f32.msk $0xffff, v11  }
.LBB2_16:
0x372: {  	p0 =	sne.s32 s18, $0x3E00  }
0x373: {  	s19 =	sshra.s32 s17, $0x2;
	[tilespmem:v6+s15+$0x0] =	vst.idx.add.f32.msk $0xffff, v7;
	s17 =	smov.u32 s18;
	s18 =	sadd.s32 $0x200, s18  }
0x374: {  	v6 =	vld [tilespmem:s19+$0x60];
	_ =	sdelay $0x4  }
0x375: {  	v7 =	vshll.u32 v6, $0x3;
	v8 =	vadd.s32 $0xC0, v6;
	v9 =	vadd.s32 $0x240, v6  }
0x376: {  	v6 =	vand.u32 $0x7F, v6;
	v7 =	vand.u32 $0xFFFFFC00, v7;
	v10 =	vshll.u32 v8, $0x3  }
0x377: {  	v6 =	vor.u32 v6, v7;
	v7 =	vand.u32 $0x7F, v8;
	v8 =	vand.u32 $0xFFFFFC00, v10  }
0x378: {  	v10 =	vld [tilespmem:s19+$0x2060];
	v11 =	vadd.s32 v1, v6;
	v7 =	vor.u32 v7, v8;
	v8 =	vshll.u32 v9, $0x3  }
0x379: {  	v9 =	vand.u32 $0x7F, v9;
	v12 =	vld [tilespmem:s19+$0x1060];
	v7 =	vadd.s32 v1, v7;
	v8 =	vand.u32 $0xFFFFFC00, v8  }
0x37a: {  	v6 =	vadd.s32 v3, v6;
	v8 =	vor.u32 v9, v8  }
0x37b: {  	v8 =	vadd.s32 v1, v8;
	_ =	sdelay $0x1  }
0x37c: {  	[tilespmem:v11+s15+$0x0] =	vst.idx.add.f32.msk $0xffff, v2  }
0x37d: {  	[tilespmem:v7+s15+$0x0] =	vst.idx.add.f32.msk $0xffff, v12;
	v7 =	vmul.f32 v10, v12  }
0x37e: {  	[tilespmem:v6+s15+$0x0] =	vst.idx.add.f32.msk $0xffff, v10  }
0x37f: {  	[tilespmem:v8+s15+$0x0] =	vst.idx.add.f32.msk $0xffff, v7  }
0x380: {  	v6 =	vld [tilespmem:s19+$0x70];
	_ =	sdelay $0x4  }
0x381: {  	v7 =	vshll.u32 v6, $0x3;
	v8 =	vadd.s32 $0xC0, v6;
	v9 =	vadd.s32 $0x240, v6  }
0x382: {  	v6 =	vand.u32 $0x7F, v6;
	v7 =	vand.u32 $0xFFFFFC00, v7;
	v10 =	vshll.u32 v8, $0x3  }
0x383: {  	v6 =	vor.u32 v6, v7;
	v7 =	vand.u32 $0x7F, v8;
	v8 =	vand.u32 $0xFFFFFC00, v10  }
0x384: {  	v10 =	vld [tilespmem:s19+$0x2070];
	v11 =	vadd.s32 v4, v6;
	v7 =	vor.u32 v7, v8;
	v8 =	vshll.u32 v9, $0x3  }
0x385: {  	v9 =	vand.u32 $0x7F, v9;
	v12 =	vld [tilespmem:s19+$0x1070];
	v7 =	vadd.s32 v4, v7;
	v8 =	vand.u32 $0xFFFFFC00, v8  }
0x386: {  	v13 =	vadd.s32 v5, v6;
	v6 =	vor.u32 v9, v8  }
.Ltmp7:
0x387: {  	v6 =	vadd.s32 v4, v6;
	(pc) =	sbr.rel @p0 .LBB2_16-.Ltmp7, $4  }
0x388: {  	_ = 	snop  }
0x389: {  	[tilespmem:v11+s15+$0x0] =	vst.idx.add.f32.msk $0xffff, v2  }
0x38a: {  	[tilespmem:v7+s15+$0x0] =	vst.idx.add.f32.msk $0xffff, v12;
	v7 =	vmul.f32 v10, v12  }
0x38b: {  	[tilespmem:v13+s15+$0x0] =	vst.idx.add.f32.msk $0xffff, v10  }
0x38c: {  	_ =	sdelay $0x3  }
0x38d: {  	s17 =	sshra.s32 s17, $0x2;
	[tilespmem:v6+s15+$0x0] =	vst.idx.add.f32.msk $0xffff, v7  }
0x38e: {  	v6 =	vld [tilespmem:s17+$0x60];
	_ =	sdelay $0x4  }
0x38f: {  	v7 =	vshll.u32 v6, $0x3;
	v8 =	vadd.s32 $0xC0, v6;
	v9 =	vadd.s32 $0x240, v6  }
0x390: {  	v6 =	vand.u32 $0x7F, v6;
	v7 =	vand.u32 $0xFFFFFC00, v7;
	v10 =	vshll.u32 v8, $0x3  }
0x391: {  	v6 =	vor.u32 v6, v7;
	v7 =	vand.u32 $0x7F, v8;
	v53 =	vand.u32 $0xFFFFFC00, v10  }
0x392: {  	v54 =	vld [tilespmem:s17+$0x2060];
	v55 =	vshll.u32 v9, $0x3;
	v11 =	vadd.s32 v1, v6;
	v7 =	vor.u32 v7, v53  }
0x393: {  	v12 =	vld [tilespmem:s17+$0x1060];
	v9 =	vand.u32 $0x7F, v9;
	v8 =	vand.u32 $0xFFFFFC00, v55;
	v7 =	vadd.s32 v1, v7  }
0x394: {  	v6 =	vadd.s32 v3, v6;
	v8 =	vor.u32 v9, v8  }
0x395: {  	v8 =	vadd.s32 v1, v8;
	_ =	sdelay $0x1  }
0x396: {  	[tilespmem:v11+s15+$0x0] =	vst.idx.add.f32.msk $0xffff, v2  }
0x397: {  	[tilespmem:v7+s15+$0x0] =	vst.idx.add.f32.msk $0xffff, v12;
	v7 =	vmul.f32 v54, v12  }
0x398: {  	[tilespmem:v6+s15+$0x0] =	vst.idx.add.f32.msk $0xffff, v54  }
0x399: {  	[tilespmem:v8+s15+$0x0] =	vst.idx.add.f32.msk $0xffff, v7  }
0x39a: {  	v6 =	vld [tilespmem:s17+$0x70];
	_ =	sdelay $0x4  }
0x39b: {  	v7 =	vshll.u32 v6, $0x3;
	v56 =	vadd.s32 $0xC0, v6;
	v57 =	vadd.s32 $0x240, v6  }
0x39c: {  	v6 =	vand.u32 $0x7F, v6;
	v7 =	vand.u32 $0xFFFFFC00, v7;
	v58 =	vshll.u32 v56, $0x3  }
0x39d: {  	v6 =	vor.u32 v6, v7;
	v7 =	vand.u32 $0x7F, v56;
	v59 =	vand.u32 $0xFFFFFC00, v58  }
0x39e: {  	v60 =	vld [tilespmem:s17+$0x2070];
	v62 =	vshll.u32 v57, $0x3;
	v61 =	vadd.s32 v4, v6;
	v7 =	vor.u32 v7, v59  }
0x39f: {  	v63 =	vld [tilespmem:s17+$0x1070];
	v9 =	vand.u32 $0x7F, v57;
	v8 =	vand.u32 $0xFFFFFC00, v62;
	v7 =	vadd.s32 v4, v7  }
0x3a0: {  	v6 =	vadd.s32 v5, v6;
	v8 =	vor.u32 v9, v8  }
0x3a1: {  	v8 =	vadd.s32 v4, v8;
	_ =	sdelay $0x1  }
0x3a2: {  	[tilespmem:v61+s15+$0x0] =	vst.idx.add.f32.msk $0xffff, v2  }
0x3a3: {  	[tilespmem:v7+s15+$0x0] =	vst.idx.add.f32.msk $0xffff, v63;
	v7 =	vmul.f32 v60, v63  }
0x3a4: {  	[tilespmem:v6+s15+$0x0] =	vst.idx.add.f32.msk $0xffff, v60  }
0x3a5: {  	s16 =	sadd.s32 $0x1, s16;
	[tilespmem:v8+s15+$0x0] =	vst.idx.add.f32.msk $0xffff, v7  }
0x3a6: {  	[hbm4b:s9+s2] =	stream.linear.scatter [tilespmem:s15], [sflag:$0x1], $0x6000, $0x38;
	[tilespmem:$0xF000] =	vst v63  }
0x3a7: {  	p0 =	sne.s32 s16, s10;
	_ =	swait.ge [sflag:s13], $0x6000  }
.Ltmp8:
0x3a8: {  	[sflag:s13] =	ssyncset.done $0x0;
	(pc) =	sbr.rel @p0 .LBB2_1-.Ltmp8, $4  }
0x3a9: {  	[sflag:s13] =	ssyncadd.s32 $0xFFFFA000  }
0x3aa: {  	_ =	swait.ge [sflag:s13], $0x6000  }
0x3ab: {  	[sflag:s13] =	ssyncset.done $0x0  }
0x3ac: {  	[sflag:s13] =	ssyncadd.s32 $0xFFFFA000  }
0x3ad: {  	_ =	sfence.sel $0x180000  }
0x3ae: {  	[bflag:$0x0] =	sbarrier.arrive $0xFFFF  }
0x3af: {  	p0 =	sne.s32 s1, $0x0;
	_ =	strace $0x90000047  }
0x3b0: {  	s0 =	sadd.s32 @!p0 $0x100000, s0;
	[bflag:$0x2] =	sbarrier.arrive $0xFFFF  }
0x3b1: {  	[sflag:s0] =	ssyncadd.tile.s32 @!p0 $0x1;
	_ =	shalt  }
.Lfunc_end2:
_tile_overlayer_lowered:
.L_overlay_start_2:
0x3b2: {  	(tag) =	ssettag $0x2  }
0x3b3: {  	s0 =	rddreg [dreg:$0x0];
	s2 =	stileid.u32  }
0x3b4: {  	s1 =	rddreg [dreg:$0x1];
	p0 =	sne.s32 s2, $0x0  }
0x3b5: {  	s3 =	rddreg [dreg:$0x2];
	[bflag:$0x3] =	sbarrier.arrive $0xFFFF;
	s2 =	simm.s32 @!p0 $0x1C02  }
0x3b6: {  	[timem:s3], [sflag:s2] =	dma.local @!p0 [hbm:s0], s1  }
0x3b7: {  	s0 =	simm.s32 @!p0 $0x2  }
0x3b8: {  	_ =	swait.ge @!p0 [sflag:s0], s1  }
0x3b9: {  	s1 =	ssub.s32 @!p0 $0x0, s1;
	[sflag:s0] =	ssyncset.done @!p0 $0x0  }
0x3ba: {  	[sflag:s0] =	ssyncadd.s32 @!p0 s1  }
0x3bb: {  	[bflag:$0x3] =	sbarrier.arrive $0xFFFF  }
0x3bc: {  	_ =	shalt  }

</sc_bundles>
